<compile_context>
chip_gen: v7x
topology: tpu7x:2x2x1
jax: 0.10.2.dev20260603
libtpu: 0.0.44.dev20260713+nightly
codegen_flags: <defaults>
</compile_context>

<pallas_src>
import jax
import jax.numpy as jnp
from jax import lax
from jax.experimental import pallas as pl
from jax.experimental.pallas import tpu as pltpu
from jax.experimental.pallas import tpu_sc as plsc

N = 10000
D = 128
R = 3
HD = D // 2
NS = 16
CH = 128
NCH = 160
EP = NS * CH * NCH
NB8 = 8
AROWS = 30016
STRIPE = AROWS // NS
CNTN = 30016
CS = 1872


def _sc_agg():
  mesh = plsc.VectorSubcoreMesh(core_axis_name="c", subcore_axis_name="s",
                                num_cores=2, num_subcores=NS)
  out_type = (jax.ShapeDtypeStruct((AROWS, D), jnp.float32),)
  scratch = (
      pltpu.VMEM((CH,), jnp.int32),
      pltpu.VMEM((CH,), jnp.int32),
      pltpu.VMEM((CH,), jnp.int32),
      pltpu.VMEM((CH,), jnp.int32),
      pltpu.VMEM((CH,), jnp.int32),
      pltpu.VMEM((CH, HD), jnp.float32),
      pltpu.VMEM_SHARED((AROWS, HD), jnp.float32),
      pltpu.SemaphoreType.DMA,
  )

  def body(h2, src, dst, typ, sums, sbuf, dbuf, tbuf, idxg, idxs, rows, acc,
           sem):
    cid = lax.axis_index("c")
    sid = lax.axis_index("s")
    zero16 = jnp.zeros((16,), jnp.float32)

    def zrow_loop(i, c):
      def zcol_loop(j, c2):
        rows[i, pl.ds(j * 16, 16)] = zero16
        return c2
      return lax.fori_loop(0, HD // 16, zcol_loop, c)

    lax.fori_loop(0, CH, zrow_loop, 0)
    for k in range(STRIPE // CH):
      pltpu.sync_copy(rows, acc.at[pl.ds(sid * STRIPE + k * CH, CH), :])
    rem = STRIPE % CH
    if rem:
      pltpu.sync_copy(rows.at[pl.ds(0, rem), :],
                      acc.at[pl.ds(sid * STRIPE + (STRIPE // CH) * CH, rem), :])

    plsc.subcore_barrier()

    ebase = sid * (NCH * CH)

    def chunk(i, carry):
      off = ebase + i * CH
      pltpu.sync_copy(src.at[pl.ds(off, CH)], sbuf)
      pltpu.sync_copy(dst.at[pl.ds(off, CH)], dbuf)
      pltpu.sync_copy(typ.at[pl.ds(off, CH)], tbuf)

      def sub(j, c):
        sl = pl.ds(j * 16, 16)
        idxg[sl] = sbuf[sl] * 2 + cid
        idxs[sl] = tbuf[sl] * N + dbuf[sl]
        return c

      lax.fori_loop(0, CH // 16, sub, 0)
      pltpu.async_copy(h2.at[idxg], rows, sem).wait()
      pltpu.sync_copy(rows, acc.at[idxs], add=True)
      return carry

    lax.fori_loop(0, NCH, chunk, 0)
    plsc.subcore_barrier()

    pltpu.sync_copy(acc.at[pl.ds(sid * STRIPE, STRIPE), :],
                    sums.at[pl.ds(sid * STRIPE, STRIPE), pl.ds(cid * HD, HD)])

  return pl.kernel(body, out_type=out_type, mesh=mesh,
                   scratch_types=scratch,
                   compiler_params=pltpu.CompilerParams(
                       use_tc_tiling_on_sc=False))


def _sc_cnt():
  mesh = plsc.VectorSubcoreMesh(core_axis_name="c", subcore_axis_name="s",
                                num_cores=2, num_subcores=NS)
  out_type = (jax.ShapeDtypeStruct((CNTN,), jnp.float32),)
  scratch = (
      pltpu.VMEM((NB8 * CH,), jnp.int32),
      pltpu.VMEM((NB8 * CH,), jnp.int32),
      pltpu.VMEM((NB8, CH), jnp.int32),
      pltpu.VMEM((CH,), jnp.float32),
      pltpu.VMEM((CS + 16,), jnp.float32),
      pltpu.VMEM_SHARED((CNTN,), jnp.float32),
  )

  def body(dst, typ, cnt_out, dbuf, tbuf, idxs, ones_v, zcol, acccnt):
    cid = lax.axis_index("c")
    sid = lax.axis_index("s")
    zero16 = jnp.zeros((16,), jnp.float32)

    def ofill(j, c):
      ones_v[pl.ds(j * 16, 16)] = jnp.ones((16,), jnp.float32)
      return c

    lax.fori_loop(0, CH // 16, ofill, 0)

    def zfill(j, c):
      zcol[pl.ds(j * 16, 16)] = zero16
      return c

    lax.fori_loop(0, (CS + 16) // 16, zfill, 0)
    pltpu.sync_copy(zcol.at[pl.ds(0, CS)], acccnt.at[pl.ds(sid * CS, CS)])

    @pl.when(sid == 0)
    def _():
      pltpu.sync_copy(zcol.at[pl.ds(0, CNTN - NS * CS)],
                      acccnt.at[pl.ds(NS * CS, CNTN - NS * CS)])

    plsc.subcore_barrier()

    @pl.when(cid == 0)
    def _():
      ebase = sid * (NCH * CH)

      def batch(k, carry):
        off = ebase + k * (NB8 * CH)
        pltpu.sync_copy(dst.at[pl.ds(off, NB8 * CH)], dbuf)
        pltpu.sync_copy(typ.at[pl.ds(off, NB8 * CH)], tbuf)

        def sub(j, c):
          sl = pl.ds(j * 16, 16)
          idxs[j // (CH // 16), pl.ds((j % (CH // 16)) * 16, 16)] = (
              tbuf[sl] * N + dbuf[sl])
          return c

        lax.fori_loop(0, (NB8 * CH) // 16, sub, 0)

        def chunk(ii, c):
          pltpu.sync_copy(ones_v, acccnt.at[idxs.at[ii]], add=True)
          return c

        lax.fori_loop(0, NB8, chunk, 0)
        return carry

      lax.fori_loop(0, NCH // NB8, batch, 0)

    plsc.subcore_barrier()

    @pl.when(cid == 0)
    def _():
      pltpu.sync_copy(acccnt.at[pl.ds(sid * CS, CS)],
                      cnt_out.at[pl.ds(sid * CS, CS)])

    @pl.when(jnp.logical_and(cid == 0, sid == 0))
    def _():
      pltpu.sync_copy(acccnt.at[pl.ds(NS * CS, CNTN - NS * CS)],
                      cnt_out.at[pl.ds(NS * CS, CNTN - NS * CS)])

  return pl.kernel(body, out_type=out_type, mesh=mesh,
                   scratch_types=scratch,
                   compiler_params=pltpu.CompilerParams(
                       use_tc_tiling_on_sc=False))


def _ln(h, g, b, eps=1e-5):
  mu = jnp.mean(h, axis=-1, keepdims=True)
  d = h - mu
  var = jnp.mean(d * d, axis=-1, keepdims=True)
  return d * lax.rsqrt(var + eps) * g + b


BR = 400


def _tc_layer(leaky, double_ln):

  def body(*args):
    if double_ln:
      (x_ref, s0_ref, s1_ref, s2_ref, cnt_ref, w_ref, root_ref, b_ref,
       g_ref, be_ref, g2_ref, be2_ref, o_ref) = args
    else:
      (x_ref, s0_ref, s1_ref, s2_ref, cnt_ref, w_ref, root_ref, b_ref,
       g_ref, be_ref, o_ref) = args

    x = x_ref[...]
    acc = jnp.dot(x, root_ref[...], precision=lax.Precision.HIGHEST,
                  preferred_element_type=jnp.float32) + b_ref[...][None, :]
    inv = 1.0 / jnp.maximum(cnt_ref[...], 1.0)
    for r, s_ref in enumerate((s0_ref, s1_ref, s2_ref)):
      mean_r = s_ref[...] * inv[:, r][:, None]
      acc = acc + jnp.dot(mean_r, w_ref[r], precision=lax.Precision.HIGHEST,
                          preferred_element_type=jnp.float32)
    h = _ln(acc, g_ref[...], be_ref[...])
    if leaky:
      h = jnp.where(h > 0, h, 0.2 * h)
    if double_ln:
      h = _ln(h, g2_ref[...], be2_ref[...])
    o_ref[...] = h

  grid = (N // BR,)
  nblk = N // BR
  vec = pl.BlockSpec((D,), lambda i: (0,))
  in_specs = [
      pl.BlockSpec((BR, D), lambda i: (i, 0)),
      pl.BlockSpec((BR, D), lambda i: (i, 0)),
      pl.BlockSpec((BR, D), lambda i: (i + nblk, 0)),
      pl.BlockSpec((BR, D), lambda i: (i + 2 * nblk, 0)),
      pl.BlockSpec((BR, R), lambda i: (i, 0)),
      pl.BlockSpec((R, D, D), lambda i: (0, 0, 0)),
      pl.BlockSpec((D, D), lambda i: (0, 0)),
      vec, vec, vec,
  ]
  if double_ln:
    in_specs += [vec, vec]
  return pl.pallas_call(
      body,
      grid=grid,
      in_specs=in_specs,
      out_specs=pl.BlockSpec((BR, D), lambda i: (i, 0)),
      out_shape=jax.ShapeDtypeStruct((N, D), jnp.float32),
  )


def kernel(x, edge_index, edge_type, w0, root0, b0, g0, be0,
           w1, root1, b1, g1, be1, gon, bon):
  E = edge_index.shape[1]
  pad = EP - E
  src = jnp.concatenate(
      [edge_index[0].astype(jnp.int32), jnp.zeros((pad,), jnp.int32)])
  dst = jnp.concatenate(
      [edge_index[1].astype(jnp.int32), jnp.zeros((pad,), jnp.int32)])
  typ = jnp.concatenate(
      [edge_type.astype(jnp.int32), jnp.full((pad,), R, jnp.int32)])

  agg = _sc_agg()
  cntk = _sc_cnt()
  tc0 = _tc_layer(leaky=True, double_ln=False)
  tc1 = _tc_layer(leaky=False, double_ln=True)

  (cnt,) = cntk(dst, typ)
  (sums0,) = agg(x.reshape(2 * N, HD), src, dst, typ)
  cnt_t = cnt[:R * N].reshape(R, N).T

  h1 = tc0(x, sums0, sums0, sums0, cnt_t, w0, root0, b0, g0, be0)

  (sums1,) = agg(h1.reshape(2 * N, HD), src, dst, typ)

  return tc1(h1, sums1, sums1, sums1, cnt_t, w1, root1, b1, g1, be1, gon, bon)

# --- scband reference (transcript-rebuilt; emitter-appended) ---
"""Pipeline reference for scband-graph-encoder-14439680049660 (READ-ONLY COPY).

The authoritative reference and input builder live on the scoring server;
editing this copy changes nothing except your own understanding.
"""

import jax, jax.numpy as jnp
import numpy as np

N_NODES = 10000
N_EDGES = 320000
D = 128
R = 3


def layer_norm(h, g, b, eps=1e-5):
    mu = jnp.mean(h, axis=-1, keepdims=True)
    var = jnp.var(h, axis=-1, keepdims=True)
    return (h - mu) / jnp.sqrt(var + eps) * g + b


def rgcn_conv(x, edge_index, edge_type, w, root, bias, num_nodes, num_relations):
    # PyG RGCNConv semantics (no basis decomposition, aggr='mean'):
    # out = sum_r mean_aggr_r(x[src]) @ W_r + x @ root + bias
    src = edge_index[0]
    dst = edge_index[1]
    out = x @ root + bias
    x_src = x[src]  # gather [E, in]
    for r in range(num_relations):
        mask = (edge_type == r).astype(x.dtype)
        msg = x_src * mask[:, None]
        summed = jax.ops.segment_sum(msg, dst, num_segments=num_nodes)
        cnt = jax.ops.segment_sum(mask, dst, num_segments=num_nodes)
        mean = summed / jnp.clip(cnt, 1.0, None)[:, None]
        out = out + mean @ w[r]
    return out


def setup_inputs(seed: int = 0) -> dict:
    key = jax.random.key(seed)
    ks = jax.random.split(key, 12)
    x = jax.random.normal(ks[0], (N_NODES, D), dtype=jnp.float32)
    edge_index = jax.random.randint(ks[1], (2, N_EDGES), 0, N_NODES, dtype=jnp.int64)
    edge_type = jax.random.randint(ks[2], (N_EDGES,), 0, R, dtype=jnp.int64)
    s = 0.05
    inp = {
        "x": x,
        "edge_index": edge_index,
        "edge_type": edge_type,
        "w0": jax.random.normal(ks[3], (R, D, D), dtype=jnp.float32) * s,
        "root0": jax.random.normal(ks[4], (D, D), dtype=jnp.float32) * s,
        "b0": jnp.zeros((D,), dtype=jnp.float32),
        "g0": jnp.ones((D,), dtype=jnp.float32),
        "be0": jnp.zeros((D,), dtype=jnp.float32),
        "w1": jax.random.normal(ks[5], (R, D, D), dtype=jnp.float32) * s,
        "root1": jax.random.normal(ks[6], (D, D), dtype=jnp.float32) * s,
        "b1": jnp.zeros((D,), dtype=jnp.float32),
        "g1": jnp.ones((D,), dtype=jnp.float32),
        "be1": jnp.zeros((D,), dtype=jnp.float32),
        "gon": jnp.ones((D,), dtype=jnp.float32),
        "bon": jnp.zeros((D,), dtype=jnp.float32),
    }
    return inp


def reference(x, edge_index, edge_type, w0, root0, b0, g0, be0, w1, root1, b1, g1, be1, gon, bon):
    num_nodes = x.shape[0]
    # layer 0
    h = rgcn_conv(x, edge_index, edge_type, w0, root0, b0, num_nodes, R)
    h = layer_norm(h, g0, be0)
    h = jnp.where(h > 0, h, 0.2 * h)  # leaky_relu(0.2)
    # dropout in eval mode: identity
    # layer 1 (last layer: no activation/dropout)
    h = rgcn_conv(h, edge_index, edge_type, w1, root1, b1, num_nodes, R)
    h = layer_norm(h, g1, be1)
    # output_projection is Identity (hidden_dim == output_dim)
    h = layer_norm(h, gon, bon)
    return h

if __name__ == "__main__":
    import jax
    _d = setup_inputs()
    print(jax.jit(kernel)(*tuple(_d.values())))

</pallas_src>

<mosaic_0001>
#map = affine_map<(d0, d1) -> (0)>
module attributes {stable_mosaic.version = 14 : i64} {
  func.func @body(%arg0: i32, %arg1: i32, %arg2: memref<327680xi32, #tpu.memory_space<hbm>>, %arg3: memref<327680xi32, #tpu.memory_space<hbm>>, %arg4: memref<30016xf32, #tpu.memory_space<hbm>>, %arg5: memref<1024xi32, #tpu.memory_space<vmem>>, %arg6: memref<1024xi32, #tpu.memory_space<vmem>>, %arg7: memref<8x128xi32, #tpu.memory_space<vmem>>, %arg8: memref<128xf32, #tpu.memory_space<vmem>>, %arg9: memref<1888xf32, #tpu.memory_space<vmem>>, %arg10: memref<30016xf32, #tpu.memory_space<vmem_shared>>) attributes {dimension_semantics = [#tpu.dimension_semantics<core_parallel>, #tpu.dimension_semantics<subcore_parallel>], iteration_bounds = array<i64: 2, 16>, scalar_prefetch = 0 : i64, scratch_operands = 6 : i64, tpu.core_type = #tpu.core_type<sc_vector_subcore>, window_params = [{transform_indices = #map}, {transform_indices = #map}, {transform_indices = #map}]} {
    %broadcast_in_dim3A = arith.constant 0.000000e+00 : f32
    %broadcast_in_dim3A_0 = vector.broadcast %broadcast_in_dim3A : f32 to vector<16xf32>
    %scan3A = arith.constant 0 : i32
    %scan3A_1 = arith.constant 0 : i32
    %scan3A_2 = arith.constant 8 : i32
    %scan3A_3 = arith.addi %scan3A_1, %scan3A_2 : i32
    %scan3A_4 = arith.constant 1 : i32
    scf.for %scan3A_33 = %scan3A_1 to %scan3A_3 step %scan3A_4  : i32 {
      %broadcast_in_dim3A_34 = arith.constant 1.000000e+00 : f32
      %broadcast_in_dim3A_35 = vector.broadcast %broadcast_in_dim3A_34 : f32 to vector<16xf32>
      %mul3A_36 = arith.constant 16 : i32
      %mul3A_37 = arith.muli %scan3A_33, %mul3A_36 : i32
      %swap3A = arith.index_cast %mul3A_37 : i32 to index
      %swap3A_38 = tpu.vector_load %arg8[%swap3A] {strides = array<i32>} : memref<128xf32, #tpu.memory_space<vmem>>, vector<16xf32>,
      %swap3A_39 = vector.shape_cast %swap3A_38 : vector<16xf32> to vector<16xf32>
      %swap3A_40 = vector.shape_cast %broadcast_in_dim3A_35 : vector<16xf32> to vector<16xf32>
      tpu.vector_store %arg8[%swap3A], %swap3A_40 {strides = array<i32>} : memref<128xf32, #tpu.memory_space<vmem>>, vector<16xf32>,
    }
    %scan3A_5 = arith.constant 8 : i32
    %scan3A_6 = arith.constant 0 : i32
    %scan3A_7 = arith.constant 0 : i32
    %scan3A_8 = arith.constant 118 : i32
    %scan3A_9 = arith.addi %scan3A_7, %scan3A_8 : i32
    %scan3A_10 = arith.constant 1 : i32
    scf.for %scan3A_33 = %scan3A_7 to %scan3A_9 step %scan3A_10  : i32 {
      %mul3A_34 = arith.constant 16 : i32
      %mul3A_35 = arith.muli %scan3A_33, %mul3A_34 : i32
      %swap3A = arith.index_cast %mul3A_35 : i32 to index
      %swap3A_36 = tpu.vector_load %arg9[%swap3A] {strides = array<i32>} : memref<1888xf32, #tpu.memory_space<vmem>>, vector<16xf32>,
      %swap3A_37 = vector.shape_cast %swap3A_36 : vector<16xf32> to vector<16xf32>
      %swap3A_38 = vector.shape_cast %broadcast_in_dim3A_0 : vector<16xf32> to vector<16xf32>
      tpu.vector_store %arg9[%swap3A], %swap3A_38 {strides = array<i32>} : memref<1888xf32, #tpu.memory_space<vmem>>, vector<16xf32>,
    }
    %scan3A_11 = arith.constant 118 : i32
    %mul3A = arith.constant 1872 : i32
    %mul3A_12 = arith.muli %arg1, %mul3A : i32
    "tpu.region"() ({
      %run_scoped3A = tpu.sem_alloc : memref<!tpu.dma_semaphore, #tpu.memory_space<semaphore_mem>>
      %dma_start3A = arith.constant 0 : i32
      %dma_start3A_33 = tpu.memref_slice %arg9[%dma_start3A] : memref<1888xf32, #tpu.memory_space<vmem>> -> memref<1872xf32, #tpu.memory_space<vmem>>
      %dma_start3A_34 = tpu.memref_slice %arg10[%mul3A_12] : memref<30016xf32, #tpu.memory_space<vmem_shared>> -> memref<1872xf32, #tpu.memory_space<vmem_shared>>
      %dma_start3A_35 = tpu.memref_slice %arg10[%mul3A_12] : memref<30016xf32, #tpu.memory_space<vmem_shared>> -> memref<1872xf32, #tpu.memory_space<vmem_shared>>
      %dma_start3A_36 = arith.constant 0 : i32
      %dma_start3A_37 = tpu.memref_slice %arg9[%dma_start3A_36] : memref<1888xf32, #tpu.memory_space<vmem>> -> memref<1872xf32, #tpu.memory_space<vmem>>
      tpu.enqueue_dma source(%dma_start3A_37 : memref<1872xf32, #tpu.memory_space<vmem>>) target(%dma_start3A_35 : memref<1872xf32, #tpu.memory_space<vmem_shared>>) target_semaphore(%run_scoped3A : memref<!tpu.dma_semaphore, #tpu.memory_space<semaphore_mem>>)
      %dma_wait3A = arith.constant 0 : i32
      %dma_wait3A_38 = tpu.memref_slice %arg9[%dma_wait3A] : memref<1888xf32, #tpu.memory_space<vmem>> -> memref<1872xf32, #tpu.memory_space<vmem>>
      %dma_wait3A_39 = tpu.memref_slice %arg10[%mul3A_12] : memref<30016xf32, #tpu.memory_space<vmem_shared>> -> memref<1872xf32, #tpu.memory_space<vmem_shared>>
      %dma_wait3A_40 = tpu.memref_slice %arg10[%mul3A_12] : memref<30016xf32, #tpu.memory_space<vmem_shared>> -> memref<1872xf32, #tpu.memory_space<vmem_shared>>
      %dma_wait3A_41 = arith.constant 0 : i32
      %dma_wait3A_42 = tpu.memref_slice %arg9[%dma_wait3A_41] : memref<1888xf32, #tpu.memory_space<vmem>> -> memref<1872xf32, #tpu.memory_space<vmem>>
      tpu.wait_dma2 semaphore(%run_scoped3A : memref<!tpu.dma_semaphore, #tpu.memory_space<semaphore_mem>>) src(%dma_wait3A_42 : memref<1872xf32, #tpu.memory_space<vmem>>) dst(%dma_wait3A_40 : memref<1872xf32, #tpu.memory_space<vmem_shared>>)
      tpu.yield
    }) : () -> ()
    %eq3A = arith.constant 0 : i32
    %eq3A_13 = arith.cmpi eq, %arg1, %eq3A : i32
    %convert_element_type3A = arith.extui %eq3A_13 : i1 to i32
    %cond3A = arith.constant 0 : i32
    %cond3A_14 = arith.cmpi ne, %convert_element_type3A, %cond3A : i32
    scf.if %cond3A_14 {
      "tpu.region"() ({
        %run_scoped3A = tpu.sem_alloc : memref<!tpu.dma_semaphore, #tpu.memory_space<semaphore_mem>>
        %dma_start3A = arith.constant 0 : i32
        %dma_start3A_33 = tpu.memref_slice %arg9[%dma_start3A] : memref<1888xf32, #tpu.memory_space<vmem>> -> memref<64xf32, #tpu.memory_space<vmem>>
        %dma_start3A_34 = arith.constant 29952 : i32
        %dma_start3A_35 = tpu.memref_slice %arg10[%dma_start3A_34] : memref<30016xf32, #tpu.memory_space<vmem_shared>> -> memref<64xf32, #tpu.memory_space<vmem_shared>>
        %dma_start3A_36 = arith.constant 29952 : i32
        %dma_start3A_37 = tpu.memref_slice %arg10[%dma_start3A_36] : memref<30016xf32, #tpu.memory_space<vmem_shared>> -> memref<64xf32, #tpu.memory_space<vmem_shared>>
        %dma_start3A_38 = arith.constant 0 : i32
        %dma_start3A_39 = tpu.memref_slice %arg9[%dma_start3A_38] : memref<1888xf32, #tpu.memory_space<vmem>> -> memref<64xf32, #tpu.memory_space<vmem>>
        tpu.enqueue_dma source(%dma_start3A_39 : memref<64xf32, #tpu.memory_space<vmem>>) target(%dma_start3A_37 : memref<64xf32, #tpu.memory_space<vmem_shared>>) target_semaphore(%run_scoped3A : memref<!tpu.dma_semaphore, #tpu.memory_space<semaphore_mem>>)
        %dma_wait3A = arith.constant 0 : i32
        %dma_wait3A_40 = tpu.memref_slice %arg9[%dma_wait3A] : memref<1888xf32, #tpu.memory_space<vmem>> -> memref<64xf32, #tpu.memory_space<vmem>>
        %dma_wait3A_41 = arith.constant 29952 : i32
        %dma_wait3A_42 = tpu.memref_slice %arg10[%dma_wait3A_41] : memref<30016xf32, #tpu.memory_space<vmem_shared>> -> memref<64xf32, #tpu.memory_space<vmem_shared>>
        %dma_wait3A_43 = arith.constant 29952 : i32
        %dma_wait3A_44 = tpu.memref_slice %arg10[%dma_wait3A_43] : memref<30016xf32, #tpu.memory_space<vmem_shared>> -> memref<64xf32, #tpu.memory_space<vmem_shared>>
        %dma_wait3A_45 = arith.constant 0 : i32
        %dma_wait3A_46 = tpu.memref_slice %arg9[%dma_wait3A_45] : memref<1888xf32, #tpu.memory_space<vmem>> -> memref<64xf32, #tpu.memory_space<vmem>>
        tpu.wait_dma2 semaphore(%run_scoped3A : memref<!tpu.dma_semaphore, #tpu.memory_space<semaphore_mem>>) src(%dma_wait3A_46 : memref<64xf32, #tpu.memory_space<vmem>>) dst(%dma_wait3A_44 : memref<64xf32, #tpu.memory_space<vmem_shared>>)
        tpu.yield
      }) : () -> ()
    } else {
    }
    %barrier3A = arith.constant 0 : index
    tpu.barrier barrier_id(%barrier3A)
    %eq3A_15 = arith.constant 0 : i32
    %eq3A_16 = arith.cmpi eq, %arg0, %eq3A_15 : i32
    %convert_element_type3A_17 = arith.extui %eq3A_16 : i1 to i32
    %cond3A_18 = arith.constant 0 : i32
    %cond3A_19 = arith.cmpi ne, %convert_element_type3A_17, %cond3A_18 : i32
    scf.if %cond3A_19 {
      %mul3A_33 = arith.constant 20480 : i32
      %mul3A_34 = arith.muli %arg1, %mul3A_33 : i32
      %scan3A_35 = arith.constant 0 : i32
      %scan3A_36 = arith.constant 0 : i32
      %scan3A_37 = arith.constant 20 : i32
      %scan3A_38 = arith.addi %scan3A_36, %scan3A_37 : i32
      %scan3A_39 = arith.constant 1 : i32
      scf.for %scan3A_41 = %scan3A_36 to %scan3A_38 step %scan3A_39  : i32 {
        %mul3A_42 = arith.constant 1024 : i32
        %mul3A_43 = arith.muli %scan3A_41, %mul3A_42 : i32
        %add3A = arith.addi %mul3A_34, %mul3A_43 : i32
        "tpu.region"() ({
          %run_scoped3A = tpu.sem_alloc : memref<!tpu.dma_semaphore, #tpu.memory_space<semaphore_mem>>
          %dma_start3A = tpu.memref_slice %arg2[%add3A] : memref<327680xi32, #tpu.memory_space<hbm>> -> memref<1024xi32, #tpu.memory_space<hbm>>
          %dma_start3A_56 = tpu.memref_slice %arg2[%add3A] : memref<327680xi32, #tpu.memory_space<hbm>> -> memref<1024xi32, #tpu.memory_space<hbm>>
          tpu.enqueue_dma source(%dma_start3A_56 : memref<1024xi32, #tpu.memory_space<hbm>>) target(%arg5 : memref<1024xi32, #tpu.memory_space<vmem>>) target_semaphore(%run_scoped3A : memref<!tpu.dma_semaphore, #tpu.memory_space<semaphore_mem>>)
          %dma_wait3A = tpu.memref_slice %arg2[%add3A] : memref<327680xi32, #tpu.memory_space<hbm>> -> memref<1024xi32, #tpu.memory_space<hbm>>
          %dma_wait3A_57 = tpu.memref_slice %arg2[%add3A] : memref<327680xi32, #tpu.memory_space<hbm>> -> memref<1024xi32, #tpu.memory_space<hbm>>
          tpu.wait_dma2 semaphore(%run_scoped3A : memref<!tpu.dma_semaphore, #tpu.memory_space<semaphore_mem>>) src(%dma_wait3A_57 : memref<1024xi32, #tpu.memory_space<hbm>>) dst(%arg5 : memref<1024xi32, #tpu.memory_space<vmem>>)
          tpu.yield
        }) : () -> ()
        "tpu.region"() ({
          %run_scoped3A = tpu.sem_alloc : memref<!tpu.dma_semaphore, #tpu.memory_space<semaphore_mem>>
          %dma_start3A = tpu.memref_slice %arg3[%add3A] : memref<327680xi32, #tpu.memory_space<hbm>> -> memref<1024xi32, #tpu.memory_space<hbm>>
          %dma_start3A_56 = tpu.memref_slice %arg3[%add3A] : memref<327680xi32, #tpu.memory_space<hbm>> -> memref<1024xi32, #tpu.memory_space<hbm>>
          tpu.enqueue_dma source(%dma_start3A_56 : memref<1024xi32, #tpu.memory_space<hbm>>) target(%arg6 : memref<1024xi32, #tpu.memory_space<vmem>>) target_semaphore(%run_scoped3A : memref<!tpu.dma_semaphore, #tpu.memory_space<semaphore_mem>>)
          %dma_wait3A = tpu.memref_slice %arg3[%add3A] : memref<327680xi32, #tpu.memory_space<hbm>> -> memref<1024xi32, #tpu.memory_space<hbm>>
          %dma_wait3A_57 = tpu.memref_slice %arg3[%add3A] : memref<327680xi32, #tpu.memory_space<hbm>> -> memref<1024xi32, #tpu.memory_space<hbm>>
          tpu.wait_dma2 semaphore(%run_scoped3A : memref<!tpu.dma_semaphore, #tpu.memory_space<semaphore_mem>>) src(%dma_wait3A_57 : memref<1024xi32, #tpu.memory_space<hbm>>) dst(%arg6 : memref<1024xi32, #tpu.memory_space<vmem>>)
          tpu.yield
        }) : () -> ()
        %scan3A_44 = arith.constant 0 : i32
        %scan3A_45 = arith.constant 0 : i32
        %scan3A_46 = arith.constant 64 : i32
        %scan3A_47 = arith.addi %scan3A_45, %scan3A_46 : i32
        %scan3A_48 = arith.constant 1 : i32
        scf.for %scan3A_56 = %scan3A_45 to %scan3A_47 step %scan3A_48  : i32 {
          %mul3A_57 = arith.constant 16 : i32
          %mul3A_58 = arith.muli %scan3A_56, %mul3A_57 : i32
          %get3A = arith.index_cast %mul3A_58 : i32 to index
          %get3A_59 = tpu.vector_load %arg6[%get3A] {strides = array<i32>} : memref<1024xi32, #tpu.memory_space<vmem>>, vector<16xi32>,
          %get3A_60 = vector.shape_cast %get3A_59 : vector<16xi32> to vector<16xi32>
          %mul3A_61 = arith.constant 10000 : i32
          %mul3A_62 = vector.broadcast %mul3A_61 : i32 to vector<16xi32>
          %mul3A_63 = arith.muli %get3A_60, %mul3A_62 : vector<16xi32>
          %get3A_64 = arith.index_cast %mul3A_58 : i32 to index
          %get3A_65 = tpu.vector_load %arg5[%get3A_64] {strides = array<i32>} : memref<1024xi32, #tpu.memory_space<vmem>>, vector<16xi32>,
          %get3A_66 = vector.shape_cast %get3A_65 : vector<16xi32> to vector<16xi32>
          %add3A_67 = arith.addi %mul3A_63, %get3A_66 : vector<16xi32>
          %jit3A = arith.constant 8 : i32
          %div3A = arith.divsi %scan3A_56, %jit3A : i32
          %sign3A = arith.constant 0 : i32
          %sign3A_68 = arith.cmpi sgt, %scan3A_56, %sign3A : i32
          %sign3A_69 = arith.extui %sign3A_68 : i1 to i32
          %sign3A_70 = arith.constant 0 : i32
          %sign3A_71 = arith.cmpi slt, %scan3A_56, %sign3A_70 : i32
          %sign3A_72 = arith.extui %sign3A_71 : i1 to i32
          %sign3A_73 = arith.subi %sign3A_69, %sign3A_72 : i32
          %sign3A_74 = arith.constant 0 : i32
          %sign3A_75 = arith.cmpi sgt, %jit3A, %sign3A_74 : i32
          %sign3A_76 = arith.extui %sign3A_75 : i1 to i32
          %sign3A_77 = arith.constant 0 : i32
          %sign3A_78 = arith.cmpi slt, %jit3A, %sign3A_77 : i32
          %sign3A_79 = arith.extui %sign3A_78 : i1 to i32
          %sign3A_80 = arith.subi %sign3A_76, %sign3A_79 : i32
          %ne3A = arith.cmpi ne, %sign3A_73, %sign3A_80 : i32
          %rem3A = arith.remsi %scan3A_56, %jit3A : i32
          %ne3A_81 = arith.constant 0 : i32
          %ne3A_82 = arith.cmpi ne, %rem3A, %ne3A_81 : i32
          %and3A_83 = arith.andi %ne3A, %ne3A_82 : i1
          %sub3A = arith.constant 1 : i32
          %sub3A_84 = arith.subi %div3A, %sub3A : i32
          %select_n3A = arith.select %and3A_83, %sub3A_84, %div3A : i32
          %jit3A_85 = arith.constant 8 : i32
          %eq3A_86 = arith.constant 0 : i32
          %eq3A_87 = arith.cmpi eq, %jit3A_85, %eq3A_86 : i32
          %jit3A_88 = arith.constant 1 : i32
          %select_n3A_89 = arith.select %eq3A_87, %jit3A_88, %jit3A_85 : i32
          %rem3A_90 = arith.remsi %scan3A_56, %select_n3A_89 : i32
          %ne3A_91 = arith.constant 0 : i32
          %ne3A_92 = arith.cmpi ne, %rem3A_90, %ne3A_91 : i32
          %lt3A = arith.constant 0 : i32
          %lt3A_93 = arith.cmpi slt, %rem3A_90, %lt3A : i32
          %lt3A_94 = arith.constant 0 : i32
          %lt3A_95 = arith.cmpi slt, %select_n3A_89, %lt3A_94 : i32
          %ne3A_96 = arith.xori %lt3A_93, %lt3A_95 : i1
          %and3A_97 = arith.andi %ne3A_96, %ne3A_92 : i1
          %add3A_98 = arith.addi %rem3A_90, %select_n3A_89 : i32
          %select_n3A_99 = arith.select %and3A_97, %add3A_98, %rem3A_90 : i32
          %mul3A_100 = arith.constant 16 : i32
          %mul3A_101 = arith.muli %select_n3A_99, %mul3A_100 : i32
          %swap3A = arith.index_cast %select_n3A : i32 to index
          %swap3A_102 = arith.index_cast %mul3A_101 : i32 to index
          %swap3A_103 = tpu.vector_load %arg7[%swap3A, %swap3A_102] {strides = array<i32>} : memref<8x128xi32, #tpu.memory_space<vmem>>, vector<1x16xi32>,
          %swap3A_104 = vector.shape_cast %swap3A_103 : vector<1x16xi32> to vector<16xi32>
          %swap3A_105 = vector.shape_cast %add3A_67 : vector<16xi32> to vector<1x16xi32>
          tpu.vector_store %arg7[%swap3A, %swap3A_102], %swap3A_105 {strides = array<i32>} : memref<8x128xi32, #tpu.memory_space<vmem>>, vector<1x16xi32>,
        }
        %scan3A_49 = arith.constant 64 : i32
        %scan3A_50 = arith.constant 0 : i32
        %scan3A_51 = arith.constant 0 : i32
        %scan3A_52 = arith.constant 8 : i32
        %scan3A_53 = arith.addi %scan3A_51, %scan3A_52 : i32
        %scan3A_54 = arith.constant 1 : i32
        scf.for %scan3A_56 = %scan3A_51 to %scan3A_53 step %scan3A_54  : i32 {
          "tpu.region"() ({
            %run_scoped3A = tpu.sem_alloc : memref<!tpu.dma_semaphore, #tpu.memory_space<semaphore_mem>>
            %dma_start3A = arith.constant 0 : i32
            %dma_start3A_57 = tpu.memref_slice %arg7[%scan3A_56, %dma_start3A] : memref<8x128xi32, #tpu.memory_space<vmem>> -> memref<1x128xi32, #tpu.memory_space<vmem>>
            %dma_start3A_58 = tpu.memref_squeeze %dma_start3A_57 : memref<1x128xi32, #tpu.memory_space<vmem>> -> memref<128xi32, #tpu.memory_space<vmem>>
            %dma_start3A_59 = arith.constant 0 : i32
            %dma_start3A_60 = tpu.memref_slice %arg10[%dma_start3A_59] : memref<30016xf32, #tpu.memory_space<vmem_shared>> -> memref<30016xf32, #tpu.memory_space<vmem_shared>>
            tpu.enqueue_indirect_dma source(%arg8 : memref<128xf32, #tpu.memory_space<vmem>>) target(%dma_start3A_60 : memref<30016xf32, #tpu.memory_space<vmem_shared>>) offsets(%dma_start3A_58 : memref<128xi32, #tpu.memory_space<vmem>>) semaphore(%run_scoped3A : memref<!tpu.dma_semaphore, #tpu.memory_space<semaphore_mem>>) {add = true}
            %dma_wait3A = arith.constant 0 : i32
            %dma_wait3A_61 = tpu.memref_slice %arg7[%scan3A_56, %dma_wait3A] : memref<8x128xi32, #tpu.memory_space<vmem>> -> memref<1x128xi32, #tpu.memory_space<vmem>>
            %dma_wait3A_62 = tpu.memref_squeeze %dma_wait3A_61 : memref<1x128xi32, #tpu.memory_space<vmem>> -> memref<128xi32, #tpu.memory_space<vmem>>
            %dma_wait3A_63 = arith.constant 0 : i32
            %dma_wait3A_64 = tpu.memref_slice %arg10[%dma_wait3A_63] : memref<30016xf32, #tpu.memory_space<vmem_shared>> -> memref<30016xf32, #tpu.memory_space<vmem_shared>>
            tpu.wait_indirect_dma semaphore(%run_scoped3A : memref<!tpu.dma_semaphore, #tpu.memory_space<semaphore_mem>>) src(%arg8 : memref<128xf32, #tpu.memory_space<vmem>>) dst(%dma_wait3A_64 : memref<30016xf32, #tpu.memory_space<vmem_shared>>)
            tpu.yield
          }) : () -> ()
        }
        %scan3A_55 = arith.constant 8 : i32
      }
      %scan3A_40 = arith.constant 20 : i32
    } else {
    }
    %barrier3A_20 = arith.constant 0 : index
    tpu.barrier barrier_id(%barrier3A_20)
    %eq3A_21 = arith.constant 0 : i32
    %eq3A_22 = arith.cmpi eq, %arg0, %eq3A_21 : i32
    %convert_element_type3A_23 = arith.extui %eq3A_22 : i1 to i32
    %cond3A_24 = arith.constant 0 : i32
    %cond3A_25 = arith.cmpi ne, %convert_element_type3A_23, %cond3A_24 : i32
    scf.if %cond3A_25 {
      %mul3A_33 = arith.constant 1872 : i32
      %mul3A_34 = arith.muli %arg1, %mul3A_33 : i32
      %mul3A_35 = arith.constant 1872 : i32
      %mul3A_36 = arith.muli %arg1, %mul3A_35 : i32
      "tpu.region"() ({
        %run_scoped3A = tpu.sem_alloc : memref<!tpu.dma_semaphore, #tpu.memory_space<semaphore_mem>>
        %dma_start3A = tpu.memref_slice %arg4[%mul3A_36] : memref<30016xf32, #tpu.memory_space<hbm>> -> memref<1872xf32, #tpu.memory_space<hbm>>
        %dma_start3A_37 = tpu.memref_slice %arg10[%mul3A_34] : memref<30016xf32, #tpu.memory_space<vmem_shared>> -> memref<1872xf32, #tpu.memory_space<vmem_shared>>
        tpu.enqueue_dma source(%dma_start3A_37 : memref<1872xf32, #tpu.memory_space<vmem_shared>>) target(%dma_start3A : memref<1872xf32, #tpu.memory_space<hbm>>) target_semaphore(%run_scoped3A : memref<!tpu.dma_semaphore, #tpu.memory_space<semaphore_mem>>)
        %dma_wait3A = tpu.memref_slice %arg4[%mul3A_36] : memref<30016xf32, #tpu.memory_space<hbm>> -> memref<1872xf32, #tpu.memory_space<hbm>>
        %dma_wait3A_38 = tpu.memref_slice %arg10[%mul3A_34] : memref<30016xf32, #tpu.memory_space<vmem_shared>> -> memref<1872xf32, #tpu.memory_space<vmem_shared>>
        tpu.wait_dma2 semaphore(%run_scoped3A : memref<!tpu.dma_semaphore, #tpu.memory_space<semaphore_mem>>) src(%dma_wait3A_38 : memref<1872xf32, #tpu.memory_space<vmem_shared>>) dst(%dma_wait3A : memref<1872xf32, #tpu.memory_space<hbm>>)
        tpu.yield
      }) : () -> ()
    } else {
    }
    %eq3A_26 = arith.constant 0 : i32
    %eq3A_27 = arith.cmpi eq, %arg0, %eq3A_26 : i32
    %eq3A_28 = arith.constant 0 : i32
    %eq3A_29 = arith.cmpi eq, %arg1, %eq3A_28 : i32
    %and3A = arith.andi %eq3A_27, %eq3A_29 : i1
    %convert_element_type3A_30 = arith.extui %and3A : i1 to i32
    %cond3A_31 = arith.constant 0 : i32
    %cond3A_32 = arith.cmpi ne, %convert_element_type3A_30, %cond3A_31 : i32
    scf.if %cond3A_32 {
      "tpu.region"() ({
        %run_scoped3A = tpu.sem_alloc : memref<!tpu.dma_semaphore, #tpu.memory_space<semaphore_mem>>
        %dma_start3A = arith.constant 29952 : i32
        %dma_start3A_33 = tpu.memref_slice %arg4[%dma_start3A] : memref<30016xf32, #tpu.memory_space<hbm>> -> memref<64xf32, #tpu.memory_space<hbm>>
        %dma_start3A_34 = arith.constant 29952 : i32
        %dma_start3A_35 = tpu.memref_slice %arg10[%dma_start3A_34] : memref<30016xf32, #tpu.memory_space<vmem_shared>> -> memref<64xf32, #tpu.memory_space<vmem_shared>>
        tpu.enqueue_dma source(%dma_start3A_35 : memref<64xf32, #tpu.memory_space<vmem_shared>>) target(%dma_start3A_33 : memref<64xf32, #tpu.memory_space<hbm>>) target_semaphore(%run_scoped3A : memref<!tpu.dma_semaphore, #tpu.memory_space<semaphore_mem>>)
        %dma_wait3A = arith.constant 29952 : i32
        %dma_wait3A_36 = tpu.memref_slice %arg4[%dma_wait3A] : memref<30016xf32, #tpu.memory_space<hbm>> -> memref<64xf32, #tpu.memory_space<hbm>>
        %dma_wait3A_37 = arith.constant 29952 : i32
        %dma_wait3A_38 = tpu.memref_slice %arg10[%dma_wait3A_37] : memref<30016xf32, #tpu.memory_space<vmem_shared>> -> memref<64xf32, #tpu.memory_space<vmem_shared>>
        tpu.wait_dma2 semaphore(%run_scoped3A : memref<!tpu.dma_semaphore, #tpu.memory_space<semaphore_mem>>) src(%dma_wait3A_38 : memref<64xf32, #tpu.memory_space<vmem_shared>>) dst(%dma_wait3A_36 : memref<64xf32, #tpu.memory_space<hbm>>)
        tpu.yield
      }) : () -> ()
    } else {
    }
    return
  }
}

#map = affine_map<(d0, d1) -> (0, 0)>
#map1 = affine_map<(d0, d1) -> (0)>
module attributes {stable_mosaic.version = 14 : i64} {
  func.func @body(%arg0: i32, %arg1: i32, %arg2: memref<20000x64xf32, #tpu.memory_space<hbm>>, %arg3: memref<327680xi32, #tpu.memory_space<hbm>>, %arg4: memref<327680xi32, #tpu.memory_space<hbm>>, %arg5: memref<327680xi32, #tpu.memory_space<hbm>>, %arg6: memref<30016x128xf32, #tpu.memory_space<hbm>>, %arg7: memref<128xi32, #tpu.memory_space<vmem>>, %arg8: memref<128xi32, #tpu.memory_space<vmem>>, %arg9: memref<128xi32, #tpu.memory_space<vmem>>, %arg10: memref<128xi32, #tpu.memory_space<vmem>>, %arg11: memref<128xi32, #tpu.memory_space<vmem>>, %arg12: memref<128x64xf32, #tpu.memory_space<vmem>>, %arg13: memref<30016x64xf32, #tpu.memory_space<vmem_shared>>, %arg14: memref<!tpu.dma_semaphore, #tpu.memory_space<semaphore_mem>>) attributes {dimension_semantics = [#tpu.dimension_semantics<core_parallel>, #tpu.dimension_semantics<subcore_parallel>], iteration_bounds = array<i64: 2, 16>, scalar_prefetch = 0 : i64, scratch_operands = 8 : i64, tpu.core_type = #tpu.core_type<sc_vector_subcore>, window_params = [{transform_indices = #map}, {transform_indices = #map1}, {transform_indices = #map1}, {transform_indices = #map1}, {transform_indices = #map}]} {
    %broadcast_in_dim3A = arith.constant 0.000000e+00 : f32
    %broadcast_in_dim3A_0 = vector.broadcast %broadcast_in_dim3A : f32 to vector<16xf32>
    %scan3A = arith.constant 0 : i32
    %scan3A_1 = arith.constant 0 : i32
    %scan3A_2 = arith.constant 128 : i32
    %scan3A_3 = arith.addi %scan3A_1, %scan3A_2 : i32
    %scan3A_4 = arith.constant 1 : i32
    scf.for %scan3A_79 = %scan3A_1 to %scan3A_3 step %scan3A_4  : i32 {
      %scan3A_80 = arith.constant 0 : i32
      %scan3A_81 = arith.constant 4 : i32
      %scan3A_82 = arith.addi %scan3A_80, %scan3A_81 : i32
      %scan3A_83 = arith.constant 1 : i32
      scf.for %scan3A_85 = %scan3A_80 to %scan3A_82 step %scan3A_83  : i32 {
        %mul3A_86 = arith.constant 16 : i32
        %mul3A_87 = arith.muli %scan3A_85, %mul3A_86 : i32
        %swap3A = arith.index_cast %scan3A_79 : i32 to index
        %swap3A_88 = arith.index_cast %mul3A_87 : i32 to index
        %swap3A_89 = tpu.vector_load %arg12[%swap3A, %swap3A_88] {strides = array<i32>} : memref<128x64xf32, #tpu.memory_space<vmem>>, vector<1x16xf32>,
        %swap3A_90 = vector.shape_cast %swap3A_89 : vector<1x16xf32> to vector<16xf32>
        %swap3A_91 = vector.shape_cast %broadcast_in_dim3A_0 : vector<16xf32> to vector<1x16xf32>
        tpu.vector_store %arg12[%swap3A, %swap3A_88], %swap3A_91 {strides = array<i32>} : memref<128x64xf32, #tpu.memory_space<vmem>>, vector<1x16xf32>,
      }
      %scan3A_84 = arith.constant 4 : i32
    }
    %scan3A_5 = arith.constant 128 : i32
    %mul3A = arith.constant 1876 : i32
    %mul3A_6 = arith.muli %arg1, %mul3A : i32
    %add3A = arith.constant 0 : i32
    %add3A_7 = arith.addi %mul3A_6, %add3A : i32
    "tpu.region"() ({
      %run_scoped3A = tpu.sem_alloc : memref<!tpu.dma_semaphore, #tpu.memory_space<semaphore_mem>>
      %dma_start3A = arith.constant 0 : i32
      %dma_start3A_79 = tpu.memref_slice %arg13[%add3A_7, %dma_start3A] : memref<30016x64xf32, #tpu.memory_space<vmem_shared>> -> memref<128x64xf32, #tpu.memory_space<vmem_shared>>
      %dma_start3A_80 = arith.constant 0 : i32
      %dma_start3A_81 = tpu.memref_slice %arg13[%add3A_7, %dma_start3A_80] : memref<30016x64xf32, #tpu.memory_space<vmem_shared>> -> memref<128x64xf32, #tpu.memory_space<vmem_shared>>
      tpu.enqueue_dma source(%arg12 : memref<128x64xf32, #tpu.memory_space<vmem>>) target(%dma_start3A_81 : memref<128x64xf32, #tpu.memory_space<vmem_shared>>) target_semaphore(%run_scoped3A : memref<!tpu.dma_semaphore, #tpu.memory_space<semaphore_mem>>)
      %dma_wait3A = arith.constant 0 : i32
      %dma_wait3A_82 = tpu.memref_slice %arg13[%add3A_7, %dma_wait3A] : memref<30016x64xf32, #tpu.memory_space<vmem_shared>> -> memref<128x64xf32, #tpu.memory_space<vmem_shared>>
      %dma_wait3A_83 = arith.constant 0 : i32
      %dma_wait3A_84 = tpu.memref_slice %arg13[%add3A_7, %dma_wait3A_83] : memref<30016x64xf32, #tpu.memory_space<vmem_shared>> -> memref<128x64xf32, #tpu.memory_space<vmem_shared>>
      tpu.wait_dma2 semaphore(%run_scoped3A : memref<!tpu.dma_semaphore, #tpu.memory_space<semaphore_mem>>) src(%arg12 : memref<128x64xf32, #tpu.memory_space<vmem>>) dst(%dma_wait3A_84 : memref<128x64xf32, #tpu.memory_space<vmem_shared>>)
      tpu.yield
    }) : () -> ()
    %mul3A_8 = arith.constant 1876 : i32
    %mul3A_9 = arith.muli %arg1, %mul3A_8 : i32
    %add3A_10 = arith.constant 128 : i32
    %add3A_11 = arith.addi %mul3A_9, %add3A_10 : i32
    "tpu.region"() ({
      %run_scoped3A = tpu.sem_alloc : memref<!tpu.dma_semaphore, #tpu.memory_space<semaphore_mem>>
      %dma_start3A = arith.constant 0 : i32
      %dma_start3A_79 = tpu.memref_slice %arg13[%add3A_11, %dma_start3A] : memref<30016x64xf32, #tpu.memory_space<vmem_shared>> -> memref<128x64xf32, #tpu.memory_space<vmem_shared>>
      %dma_start3A_80 = arith.constant 0 : i32
      %dma_start3A_81 = tpu.memref_slice %arg13[%add3A_11, %dma_start3A_80] : memref<30016x64xf32, #tpu.memory_space<vmem_shared>> -> memref<128x64xf32, #tpu.memory_space<vmem_shared>>
      tpu.enqueue_dma source(%arg12 : memref<128x64xf32, #tpu.memory_space<vmem>>) target(%dma_start3A_81 : memref<128x64xf32, #tpu.memory_space<vmem_shared>>) target_semaphore(%run_scoped3A : memref<!tpu.dma_semaphore, #tpu.memory_space<semaphore_mem>>)
      %dma_wait3A = arith.constant 0 : i32
      %dma_wait3A_82 = tpu.memref_slice %arg13[%add3A_11, %dma_wait3A] : memref<30016x64xf32, #tpu.memory_space<vmem_shared>> -> memref<128x64xf32, #tpu.memory_space<vmem_shared>>
      %dma_wait3A_83 = arith.constant 0 : i32
      %dma_wait3A_84 = tpu.memref_slice %arg13[%add3A_11, %dma_wait3A_83] : memref<30016x64xf32, #tpu.memory_space<vmem_shared>> -> memref<128x64xf32, #tpu.memory_space<vmem_shared>>
      tpu.wait_dma2 semaphore(%run_scoped3A : memref<!tpu.dma_semaphore, #tpu.memory_space<semaphore_mem>>) src(%arg12 : memref<128x64xf32, #tpu.memory_space<vmem>>) dst(%dma_wait3A_84 : memref<128x64xf32, #tpu.memory_space<vmem_shared>>)
      tpu.yield
    }) : () -> ()
    %mul3A_12 = arith.constant 1876 : i32
    %mul3A_13 = arith.muli %arg1, %mul3A_12 : i32
    %add3A_14 = arith.constant 256 : i32
    %add3A_15 = arith.addi %mul3A_13, %add3A_14 : i32
    "tpu.region"() ({
      %run_scoped3A = tpu.sem_alloc : memref<!tpu.dma_semaphore, #tpu.memory_space<semaphore_mem>>
      %dma_start3A = arith.constant 0 : i32
      %dma_start3A_79 = tpu.memref_slice %arg13[%add3A_15, %dma_start3A] : memref<30016x64xf32, #tpu.memory_space<vmem_shared>> -> memref<128x64xf32, #tpu.memory_space<vmem_shared>>
      %dma_start3A_80 = arith.constant 0 : i32
      %dma_start3A_81 = tpu.memref_slice %arg13[%add3A_15, %dma_start3A_80] : memref<30016x64xf32, #tpu.memory_space<vmem_shared>> -> memref<128x64xf32, #tpu.memory_space<vmem_shared>>
      tpu.enqueue_dma source(%arg12 : memref<128x64xf32, #tpu.memory_space<vmem>>) target(%dma_start3A_81 : memref<128x64xf32, #tpu.memory_space<vmem_shared>>) target_semaphore(%run_scoped3A : memref<!tpu.dma_semaphore, #tpu.memory_space<semaphore_mem>>)
      %dma_wait3A = arith.constant 0 : i32
      %dma_wait3A_82 = tpu.memref_slice %arg13[%add3A_15, %dma_wait3A] : memref<30016x64xf32, #tpu.memory_space<vmem_shared>> -> memref<128x64xf32, #tpu.memory_space<vmem_shared>>
      %dma_wait3A_83 = arith.constant 0 : i32
      %dma_wait3A_84 = tpu.memref_slice %arg13[%add3A_15, %dma_wait3A_83] : memref<30016x64xf32, #tpu.memory_space<vmem_shared>> -> memref<128x64xf32, #tpu.memory_space<vmem_shared>>
      tpu.wait_dma2 semaphore(%run_scoped3A : memref<!tpu.dma_semaphore, #tpu.memory_space<semaphore_mem>>) src(%arg12 : memref<128x64xf32, #tpu.memory_space<vmem>>) dst(%dma_wait3A_84 : memref<128x64xf32, #tpu.memory_space<vmem_shared>>)
      tpu.yield
    }) : () -> ()
    %mul3A_16 = arith.constant 1876 : i32
    %mul3A_17 = arith.muli %arg1, %mul3A_16 : i32
    %add3A_18 = arith.constant 384 : i32
    %add3A_19 = arith.addi %mul3A_17, %add3A_18 : i32
    "tpu.region"() ({
      %run_scoped3A = tpu.sem_alloc : memref<!tpu.dma_semaphore, #tpu.memory_space<semaphore_mem>>
      %dma_start3A = arith.constant 0 : i32
      %dma_start3A_79 = tpu.memref_slice %arg13[%add3A_19, %dma_start3A] : memref<30016x64xf32, #tpu.memory_space<vmem_shared>> -> memref<128x64xf32, #tpu.memory_space<vmem_shared>>
      %dma_start3A_80 = arith.constant 0 : i32
      %dma_start3A_81 = tpu.memref_slice %arg13[%add3A_19, %dma_start3A_80] : memref<30016x64xf32, #tpu.memory_space<vmem_shared>> -> memref<128x64xf32, #tpu.memory_space<vmem_shared>>
      tpu.enqueue_dma source(%arg12 : memref<128x64xf32, #tpu.memory_space<vmem>>) target(%dma_start3A_81 : memref<128x64xf32, #tpu.memory_space<vmem_shared>>) target_semaphore(%run_scoped3A : memref<!tpu.dma_semaphore, #tpu.memory_space<semaphore_mem>>)
      %dma_wait3A = arith.constant 0 : i32
      %dma_wait3A_82 = tpu.memref_slice %arg13[%add3A_19, %dma_wait3A] : memref<30016x64xf32, #tpu.memory_space<vmem_shared>> -> memref<128x64xf32, #tpu.memory_space<vmem_shared>>
      %dma_wait3A_83 = arith.constant 0 : i32
      %dma_wait3A_84 = tpu.memref_slice %arg13[%add3A_19, %dma_wait3A_83] : memref<30016x64xf32, #tpu.memory_space<vmem_shared>> -> memref<128x64xf32, #tpu.memory_space<vmem_shared>>
      tpu.wait_dma2 semaphore(%run_scoped3A : memref<!tpu.dma_semaphore, #tpu.memory_space<semaphore_mem>>) src(%arg12 : memref<128x64xf32, #tpu.memory_space<vmem>>) dst(%dma_wait3A_84 : memref<128x64xf32, #tpu.memory_space<vmem_shared>>)
      tpu.yield
    }) : () -> ()
    %mul3A_20 = arith.constant 1876 : i32
    %mul3A_21 = arith.muli %arg1, %mul3A_20 : i32
    %add3A_22 = arith.constant 512 : i32
    %add3A_23 = arith.addi %mul3A_21, %add3A_22 : i32
    "tpu.region"() ({
      %run_scoped3A = tpu.sem_alloc : memref<!tpu.dma_semaphore, #tpu.memory_space<semaphore_mem>>
      %dma_start3A = arith.constant 0 : i32
      %dma_start3A_79 = tpu.memref_slice %arg13[%add3A_23, %dma_start3A] : memref<30016x64xf32, #tpu.memory_space<vmem_shared>> -> memref<128x64xf32, #tpu.memory_space<vmem_shared>>
      %dma_start3A_80 = arith.constant 0 : i32
      %dma_start3A_81 = tpu.memref_slice %arg13[%add3A_23, %dma_start3A_80] : memref<30016x64xf32, #tpu.memory_space<vmem_shared>> -> memref<128x64xf32, #tpu.memory_space<vmem_shared>>
      tpu.enqueue_dma source(%arg12 : memref<128x64xf32, #tpu.memory_space<vmem>>) target(%dma_start3A_81 : memref<128x64xf32, #tpu.memory_space<vmem_shared>>) target_semaphore(%run_scoped3A : memref<!tpu.dma_semaphore, #tpu.memory_space<semaphore_mem>>)
      %dma_wait3A = arith.constant 0 : i32
      %dma_wait3A_82 = tpu.memref_slice %arg13[%add3A_23, %dma_wait3A] : memref<30016x64xf32, #tpu.memory_space<vmem_shared>> -> memref<128x64xf32, #tpu.memory_space<vmem_shared>>
      %dma_wait3A_83 = arith.constant 0 : i32
      %dma_wait3A_84 = tpu.memref_slice %arg13[%add3A_23, %dma_wait3A_83] : memref<30016x64xf32, #tpu.memory_space<vmem_shared>> -> memref<128x64xf32, #tpu.memory_space<vmem_shared>>
      tpu.wait_dma2 semaphore(%run_scoped3A : memref<!tpu.dma_semaphore, #tpu.memory_space<semaphore_mem>>) src(%arg12 : memref<128x64xf32, #tpu.memory_space<vmem>>) dst(%dma_wait3A_84 : memref<128x64xf32, #tpu.memory_space<vmem_shared>>)
      tpu.yield
    }) : () -> ()
    %mul3A_24 = arith.constant 1876 : i32
    %mul3A_25 = arith.muli %arg1, %mul3A_24 : i32
    %add3A_26 = arith.constant 640 : i32
    %add3A_27 = arith.addi %mul3A_25, %add3A_26 : i32
    "tpu.region"() ({
      %run_scoped3A = tpu.sem_alloc : memref<!tpu.dma_semaphore, #tpu.memory_space<semaphore_mem>>
      %dma_start3A = arith.constant 0 : i32
      %dma_start3A_79 = tpu.memref_slice %arg13[%add3A_27, %dma_start3A] : memref<30016x64xf32, #tpu.memory_space<vmem_shared>> -> memref<128x64xf32, #tpu.memory_space<vmem_shared>>
      %dma_start3A_80 = arith.constant 0 : i32
      %dma_start3A_81 = tpu.memref_slice %arg13[%add3A_27, %dma_start3A_80] : memref<30016x64xf32, #tpu.memory_space<vmem_shared>> -> memref<128x64xf32, #tpu.memory_space<vmem_shared>>
      tpu.enqueue_dma source(%arg12 : memref<128x64xf32, #tpu.memory_space<vmem>>) target(%dma_start3A_81 : memref<128x64xf32, #tpu.memory_space<vmem_shared>>) target_semaphore(%run_scoped3A : memref<!tpu.dma_semaphore, #tpu.memory_space<semaphore_mem>>)
      %dma_wait3A = arith.constant 0 : i32
      %dma_wait3A_82 = tpu.memref_slice %arg13[%add3A_27, %dma_wait3A] : memref<30016x64xf32, #tpu.memory_space<vmem_shared>> -> memref<128x64xf32, #tpu.memory_space<vmem_shared>>
      %dma_wait3A_83 = arith.constant 0 : i32
      %dma_wait3A_84 = tpu.memref_slice %arg13[%add3A_27, %dma_wait3A_83] : memref<30016x64xf32, #tpu.memory_space<vmem_shared>> -> memref<128x64xf32, #tpu.memory_space<vmem_shared>>
      tpu.wait_dma2 semaphore(%run_scoped3A : memref<!tpu.dma_semaphore, #tpu.memory_space<semaphore_mem>>) src(%arg12 : memref<128x64xf32, #tpu.memory_space<vmem>>) dst(%dma_wait3A_84 : memref<128x64xf32, #tpu.memory_space<vmem_shared>>)
      tpu.yield
    }) : () -> ()
    %mul3A_28 = arith.constant 1876 : i32
    %mul3A_29 = arith.muli %arg1, %mul3A_28 : i32
    %add3A_30 = arith.constant 768 : i32
    %add3A_31 = arith.addi %mul3A_29, %add3A_30 : i32
    "tpu.region"() ({
      %run_scoped3A = tpu.sem_alloc : memref<!tpu.dma_semaphore, #tpu.memory_space<semaphore_mem>>
      %dma_start3A = arith.constant 0 : i32
      %dma_start3A_79 = tpu.memref_slice %arg13[%add3A_31, %dma_start3A] : memref<30016x64xf32, #tpu.memory_space<vmem_shared>> -> memref<128x64xf32, #tpu.memory_space<vmem_shared>>
      %dma_start3A_80 = arith.constant 0 : i32
      %dma_start3A_81 = tpu.memref_slice %arg13[%add3A_31, %dma_start3A_80] : memref<30016x64xf32, #tpu.memory_space<vmem_shared>> -> memref<128x64xf32, #tpu.memory_space<vmem_shared>>
      tpu.enqueue_dma source(%arg12 : memref<128x64xf32, #tpu.memory_space<vmem>>) target(%dma_start3A_81 : memref<128x64xf32, #tpu.memory_space<vmem_shared>>) target_semaphore(%run_scoped3A : memref<!tpu.dma_semaphore, #tpu.memory_space<semaphore_mem>>)
      %dma_wait3A = arith.constant 0 : i32
      %dma_wait3A_82 = tpu.memref_slice %arg13[%add3A_31, %dma_wait3A] : memref<30016x64xf32, #tpu.memory_space<vmem_shared>> -> memref<128x64xf32, #tpu.memory_space<vmem_shared>>
      %dma_wait3A_83 = arith.constant 0 : i32
      %dma_wait3A_84 = tpu.memref_slice %arg13[%add3A_31, %dma_wait3A_83] : memref<30016x64xf32, #tpu.memory_space<vmem_shared>> -> memref<128x64xf32, #tpu.memory_space<vmem_shared>>
      tpu.wait_dma2 semaphore(%run_scoped3A : memref<!tpu.dma_semaphore, #tpu.memory_space<semaphore_mem>>) src(%arg12 : memref<128x64xf32, #tpu.memory_space<vmem>>) dst(%dma_wait3A_84 : memref<128x64xf32, #tpu.memory_space<vmem_shared>>)
      tpu.yield
    }) : () -> ()
    %mul3A_32 = arith.constant 1876 : i32
    %mul3A_33 = arith.muli %arg1, %mul3A_32 : i32
    %add3A_34 = arith.constant 896 : i32
    %add3A_35 = arith.addi %mul3A_33, %add3A_34 : i32
    "tpu.region"() ({
      %run_scoped3A = tpu.sem_alloc : memref<!tpu.dma_semaphore, #tpu.memory_space<semaphore_mem>>
      %dma_start3A = arith.constant 0 : i32
      %dma_start3A_79 = tpu.memref_slice %arg13[%add3A_35, %dma_start3A] : memref<30016x64xf32, #tpu.memory_space<vmem_shared>> -> memref<128x64xf32, #tpu.memory_space<vmem_shared>>
      %dma_start3A_80 = arith.constant 0 : i32
      %dma_start3A_81 = tpu.memref_slice %arg13[%add3A_35, %dma_start3A_80] : memref<30016x64xf32, #tpu.memory_space<vmem_shared>> -> memref<128x64xf32, #tpu.memory_space<vmem_shared>>
      tpu.enqueue_dma source(%arg12 : memref<128x64xf32, #tpu.memory_space<vmem>>) target(%dma_start3A_81 : memref<128x64xf32, #tpu.memory_space<vmem_shared>>) target_semaphore(%run_scoped3A : memref<!tpu.dma_semaphore, #tpu.memory_space<semaphore_mem>>)
      %dma_wait3A = arith.constant 0 : i32
      %dma_wait3A_82 = tpu.memref_slice %arg13[%add3A_35, %dma_wait3A] : memref<30016x64xf32, #tpu.memory_space<vmem_shared>> -> memref<128x64xf32, #tpu.memory_space<vmem_shared>>
      %dma_wait3A_83 = arith.constant 0 : i32
      %dma_wait3A_84 = tpu.memref_slice %arg13[%add3A_35, %dma_wait3A_83] : memref<30016x64xf32, #tpu.memory_space<vmem_shared>> -> memref<128x64xf32, #tpu.memory_space<vmem_shared>>
      tpu.wait_dma2 semaphore(%run_scoped3A : memref<!tpu.dma_semaphore, #tpu.memory_space<semaphore_mem>>) src(%arg12 : memref<128x64xf32, #tpu.memory_space<vmem>>) dst(%dma_wait3A_84 : memref<128x64xf32, #tpu.memory_space<vmem_shared>>)
      tpu.yield
    }) : () -> ()
    %mul3A_36 = arith.constant 1876 : i32
    %mul3A_37 = arith.muli %arg1, %mul3A_36 : i32
    %add3A_38 = arith.constant 1024 : i32
    %add3A_39 = arith.addi %mul3A_37, %add3A_38 : i32
    "tpu.region"() ({
      %run_scoped3A = tpu.sem_alloc : memref<!tpu.dma_semaphore, #tpu.memory_space<semaphore_mem>>
      %dma_start3A = arith.constant 0 : i32
      %dma_start3A_79 = tpu.memref_slice %arg13[%add3A_39, %dma_start3A] : memref<30016x64xf32, #tpu.memory_space<vmem_shared>> -> memref<128x64xf32, #tpu.memory_space<vmem_shared>>
      %dma_start3A_80 = arith.constant 0 : i32
      %dma_start3A_81 = tpu.memref_slice %arg13[%add3A_39, %dma_start3A_80] : memref<30016x64xf32, #tpu.memory_space<vmem_shared>> -> memref<128x64xf32, #tpu.memory_space<vmem_shared>>
      tpu.enqueue_dma source(%arg12 : memref<128x64xf32, #tpu.memory_space<vmem>>) target(%dma_start3A_81 : memref<128x64xf32, #tpu.memory_space<vmem_shared>>) target_semaphore(%run_scoped3A : memref<!tpu.dma_semaphore, #tpu.memory_space<semaphore_mem>>)
      %dma_wait3A = arith.constant 0 : i32
      %dma_wait3A_82 = tpu.memref_slice %arg13[%add3A_39, %dma_wait3A] : memref<30016x64xf32, #tpu.memory_space<vmem_shared>> -> memref<128x64xf32, #tpu.memory_space<vmem_shared>>
      %dma_wait3A_83 = arith.constant 0 : i32
      %dma_wait3A_84 = tpu.memref_slice %arg13[%add3A_39, %dma_wait3A_83] : memref<30016x64xf32, #tpu.memory_space<vmem_shared>> -> memref<128x64xf32, #tpu.memory_space<vmem_shared>>
      tpu.wait_dma2 semaphore(%run_scoped3A : memref<!tpu.dma_semaphore, #tpu.memory_space<semaphore_mem>>) src(%arg12 : memref<128x64xf32, #tpu.memory_space<vmem>>) dst(%dma_wait3A_84 : memref<128x64xf32, #tpu.memory_space<vmem_shared>>)
      tpu.yield
    }) : () -> ()
    %mul3A_40 = arith.constant 1876 : i32
    %mul3A_41 = arith.muli %arg1, %mul3A_40 : i32
    %add3A_42 = arith.constant 1152 : i32
    %add3A_43 = arith.addi %mul3A_41, %add3A_42 : i32
    "tpu.region"() ({
      %run_scoped3A = tpu.sem_alloc : memref<!tpu.dma_semaphore, #tpu.memory_space<semaphore_mem>>
      %dma_start3A = arith.constant 0 : i32
      %dma_start3A_79 = tpu.memref_slice %arg13[%add3A_43, %dma_start3A] : memref<30016x64xf32, #tpu.memory_space<vmem_shared>> -> memref<128x64xf32, #tpu.memory_space<vmem_shared>>
      %dma_start3A_80 = arith.constant 0 : i32
      %dma_start3A_81 = tpu.memref_slice %arg13[%add3A_43, %dma_start3A_80] : memref<30016x64xf32, #tpu.memory_space<vmem_shared>> -> memref<128x64xf32, #tpu.memory_space<vmem_shared>>
      tpu.enqueue_dma source(%arg12 : memref<128x64xf32, #tpu.memory_space<vmem>>) target(%dma_start3A_81 : memref<128x64xf32, #tpu.memory_space<vmem_shared>>) target_semaphore(%run_scoped3A : memref<!tpu.dma_semaphore, #tpu.memory_space<semaphore_mem>>)
      %dma_wait3A = arith.constant 0 : i32
      %dma_wait3A_82 = tpu.memref_slice %arg13[%add3A_43, %dma_wait3A] : memref<30016x64xf32, #tpu.memory_space<vmem_shared>> -> memref<128x64xf32, #tpu.memory_space<vmem_shared>>
      %dma_wait3A_83 = arith.constant 0 : i32
      %dma_wait3A_84 = tpu.memref_slice %arg13[%add3A_43, %dma_wait3A_83] : memref<30016x64xf32, #tpu.memory_space<vmem_shared>> -> memref<128x64xf32, #tpu.memory_space<vmem_shared>>
      tpu.wait_dma2 semaphore(%run_scoped3A : memref<!tpu.dma_semaphore, #tpu.memory_space<semaphore_mem>>) src(%arg12 : memref<128x64xf32, #tpu.memory_space<vmem>>) dst(%dma_wait3A_84 : memref<128x64xf32, #tpu.memory_space<vmem_shared>>)
      tpu.yield
    }) : () -> ()
    %mul3A_44 = arith.constant 1876 : i32
    %mul3A_45 = arith.muli %arg1, %mul3A_44 : i32
    %add3A_46 = arith.constant 1280 : i32
    %add3A_47 = arith.addi %mul3A_45, %add3A_46 : i32
    "tpu.region"() ({
      %run_scoped3A = tpu.sem_alloc : memref<!tpu.dma_semaphore, #tpu.memory_space<semaphore_mem>>
      %dma_start3A = arith.constant 0 : i32
      %dma_start3A_79 = tpu.memref_slice %arg13[%add3A_47, %dma_start3A] : memref<30016x64xf32, #tpu.memory_space<vmem_shared>> -> memref<128x64xf32, #tpu.memory_space<vmem_shared>>
      %dma_start3A_80 = arith.constant 0 : i32
      %dma_start3A_81 = tpu.memref_slice %arg13[%add3A_47, %dma_start3A_80] : memref<30016x64xf32, #tpu.memory_space<vmem_shared>> -> memref<128x64xf32, #tpu.memory_space<vmem_shared>>
      tpu.enqueue_dma source(%arg12 : memref<128x64xf32, #tpu.memory_space<vmem>>) target(%dma_start3A_81 : memref<128x64xf32, #tpu.memory_space<vmem_shared>>) target_semaphore(%run_scoped3A : memref<!tpu.dma_semaphore, #tpu.memory_space<semaphore_mem>>)
      %dma_wait3A = arith.constant 0 : i32
      %dma_wait3A_82 = tpu.memref_slice %arg13[%add3A_47, %dma_wait3A] : memref<30016x64xf32, #tpu.memory_space<vmem_shared>> -> memref<128x64xf32, #tpu.memory_space<vmem_shared>>
      %dma_wait3A_83 = arith.constant 0 : i32
      %dma_wait3A_84 = tpu.memref_slice %arg13[%add3A_47, %dma_wait3A_83] : memref<30016x64xf32, #tpu.memory_space<vmem_shared>> -> memref<128x64xf32, #tpu.memory_space<vmem_shared>>
      tpu.wait_dma2 semaphore(%run_scoped3A : memref<!tpu.dma_semaphore, #tpu.memory_space<semaphore_mem>>) src(%arg12 : memref<128x64xf32, #tpu.memory_space<vmem>>) dst(%dma_wait3A_84 : memref<128x64xf32, #tpu.memory_space<vmem_shared>>)
      tpu.yield
    }) : () -> ()
    %mul3A_48 = arith.constant 1876 : i32
    %mul3A_49 = arith.muli %arg1, %mul3A_48 : i32
    %add3A_50 = arith.constant 1408 : i32
    %add3A_51 = arith.addi %mul3A_49, %add3A_50 : i32
    "tpu.region"() ({
      %run_scoped3A = tpu.sem_alloc : memref<!tpu.dma_semaphore, #tpu.memory_space<semaphore_mem>>
      %dma_start3A = arith.constant 0 : i32
      %dma_start3A_79 = tpu.memref_slice %arg13[%add3A_51, %dma_start3A] : memref<30016x64xf32, #tpu.memory_space<vmem_shared>> -> memref<128x64xf32, #tpu.memory_space<vmem_shared>>
      %dma_start3A_80 = arith.constant 0 : i32
      %dma_start3A_81 = tpu.memref_slice %arg13[%add3A_51, %dma_start3A_80] : memref<30016x64xf32, #tpu.memory_space<vmem_shared>> -> memref<128x64xf32, #tpu.memory_space<vmem_shared>>
      tpu.enqueue_dma source(%arg12 : memref<128x64xf32, #tpu.memory_space<vmem>>) target(%dma_start3A_81 : memref<128x64xf32, #tpu.memory_space<vmem_shared>>) target_semaphore(%run_scoped3A : memref<!tpu.dma_semaphore, #tpu.memory_space<semaphore_mem>>)
      %dma_wait3A = arith.constant 0 : i32
      %dma_wait3A_82 = tpu.memref_slice %arg13[%add3A_51, %dma_wait3A] : memref<30016x64xf32, #tpu.memory_space<vmem_shared>> -> memref<128x64xf32, #tpu.memory_space<vmem_shared>>
      %dma_wait3A_83 = arith.constant 0 : i32
      %dma_wait3A_84 = tpu.memref_slice %arg13[%add3A_51, %dma_wait3A_83] : memref<30016x64xf32, #tpu.memory_space<vmem_shared>> -> memref<128x64xf32, #tpu.memory_space<vmem_shared>>
      tpu.wait_dma2 semaphore(%run_scoped3A : memref<!tpu.dma_semaphore, #tpu.memory_space<semaphore_mem>>) src(%arg12 : memref<128x64xf32, #tpu.memory_space<vmem>>) dst(%dma_wait3A_84 : memref<128x64xf32, #tpu.memory_space<vmem_shared>>)
      tpu.yield
    }) : () -> ()
    %mul3A_52 = arith.constant 1876 : i32
    %mul3A_53 = arith.muli %arg1, %mul3A_52 : i32
    %add3A_54 = arith.constant 1536 : i32
    %add3A_55 = arith.addi %mul3A_53, %add3A_54 : i32
    "tpu.region"() ({
      %run_scoped3A = tpu.sem_alloc : memref<!tpu.dma_semaphore, #tpu.memory_space<semaphore_mem>>
      %dma_start3A = arith.constant 0 : i32
      %dma_start3A_79 = tpu.memref_slice %arg13[%add3A_55, %dma_start3A] : memref<30016x64xf32, #tpu.memory_space<vmem_shared>> -> memref<128x64xf32, #tpu.memory_space<vmem_shared>>
      %dma_start3A_80 = arith.constant 0 : i32
      %dma_start3A_81 = tpu.memref_slice %arg13[%add3A_55, %dma_start3A_80] : memref<30016x64xf32, #tpu.memory_space<vmem_shared>> -> memref<128x64xf32, #tpu.memory_space<vmem_shared>>
      tpu.enqueue_dma source(%arg12 : memref<128x64xf32, #tpu.memory_space<vmem>>) target(%dma_start3A_81 : memref<128x64xf32, #tpu.memory_space<vmem_shared>>) target_semaphore(%run_scoped3A : memref<!tpu.dma_semaphore, #tpu.memory_space<semaphore_mem>>)
      %dma_wait3A = arith.constant 0 : i32
      %dma_wait3A_82 = tpu.memref_slice %arg13[%add3A_55, %dma_wait3A] : memref<30016x64xf32, #tpu.memory_space<vmem_shared>> -> memref<128x64xf32, #tpu.memory_space<vmem_shared>>
      %dma_wait3A_83 = arith.constant 0 : i32
      %dma_wait3A_84 = tpu.memref_slice %arg13[%add3A_55, %dma_wait3A_83] : memref<30016x64xf32, #tpu.memory_space<vmem_shared>> -> memref<128x64xf32, #tpu.memory_space<vmem_shared>>
      tpu.wait_dma2 semaphore(%run_scoped3A : memref<!tpu.dma_semaphore, #tpu.memory_space<semaphore_mem>>) src(%arg12 : memref<128x64xf32, #tpu.memory_space<vmem>>) dst(%dma_wait3A_84 : memref<128x64xf32, #tpu.memory_space<vmem_shared>>)
      tpu.yield
    }) : () -> ()
    %mul3A_56 = arith.constant 1876 : i32
    %mul3A_57 = arith.muli %arg1, %mul3A_56 : i32
    %add3A_58 = arith.constant 1664 : i32
    %add3A_59 = arith.addi %mul3A_57, %add3A_58 : i32
    "tpu.region"() ({
      %run_scoped3A = tpu.sem_alloc : memref<!tpu.dma_semaphore, #tpu.memory_space<semaphore_mem>>
      %dma_start3A = arith.constant 0 : i32
      %dma_start3A_79 = tpu.memref_slice %arg13[%add3A_59, %dma_start3A] : memref<30016x64xf32, #tpu.memory_space<vmem_shared>> -> memref<128x64xf32, #tpu.memory_space<vmem_shared>>
      %dma_start3A_80 = arith.constant 0 : i32
      %dma_start3A_81 = tpu.memref_slice %arg13[%add3A_59, %dma_start3A_80] : memref<30016x64xf32, #tpu.memory_space<vmem_shared>> -> memref<128x64xf32, #tpu.memory_space<vmem_shared>>
      tpu.enqueue_dma source(%arg12 : memref<128x64xf32, #tpu.memory_space<vmem>>) target(%dma_start3A_81 : memref<128x64xf32, #tpu.memory_space<vmem_shared>>) target_semaphore(%run_scoped3A : memref<!tpu.dma_semaphore, #tpu.memory_space<semaphore_mem>>)
      %dma_wait3A = arith.constant 0 : i32
      %dma_wait3A_82 = tpu.memref_slice %arg13[%add3A_59, %dma_wait3A] : memref<30016x64xf32, #tpu.memory_space<vmem_shared>> -> memref<128x64xf32, #tpu.memory_space<vmem_shared>>
      %dma_wait3A_83 = arith.constant 0 : i32
      %dma_wait3A_84 = tpu.memref_slice %arg13[%add3A_59, %dma_wait3A_83] : memref<30016x64xf32, #tpu.memory_space<vmem_shared>> -> memref<128x64xf32, #tpu.memory_space<vmem_shared>>
      tpu.wait_dma2 semaphore(%run_scoped3A : memref<!tpu.dma_semaphore, #tpu.memory_space<semaphore_mem>>) src(%arg12 : memref<128x64xf32, #tpu.memory_space<vmem>>) dst(%dma_wait3A_84 : memref<128x64xf32, #tpu.memory_space<vmem_shared>>)
      tpu.yield
    }) : () -> ()
    %mul3A_60 = arith.constant 1876 : i32
    %mul3A_61 = arith.muli %arg1, %mul3A_60 : i32
    %add3A_62 = arith.constant 1792 : i32
    %add3A_63 = arith.addi %mul3A_61, %add3A_62 : i32
    "tpu.region"() ({
      %run_scoped3A = tpu.sem_alloc : memref<!tpu.dma_semaphore, #tpu.memory_space<semaphore_mem>>
      %dma_start3A = arith.constant 0 : i32
      %dma_start3A_79 = arith.constant 0 : i32
      %dma_start3A_80 = tpu.memref_slice %arg12[%dma_start3A, %dma_start3A_79] : memref<128x64xf32, #tpu.memory_space<vmem>> -> memref<84x64xf32, #tpu.memory_space<vmem>>
      %dma_start3A_81 = arith.constant 0 : i32
      %dma_start3A_82 = tpu.memref_slice %arg13[%add3A_63, %dma_start3A_81] : memref<30016x64xf32, #tpu.memory_space<vmem_shared>> -> memref<84x64xf32, #tpu.memory_space<vmem_shared>>
      %dma_start3A_83 = arith.constant 0 : i32
      %dma_start3A_84 = tpu.memref_slice %arg13[%add3A_63, %dma_start3A_83] : memref<30016x64xf32, #tpu.memory_space<vmem_shared>> -> memref<84x64xf32, #tpu.memory_space<vmem_shared>>
      %dma_start3A_85 = arith.constant 0 : i32
      %dma_start3A_86 = arith.constant 0 : i32
      %dma_start3A_87 = tpu.memref_slice %arg12[%dma_start3A_85, %dma_start3A_86] : memref<128x64xf32, #tpu.memory_space<vmem>> -> memref<84x64xf32, #tpu.memory_space<vmem>>
      tpu.enqueue_dma source(%dma_start3A_87 : memref<84x64xf32, #tpu.memory_space<vmem>>) target(%dma_start3A_84 : memref<84x64xf32, #tpu.memory_space<vmem_shared>>) target_semaphore(%run_scoped3A : memref<!tpu.dma_semaphore, #tpu.memory_space<semaphore_mem>>)
      %dma_wait3A = arith.constant 0 : i32
      %dma_wait3A_88 = arith.constant 0 : i32
      %dma_wait3A_89 = tpu.memref_slice %arg12[%dma_wait3A, %dma_wait3A_88] : memref<128x64xf32, #tpu.memory_space<vmem>> -> memref<84x64xf32, #tpu.memory_space<vmem>>
      %dma_wait3A_90 = arith.constant 0 : i32
      %dma_wait3A_91 = tpu.memref_slice %arg13[%add3A_63, %dma_wait3A_90] : memref<30016x64xf32, #tpu.memory_space<vmem_shared>> -> memref<84x64xf32, #tpu.memory_space<vmem_shared>>
      %dma_wait3A_92 = arith.constant 0 : i32
      %dma_wait3A_93 = tpu.memref_slice %arg13[%add3A_63, %dma_wait3A_92] : memref<30016x64xf32, #tpu.memory_space<vmem_shared>> -> memref<84x64xf32, #tpu.memory_space<vmem_shared>>
      %dma_wait3A_94 = arith.constant 0 : i32
      %dma_wait3A_95 = arith.constant 0 : i32
      %dma_wait3A_96 = tpu.memref_slice %arg12[%dma_wait3A_94, %dma_wait3A_95] : memref<128x64xf32, #tpu.memory_space<vmem>> -> memref<84x64xf32, #tpu.memory_space<vmem>>
      tpu.wait_dma2 semaphore(%run_scoped3A : memref<!tpu.dma_semaphore, #tpu.memory_space<semaphore_mem>>) src(%dma_wait3A_96 : memref<84x64xf32, #tpu.memory_space<vmem>>) dst(%dma_wait3A_93 : memref<84x64xf32, #tpu.memory_space<vmem_shared>>)
      tpu.yield
    }) : () -> ()
    %barrier3A = arith.constant 0 : index
    tpu.barrier barrier_id(%barrier3A)
    %mul3A_64 = arith.constant 20480 : i32
    %mul3A_65 = arith.muli %arg1, %mul3A_64 : i32
    %scan3A_66 = arith.constant 0 : i32
    %scan3A_67 = arith.constant 0 : i32
    %scan3A_68 = arith.constant 160 : i32
    %scan3A_69 = arith.addi %scan3A_67, %scan3A_68 : i32
    %scan3A_70 = arith.constant 1 : i32
    scf.for %scan3A_79 = %scan3A_67 to %scan3A_69 step %scan3A_70  : i32 {
      %mul3A_80 = arith.constant 128 : i32
      %mul3A_81 = arith.muli %scan3A_79, %mul3A_80 : i32
      %add3A_82 = arith.addi %mul3A_65, %mul3A_81 : i32
      "tpu.region"() ({
        %run_scoped3A = tpu.sem_alloc : memref<!tpu.dma_semaphore, #tpu.memory_space<semaphore_mem>>
        %dma_start3A_93 = tpu.memref_slice %arg3[%add3A_82] : memref<327680xi32, #tpu.memory_space<hbm>> -> memref<128xi32, #tpu.memory_space<hbm>>
        %dma_start3A_94 = tpu.memref_slice %arg3[%add3A_82] : memref<327680xi32, #tpu.memory_space<hbm>> -> memref<128xi32, #tpu.memory_space<hbm>>
        tpu.enqueue_dma source(%dma_start3A_94 : memref<128xi32, #tpu.memory_space<hbm>>) target(%arg7 : memref<128xi32, #tpu.memory_space<vmem>>) target_semaphore(%run_scoped3A : memref<!tpu.dma_semaphore, #tpu.memory_space<semaphore_mem>>)
        %dma_wait3A_95 = tpu.memref_slice %arg3[%add3A_82] : memref<327680xi32, #tpu.memory_space<hbm>> -> memref<128xi32, #tpu.memory_space<hbm>>
        %dma_wait3A_96 = tpu.memref_slice %arg3[%add3A_82] : memref<327680xi32, #tpu.memory_space<hbm>> -> memref<128xi32, #tpu.memory_space<hbm>>
        tpu.wait_dma2 semaphore(%run_scoped3A : memref<!tpu.dma_semaphore, #tpu.memory_space<semaphore_mem>>) src(%dma_wait3A_96 : memref<128xi32, #tpu.memory_space<hbm>>) dst(%arg7 : memref<128xi32, #tpu.memory_space<vmem>>)
        tpu.yield
      }) : () -> ()
      "tpu.region"() ({
        %run_scoped3A = tpu.sem_alloc : memref<!tpu.dma_semaphore, #tpu.memory_space<semaphore_mem>>
        %dma_start3A_93 = tpu.memref_slice %arg4[%add3A_82] : memref<327680xi32, #tpu.memory_space<hbm>> -> memref<128xi32, #tpu.memory_space<hbm>>
        %dma_start3A_94 = tpu.memref_slice %arg4[%add3A_82] : memref<327680xi32, #tpu.memory_space<hbm>> -> memref<128xi32, #tpu.memory_space<hbm>>
        tpu.enqueue_dma source(%dma_start3A_94 : memref<128xi32, #tpu.memory_space<hbm>>) target(%arg8 : memref<128xi32, #tpu.memory_space<vmem>>) target_semaphore(%run_scoped3A : memref<!tpu.dma_semaphore, #tpu.memory_space<semaphore_mem>>)
        %dma_wait3A_95 = tpu.memref_slice %arg4[%add3A_82] : memref<327680xi32, #tpu.memory_space<hbm>> -> memref<128xi32, #tpu.memory_space<hbm>>
        %dma_wait3A_96 = tpu.memref_slice %arg4[%add3A_82] : memref<327680xi32, #tpu.memory_space<hbm>> -> memref<128xi32, #tpu.memory_space<hbm>>
        tpu.wait_dma2 semaphore(%run_scoped3A : memref<!tpu.dma_semaphore, #tpu.memory_space<semaphore_mem>>) src(%dma_wait3A_96 : memref<128xi32, #tpu.memory_space<hbm>>) dst(%arg8 : memref<128xi32, #tpu.memory_space<vmem>>)
        tpu.yield
      }) : () -> ()
      "tpu.region"() ({
        %run_scoped3A = tpu.sem_alloc : memref<!tpu.dma_semaphore, #tpu.memory_space<semaphore_mem>>
        %dma_start3A_93 = tpu.memref_slice %arg5[%add3A_82] : memref<327680xi32, #tpu.memory_space<hbm>> -> memref<128xi32, #tpu.memory_space<hbm>>
        %dma_start3A_94 = tpu.memref_slice %arg5[%add3A_82] : memref<327680xi32, #tpu.memory_space<hbm>> -> memref<128xi32, #tpu.memory_space<hbm>>
        tpu.enqueue_dma source(%dma_start3A_94 : memref<128xi32, #tpu.memory_space<hbm>>) target(%arg9 : memref<128xi32, #tpu.memory_space<vmem>>) target_semaphore(%run_scoped3A : memref<!tpu.dma_semaphore, #tpu.memory_space<semaphore_mem>>)
        %dma_wait3A_95 = tpu.memref_slice %arg5[%add3A_82] : memref<327680xi32, #tpu.memory_space<hbm>> -> memref<128xi32, #tpu.memory_space<hbm>>
        %dma_wait3A_96 = tpu.memref_slice %arg5[%add3A_82] : memref<327680xi32, #tpu.memory_space<hbm>> -> memref<128xi32, #tpu.memory_space<hbm>>
        tpu.wait_dma2 semaphore(%run_scoped3A : memref<!tpu.dma_semaphore, #tpu.memory_space<semaphore_mem>>) src(%dma_wait3A_96 : memref<128xi32, #tpu.memory_space<hbm>>) dst(%arg9 : memref<128xi32, #tpu.memory_space<vmem>>)
        tpu.yield
      }) : () -> ()
      %scan3A_83 = arith.constant 0 : i32
      %scan3A_84 = arith.constant 0 : i32
      %scan3A_85 = arith.constant 8 : i32
      %scan3A_86 = arith.addi %scan3A_84, %scan3A_85 : i32
      %scan3A_87 = arith.constant 1 : i32
      scf.for %scan3A_93 = %scan3A_84 to %scan3A_86 step %scan3A_87  : i32 {
        %mul3A_94 = arith.constant 16 : i32
        %mul3A_95 = arith.muli %scan3A_93, %mul3A_94 : i32
        %get3A = arith.index_cast %mul3A_95 : i32 to index
        %get3A_96 = tpu.vector_load %arg7[%get3A] {strides = array<i32>} : memref<128xi32, #tpu.memory_space<vmem>>, vector<16xi32>,
        %get3A_97 = vector.shape_cast %get3A_96 : vector<16xi32> to vector<16xi32>
        %mul3A_98 = arith.constant 2 : i32
        %mul3A_99 = vector.broadcast %mul3A_98 : i32 to vector<16xi32>
        %mul3A_100 = arith.muli %get3A_97, %mul3A_99 : vector<16xi32>
        %add3A_101 = vector.broadcast %arg0 : i32 to vector<16xi32>
        %add3A_102 = arith.addi %mul3A_100, %add3A_101 : vector<16xi32>
        %swap3A = arith.index_cast %mul3A_95 : i32 to index
        %swap3A_103 = tpu.vector_load %arg10[%swap3A] {strides = array<i32>} : memref<128xi32, #tpu.memory_space<vmem>>, vector<16xi32>,
        %swap3A_104 = vector.shape_cast %swap3A_103 : vector<16xi32> to vector<16xi32>
        %swap3A_105 = vector.shape_cast %add3A_102 : vector<16xi32> to vector<16xi32>
        tpu.vector_store %arg10[%swap3A], %swap3A_105 {strides = array<i32>} : memref<128xi32, #tpu.memory_space<vmem>>, vector<16xi32>,
        %get3A_106 = arith.index_cast %mul3A_95 : i32 to index
        %get3A_107 = tpu.vector_load %arg9[%get3A_106] {strides = array<i32>} : memref<128xi32, #tpu.memory_space<vmem>>, vector<16xi32>,
        %get3A_108 = vector.shape_cast %get3A_107 : vector<16xi32> to vector<16xi32>
        %mul3A_109 = arith.constant 10000 : i32
        %mul3A_110 = vector.broadcast %mul3A_109 : i32 to vector<16xi32>
        %mul3A_111 = arith.muli %get3A_108, %mul3A_110 : vector<16xi32>
        %get3A_112 = arith.index_cast %mul3A_95 : i32 to index
        %get3A_113 = tpu.vector_load %arg8[%get3A_112] {strides = array<i32>} : memref<128xi32, #tpu.memory_space<vmem>>, vector<16xi32>,
        %get3A_114 = vector.shape_cast %get3A_113 : vector<16xi32> to vector<16xi32>
        %add3A_115 = arith.addi %mul3A_111, %get3A_114 : vector<16xi32>
        %swap3A_116 = arith.index_cast %mul3A_95 : i32 to index
        %swap3A_117 = tpu.vector_load %arg11[%swap3A_116] {strides = array<i32>} : memref<128xi32, #tpu.memory_space<vmem>>, vector<16xi32>,
        %swap3A_118 = vector.shape_cast %swap3A_117 : vector<16xi32> to vector<16xi32>
        %swap3A_119 = vector.shape_cast %add3A_115 : vector<16xi32> to vector<16xi32>
        tpu.vector_store %arg11[%swap3A_116], %swap3A_119 {strides = array<i32>} : memref<128xi32, #tpu.memory_space<vmem>>, vector<16xi32>,
      }
      %scan3A_88 = arith.constant 8 : i32
      %dma_start3A = arith.constant 0 : i32
      %dma_start3A_89 = arith.constant 0 : i32
      %dma_start3A_90 = tpu.memref_slice %arg2[%dma_start3A, %dma_start3A_89] : memref<20000x64xf32, #tpu.memory_space<hbm>> -> memref<20000x64xf32, #tpu.memory_space<hbm>>
      tpu.enqueue_indirect_dma source(%dma_start3A_90 : memref<20000x64xf32, #tpu.memory_space<hbm>>) target(%arg12 : memref<128x64xf32, #tpu.memory_space<vmem>>) offsets(%arg10 : memref<128xi32, #tpu.memory_space<vmem>>) semaphore(%arg14 : memref<!tpu.dma_semaphore, #tpu.memory_space<semaphore_mem>>)
      %dma_wait3A = arith.constant 0 : i32
      %dma_wait3A_91 = arith.constant 0 : i32
      %dma_wait3A_92 = tpu.memref_slice %arg2[%dma_wait3A, %dma_wait3A_91] : memref<20000x64xf32, #tpu.memory_space<hbm>> -> memref<20000x64xf32, #tpu.memory_space<hbm>>
      tpu.wait_indirect_dma semaphore(%arg14 : memref<!tpu.dma_semaphore, #tpu.memory_space<semaphore_mem>>) src(%dma_wait3A_92 : memref<20000x64xf32, #tpu.memory_space<hbm>>) dst(%arg12 : memref<128x64xf32, #tpu.memory_space<vmem>>)
      "tpu.region"() ({
        %run_scoped3A = tpu.sem_alloc : memref<!tpu.dma_semaphore, #tpu.memory_space<semaphore_mem>>
        %dma_start3A_93 = arith.constant 0 : i32
        %dma_start3A_94 = arith.constant 0 : i32
        %dma_start3A_95 = tpu.memref_slice %arg13[%dma_start3A_93, %dma_start3A_94] : memref<30016x64xf32, #tpu.memory_space<vmem_shared>> -> memref<30016x64xf32, #tpu.memory_space<vmem_shared>>
        tpu.enqueue_indirect_dma source(%arg12 : memref<128x64xf32, #tpu.memory_space<vmem>>) target(%dma_start3A_95 : memref<30016x64xf32, #tpu.memory_space<vmem_shared>>) offsets(%arg11 : memref<128xi32, #tpu.memory_space<vmem>>) semaphore(%run_scoped3A : memref<!tpu.dma_semaphore, #tpu.memory_space<semaphore_mem>>) {add = true}
        %dma_wait3A_96 = arith.constant 0 : i32
        %dma_wait3A_97 = arith.constant 0 : i32
        %dma_wait3A_98 = tpu.memref_slice %arg13[%dma_wait3A_96, %dma_wait3A_97] : memref<30016x64xf32, #tpu.memory_space<vmem_shared>> -> memref<30016x64xf32, #tpu.memory_space<vmem_shared>>
        tpu.wait_indirect_dma semaphore(%run_scoped3A : memref<!tpu.dma_semaphore, #tpu.memory_space<semaphore_mem>>) src(%arg12 : memref<128x64xf32, #tpu.memory_space<vmem>>) dst(%dma_wait3A_98 : memref<30016x64xf32, #tpu.memory_space<vmem_shared>>)
        tpu.yield
      }) : () -> ()
    }
    %scan3A_71 = arith.constant 160 : i32
    %barrier3A_72 = arith.constant 0 : index
    tpu.barrier barrier_id(%barrier3A_72)
    %mul3A_73 = arith.constant 1876 : i32
    %mul3A_74 = arith.muli %arg1, %mul3A_73 : i32
    %mul3A_75 = arith.constant 1876 : i32
    %mul3A_76 = arith.muli %arg1, %mul3A_75 : i32
    %mul3A_77 = arith.constant 64 : i32
    %mul3A_78 = arith.muli %arg0, %mul3A_77 : i32
    "tpu.region"() ({
      %run_scoped3A = tpu.sem_alloc : memref<!tpu.dma_semaphore, #tpu.memory_space<semaphore_mem>>
      %dma_start3A = tpu.memref_slice %arg6[%mul3A_76, %mul3A_78] : memref<30016x128xf32, #tpu.memory_space<hbm>> -> memref<1876x64xf32, #tpu.memory_space<hbm>>
      %dma_start3A_79 = arith.constant 0 : i32
      %dma_start3A_80 = tpu.memref_slice %arg13[%mul3A_74, %dma_start3A_79] : memref<30016x64xf32, #tpu.memory_space<vmem_shared>> -> memref<1876x64xf32, #tpu.memory_space<vmem_shared>>
      tpu.enqueue_dma source(%dma_start3A_80 : memref<1876x64xf32, #tpu.memory_space<vmem_shared>>) target(%dma_start3A : memref<1876x64xf32, #tpu.memory_space<hbm>>) target_semaphore(%run_scoped3A : memref<!tpu.dma_semaphore, #tpu.memory_space<semaphore_mem>>)
      %dma_wait3A = tpu.memref_slice %arg6[%mul3A_76, %mul3A_78] : memref<30016x128xf32, #tpu.memory_space<hbm>> -> memref<1876x64xf32, #tpu.memory_space<hbm>>
      %dma_wait3A_81 = arith.constant 0 : i32
      %dma_wait3A_82 = tpu.memref_slice %arg13[%mul3A_74, %dma_wait3A_81] : memref<30016x64xf32, #tpu.memory_space<vmem_shared>> -> memref<1876x64xf32, #tpu.memory_space<vmem_shared>>
      tpu.wait_dma2 semaphore(%run_scoped3A : memref<!tpu.dma_semaphore, #tpu.memory_space<semaphore_mem>>) src(%dma_wait3A_82 : memref<1876x64xf32, #tpu.memory_space<vmem_shared>>) dst(%dma_wait3A : memref<1876x64xf32, #tpu.memory_space<hbm>>)
      tpu.yield
    }) : () -> ()
    return
  }
}

#map = affine_map<(d0, d1) -> (0, 0)>
#map1 = affine_map<(d0, d1) -> (0)>
module attributes {stable_mosaic.version = 14 : i64} {
  func.func @body(%arg0: i32, %arg1: i32, %arg2: memref<20000x64xf32, #tpu.memory_space<hbm>>, %arg3: memref<327680xi32, #tpu.memory_space<hbm>>, %arg4: memref<327680xi32, #tpu.memory_space<hbm>>, %arg5: memref<327680xi32, #tpu.memory_space<hbm>>, %arg6: memref<30016x128xf32, #tpu.memory_space<hbm>>, %arg7: memref<128xi32, #tpu.memory_space<vmem>>, %arg8: memref<128xi32, #tpu.memory_space<vmem>>, %arg9: memref<128xi32, #tpu.memory_space<vmem>>, %arg10: memref<128xi32, #tpu.memory_space<vmem>>, %arg11: memref<128xi32, #tpu.memory_space<vmem>>, %arg12: memref<128x64xf32, #tpu.memory_space<vmem>>, %arg13: memref<30016x64xf32, #tpu.memory_space<vmem_shared>>, %arg14: memref<!tpu.dma_semaphore, #tpu.memory_space<semaphore_mem>>) attributes {dimension_semantics = [#tpu.dimension_semantics<core_parallel>, #tpu.dimension_semantics<subcore_parallel>], iteration_bounds = array<i64: 2, 16>, scalar_prefetch = 0 : i64, scratch_operands = 8 : i64, tpu.core_type = #tpu.core_type<sc_vector_subcore>, window_params = [{transform_indices = #map}, {transform_indices = #map1}, {transform_indices = #map1}, {transform_indices = #map1}, {transform_indices = #map}]} {
    %broadcast_in_dim3A = arith.constant 0.000000e+00 : f32
    %broadcast_in_dim3A_0 = vector.broadcast %broadcast_in_dim3A : f32 to vector<16xf32>
    %scan3A = arith.constant 0 : i32
    %scan3A_1 = arith.constant 0 : i32
    %scan3A_2 = arith.constant 128 : i32
    %scan3A_3 = arith.addi %scan3A_1, %scan3A_2 : i32
    %scan3A_4 = arith.constant 1 : i32
    scf.for %scan3A_79 = %scan3A_1 to %scan3A_3 step %scan3A_4  : i32 {
      %scan3A_80 = arith.constant 0 : i32
      %scan3A_81 = arith.constant 4 : i32
      %scan3A_82 = arith.addi %scan3A_80, %scan3A_81 : i32
      %scan3A_83 = arith.constant 1 : i32
      scf.for %scan3A_85 = %scan3A_80 to %scan3A_82 step %scan3A_83  : i32 {
        %mul3A_86 = arith.constant 16 : i32
        %mul3A_87 = arith.muli %scan3A_85, %mul3A_86 : i32
        %swap3A = arith.index_cast %scan3A_79 : i32 to index
        %swap3A_88 = arith.index_cast %mul3A_87 : i32 to index
        %swap3A_89 = tpu.vector_load %arg12[%swap3A, %swap3A_88] {strides = array<i32>} : memref<128x64xf32, #tpu.memory_space<vmem>>, vector<1x16xf32>,
        %swap3A_90 = vector.shape_cast %swap3A_89 : vector<1x16xf32> to vector<16xf32>
        %swap3A_91 = vector.shape_cast %broadcast_in_dim3A_0 : vector<16xf32> to vector<1x16xf32>
        tpu.vector_store %arg12[%swap3A, %swap3A_88], %swap3A_91 {strides = array<i32>} : memref<128x64xf32, #tpu.memory_space<vmem>>, vector<1x16xf32>,
      }
      %scan3A_84 = arith.constant 4 : i32
    }
    %scan3A_5 = arith.constant 128 : i32
    %mul3A = arith.constant 1876 : i32
    %mul3A_6 = arith.muli %arg1, %mul3A : i32
    %add3A = arith.constant 0 : i32
    %add3A_7 = arith.addi %mul3A_6, %add3A : i32
    "tpu.region"() ({
      %run_scoped3A = tpu.sem_alloc : memref<!tpu.dma_semaphore, #tpu.memory_space<semaphore_mem>>
      %dma_start3A = arith.constant 0 : i32
      %dma_start3A_79 = tpu.memref_slice %arg13[%add3A_7, %dma_start3A] : memref<30016x64xf32, #tpu.memory_space<vmem_shared>> -> memref<128x64xf32, #tpu.memory_space<vmem_shared>>
      %dma_start3A_80 = arith.constant 0 : i32
      %dma_start3A_81 = tpu.memref_slice %arg13[%add3A_7, %dma_start3A_80] : memref<30016x64xf32, #tpu.memory_space<vmem_shared>> -> memref<128x64xf32, #tpu.memory_space<vmem_shared>>
      tpu.enqueue_dma source(%arg12 : memref<128x64xf32, #tpu.memory_space<vmem>>) target(%dma_start3A_81 : memref<128x64xf32, #tpu.memory_space<vmem_shared>>) target_semaphore(%run_scoped3A : memref<!tpu.dma_semaphore, #tpu.memory_space<semaphore_mem>>)
      %dma_wait3A = arith.constant 0 : i32
      %dma_wait3A_82 = tpu.memref_slice %arg13[%add3A_7, %dma_wait3A] : memref<30016x64xf32, #tpu.memory_space<vmem_shared>> -> memref<128x64xf32, #tpu.memory_space<vmem_shared>>
      %dma_wait3A_83 = arith.constant 0 : i32
      %dma_wait3A_84 = tpu.memref_slice %arg13[%add3A_7, %dma_wait3A_83] : memref<30016x64xf32, #tpu.memory_space<vmem_shared>> -> memref<128x64xf32, #tpu.memory_space<vmem_shared>>
      tpu.wait_dma2 semaphore(%run_scoped3A : memref<!tpu.dma_semaphore, #tpu.memory_space<semaphore_mem>>) src(%arg12 : memref<128x64xf32, #tpu.memory_space<vmem>>) dst(%dma_wait3A_84 : memref<128x64xf32, #tpu.memory_space<vmem_shared>>)
      tpu.yield
    }) : () -> ()
    %mul3A_8 = arith.constant 1876 : i32
    %mul3A_9 = arith.muli %arg1, %mul3A_8 : i32
    %add3A_10 = arith.constant 128 : i32
    %add3A_11 = arith.addi %mul3A_9, %add3A_10 : i32
    "tpu.region"() ({
      %run_scoped3A = tpu.sem_alloc : memref<!tpu.dma_semaphore, #tpu.memory_space<semaphore_mem>>
      %dma_start3A = arith.constant 0 : i32
      %dma_start3A_79 = tpu.memref_slice %arg13[%add3A_11, %dma_start3A] : memref<30016x64xf32, #tpu.memory_space<vmem_shared>> -> memref<128x64xf32, #tpu.memory_space<vmem_shared>>
      %dma_start3A_80 = arith.constant 0 : i32
      %dma_start3A_81 = tpu.memref_slice %arg13[%add3A_11, %dma_start3A_80] : memref<30016x64xf32, #tpu.memory_space<vmem_shared>> -> memref<128x64xf32, #tpu.memory_space<vmem_shared>>
      tpu.enqueue_dma source(%arg12 : memref<128x64xf32, #tpu.memory_space<vmem>>) target(%dma_start3A_81 : memref<128x64xf32, #tpu.memory_space<vmem_shared>>) target_semaphore(%run_scoped3A : memref<!tpu.dma_semaphore, #tpu.memory_space<semaphore_mem>>)
      %dma_wait3A = arith.constant 0 : i32
      %dma_wait3A_82 = tpu.memref_slice %arg13[%add3A_11, %dma_wait3A] : memref<30016x64xf32, #tpu.memory_space<vmem_shared>> -> memref<128x64xf32, #tpu.memory_space<vmem_shared>>
      %dma_wait3A_83 = arith.constant 0 : i32
      %dma_wait3A_84 = tpu.memref_slice %arg13[%add3A_11, %dma_wait3A_83] : memref<30016x64xf32, #tpu.memory_space<vmem_shared>> -> memref<128x64xf32, #tpu.memory_space<vmem_shared>>
      tpu.wait_dma2 semaphore(%run_scoped3A : memref<!tpu.dma_semaphore, #tpu.memory_space<semaphore_mem>>) src(%arg12 : memref<128x64xf32, #tpu.memory_space<vmem>>) dst(%dma_wait3A_84 : memref<128x64xf32, #tpu.memory_space<vmem_shared>>)
      tpu.yield
    }) : () -> ()
    %mul3A_12 = arith.constant 1876 : i32
    %mul3A_13 = arith.muli %arg1, %mul3A_12 : i32
    %add3A_14 = arith.constant 256 : i32
    %add3A_15 = arith.addi %mul3A_13, %add3A_14 : i32
    "tpu.region"() ({
      %run_scoped3A = tpu.sem_alloc : memref<!tpu.dma_semaphore, #tpu.memory_space<semaphore_mem>>
      %dma_start3A = arith.constant 0 : i32
      %dma_start3A_79 = tpu.memref_slice %arg13[%add3A_15, %dma_start3A] : memref<30016x64xf32, #tpu.memory_space<vmem_shared>> -> memref<128x64xf32, #tpu.memory_space<vmem_shared>>
      %dma_start3A_80 = arith.constant 0 : i32
      %dma_start3A_81 = tpu.memref_slice %arg13[%add3A_15, %dma_start3A_80] : memref<30016x64xf32, #tpu.memory_space<vmem_shared>> -> memref<128x64xf32, #tpu.memory_space<vmem_shared>>
      tpu.enqueue_dma source(%arg12 : memref<128x64xf32, #tpu.memory_space<vmem>>) target(%dma_start3A_81 : memref<128x64xf32, #tpu.memory_space<vmem_shared>>) target_semaphore(%run_scoped3A : memref<!tpu.dma_semaphore, #tpu.memory_space<semaphore_mem>>)
      %dma_wait3A = arith.constant 0 : i32
      %dma_wait3A_82 = tpu.memref_slice %arg13[%add3A_15, %dma_wait3A] : memref<30016x64xf32, #tpu.memory_space<vmem_shared>> -> memref<128x64xf32, #tpu.memory_space<vmem_shared>>
      %dma_wait3A_83 = arith.constant 0 : i32
      %dma_wait3A_84 = tpu.memref_slice %arg13[%add3A_15, %dma_wait3A_83] : memref<30016x64xf32, #tpu.memory_space<vmem_shared>> -> memref<128x64xf32, #tpu.memory_space<vmem_shared>>
      tpu.wait_dma2 semaphore(%run_scoped3A : memref<!tpu.dma_semaphore, #tpu.memory_space<semaphore_mem>>) src(%arg12 : memref<128x64xf32, #tpu.memory_space<vmem>>) dst(%dma_wait3A_84 : memref<128x64xf32, #tpu.memory_space<vmem_shared>>)
      tpu.yield
    }) : () -> ()
    %mul3A_16 = arith.constant 1876 : i32
    %mul3A_17 = arith.muli %arg1, %mul3A_16 : i32
    %add3A_18 = arith.constant 384 : i32
    %add3A_19 = arith.addi %mul3A_17, %add3A_18 : i32
    "tpu.region"() ({
      %run_scoped3A = tpu.sem_alloc : memref<!tpu.dma_semaphore, #tpu.memory_space<semaphore_mem>>
      %dma_start3A = arith.constant 0 : i32
      %dma_start3A_79 = tpu.memref_slice %arg13[%add3A_19, %dma_start3A] : memref<30016x64xf32, #tpu.memory_space<vmem_shared>> -> memref<128x64xf32, #tpu.memory_space<vmem_shared>>
      %dma_start3A_80 = arith.constant 0 : i32
      %dma_start3A_81 = tpu.memref_slice %arg13[%add3A_19, %dma_start3A_80] : memref<30016x64xf32, #tpu.memory_space<vmem_shared>> -> memref<128x64xf32, #tpu.memory_space<vmem_shared>>
      tpu.enqueue_dma source(%arg12 : memref<128x64xf32, #tpu.memory_space<vmem>>) target(%dma_start3A_81 : memref<128x64xf32, #tpu.memory_space<vmem_shared>>) target_semaphore(%run_scoped3A : memref<!tpu.dma_semaphore, #tpu.memory_space<semaphore_mem>>)
      %dma_wait3A = arith.constant 0 : i32
      %dma_wait3A_82 = tpu.memref_slice %arg13[%add3A_19, %dma_wait3A] : memref<30016x64xf32, #tpu.memory_space<vmem_shared>> -> memref<128x64xf32, #tpu.memory_space<vmem_shared>>
      %dma_wait3A_83 = arith.constant 0 : i32
      %dma_wait3A_84 = tpu.memref_slice %arg13[%add3A_19, %dma_wait3A_83] : memref<30016x64xf32, #tpu.memory_space<vmem_shared>> -> memref<128x64xf32, #tpu.memory_space<vmem_shared>>
      tpu.wait_dma2 semaphore(%run_scoped3A : memref<!tpu.dma_semaphore, #tpu.memory_space<semaphore_mem>>) src(%arg12 : memref<128x64xf32, #tpu.memory_space<vmem>>) dst(%dma_wait3A_84 : memref<128x64xf32, #tpu.memory_space<vmem_shared>>)
      tpu.yield
    }) : () -> ()
    %mul3A_20 = arith.constant 1876 : i32
    %mul3A_21 = arith.muli %arg1, %mul3A_20 : i32
    %add3A_22 = arith.constant 512 : i32
    %add3A_23 = arith.addi %mul3A_21, %add3A_22 : i32
    "tpu.region"() ({
      %run_scoped3A = tpu.sem_alloc : memref<!tpu.dma_semaphore, #tpu.memory_space<semaphore_mem>>
      %dma_start3A = arith.constant 0 : i32
      %dma_start3A_79 = tpu.memref_slice %arg13[%add3A_23, %dma_start3A] : memref<30016x64xf32, #tpu.memory_space<vmem_shared>> -> memref<128x64xf32, #tpu.memory_space<vmem_shared>>
      %dma_start3A_80 = arith.constant 0 : i32
      %dma_start3A_81 = tpu.memref_slice %arg13[%add3A_23, %dma_start3A_80] : memref<30016x64xf32, #tpu.memory_space<vmem_shared>> -> memref<128x64xf32, #tpu.memory_space<vmem_shared>>
      tpu.enqueue_dma source(%arg12 : memref<128x64xf32, #tpu.memory_space<vmem>>) target(%dma_start3A_81 : memref<128x64xf32, #tpu.memory_space<vmem_shared>>) target_semaphore(%run_scoped3A : memref<!tpu.dma_semaphore, #tpu.memory_space<semaphore_mem>>)
      %dma_wait3A = arith.constant 0 : i32
      %dma_wait3A_82 = tpu.memref_slice %arg13[%add3A_23, %dma_wait3A] : memref<30016x64xf32, #tpu.memory_space<vmem_shared>> -> memref<128x64xf32, #tpu.memory_space<vmem_shared>>
      %dma_wait3A_83 = arith.constant 0 : i32
      %dma_wait3A_84 = tpu.memref_slice %arg13[%add3A_23, %dma_wait3A_83] : memref<30016x64xf32, #tpu.memory_space<vmem_shared>> -> memref<128x64xf32, #tpu.memory_space<vmem_shared>>
      tpu.wait_dma2 semaphore(%run_scoped3A : memref<!tpu.dma_semaphore, #tpu.memory_space<semaphore_mem>>) src(%arg12 : memref<128x64xf32, #tpu.memory_space<vmem>>) dst(%dma_wait3A_84 : memref<128x64xf32, #tpu.memory_space<vmem_shared>>)
      tpu.yield
    }) : () -> ()
    %mul3A_24 = arith.constant 1876 : i32
    %mul3A_25 = arith.muli %arg1, %mul3A_24 : i32
    %add3A_26 = arith.constant 640 : i32
    %add3A_27 = arith.addi %mul3A_25, %add3A_26 : i32
    "tpu.region"() ({
      %run_scoped3A = tpu.sem_alloc : memref<!tpu.dma_semaphore, #tpu.memory_space<semaphore_mem>>
      %dma_start3A = arith.constant 0 : i32
      %dma_start3A_79 = tpu.memref_slice %arg13[%add3A_27, %dma_start3A] : memref<30016x64xf32, #tpu.memory_space<vmem_shared>> -> memref<128x64xf32, #tpu.memory_space<vmem_shared>>
      %dma_start3A_80 = arith.constant 0 : i32
      %dma_start3A_81 = tpu.memref_slice %arg13[%add3A_27, %dma_start3A_80] : memref<30016x64xf32, #tpu.memory_space<vmem_shared>> -> memref<128x64xf32, #tpu.memory_space<vmem_shared>>
      tpu.enqueue_dma source(%arg12 : memref<128x64xf32, #tpu.memory_space<vmem>>) target(%dma_start3A_81 : memref<128x64xf32, #tpu.memory_space<vmem_shared>>) target_semaphore(%run_scoped3A : memref<!tpu.dma_semaphore, #tpu.memory_space<semaphore_mem>>)
      %dma_wait3A = arith.constant 0 : i32
      %dma_wait3A_82 = tpu.memref_slice %arg13[%add3A_27, %dma_wait3A] : memref<30016x64xf32, #tpu.memory_space<vmem_shared>> -> memref<128x64xf32, #tpu.memory_space<vmem_shared>>
      %dma_wait3A_83 = arith.constant 0 : i32
      %dma_wait3A_84 = tpu.memref_slice %arg13[%add3A_27, %dma_wait3A_83] : memref<30016x64xf32, #tpu.memory_space<vmem_shared>> -> memref<128x64xf32, #tpu.memory_space<vmem_shared>>
      tpu.wait_dma2 semaphore(%run_scoped3A : memref<!tpu.dma_semaphore, #tpu.memory_space<semaphore_mem>>) src(%arg12 : memref<128x64xf32, #tpu.memory_space<vmem>>) dst(%dma_wait3A_84 : memref<128x64xf32, #tpu.memory_space<vmem_shared>>)
      tpu.yield
    }) : () -> ()
    %mul3A_28 = arith.constant 1876 : i32
    %mul3A_29 = arith.muli %arg1, %mul3A_28 : i32
    %add3A_30 = arith.constant 768 : i32
    %add3A_31 = arith.addi %mul3A_29, %add3A_30 : i32
    "tpu.region"() ({
      %run_scoped3A = tpu.sem_alloc : memref<!tpu.dma_semaphore, #tpu.memory_space<semaphore_mem>>
      %dma_start3A = arith.constant 0 : i32
      %dma_start3A_79 = tpu.memref_slice %arg13[%add3A_31, %dma_start3A] : memref<30016x64xf32, #tpu.memory_space<vmem_shared>> -> memref<128x64xf32, #tpu.memory_space<vmem_shared>>
      %dma_start3A_80 = arith.constant 0 : i32
      %dma_start3A_81 = tpu.memref_slice %arg13[%add3A_31, %dma_start3A_80] : memref<30016x64xf32, #tpu.memory_space<vmem_shared>> -> memref<128x64xf32, #tpu.memory_space<vmem_shared>>
      tpu.enqueue_dma source(%arg12 : memref<128x64xf32, #tpu.memory_space<vmem>>) target(%dma_start3A_81 : memref<128x64xf32, #tpu.memory_space<vmem_shared>>) target_semaphore(%run_scoped3A : memref<!tpu.dma_semaphore, #tpu.memory_space<semaphore_mem>>)
      %dma_wait3A = arith.constant 0 : i32
      %dma_wait3A_82 = tpu.memref_slice %arg13[%add3A_31, %dma_wait3A] : memref<30016x64xf32, #tpu.memory_space<vmem_shared>> -> memref<128x64xf32, #tpu.memory_space<vmem_shared>>
      %dma_wait3A_83 = arith.constant 0 : i32
      %dma_wait3A_84 = tpu.memref_slice %arg13[%add3A_31, %dma_wait3A_83] : memref<30016x64xf32, #tpu.memory_space<vmem_shared>> -> memref<128x64xf32, #tpu.memory_space<vmem_shared>>
      tpu.wait_dma2 semaphore(%run_scoped3A : memref<!tpu.dma_semaphore, #tpu.memory_space<semaphore_mem>>) src(%arg12 : memref<128x64xf32, #tpu.memory_space<vmem>>) dst(%dma_wait3A_84 : memref<128x64xf32, #tpu.memory_space<vmem_shared>>)
      tpu.yield
    }) : () -> ()
    %mul3A_32 = arith.constant 1876 : i32
    %mul3A_33 = arith.muli %arg1, %mul3A_32 : i32
    %add3A_34 = arith.constant 896 : i32
    %add3A_35 = arith.addi %mul3A_33, %add3A_34 : i32
    "tpu.region"() ({
      %run_scoped3A = tpu.sem_alloc : memref<!tpu.dma_semaphore, #tpu.memory_space<semaphore_mem>>
      %dma_start3A = arith.constant 0 : i32
      %dma_start3A_79 = tpu.memref_slice %arg13[%add3A_35, %dma_start3A] : memref<30016x64xf32, #tpu.memory_space<vmem_shared>> -> memref<128x64xf32, #tpu.memory_space<vmem_shared>>
      %dma_start3A_80 = arith.constant 0 : i32
      %dma_start3A_81 = tpu.memref_slice %arg13[%add3A_35, %dma_start3A_80] : memref<30016x64xf32, #tpu.memory_space<vmem_shared>> -> memref<128x64xf32, #tpu.memory_space<vmem_shared>>
      tpu.enqueue_dma source(%arg12 : memref<128x64xf32, #tpu.memory_space<vmem>>) target(%dma_start3A_81 : memref<128x64xf32, #tpu.memory_space<vmem_shared>>) target_semaphore(%run_scoped3A : memref<!tpu.dma_semaphore, #tpu.memory_space<semaphore_mem>>)
      %dma_wait3A = arith.constant 0 : i32
      %dma_wait3A_82 = tpu.memref_slice %arg13[%add3A_35, %dma_wait3A] : memref<30016x64xf32, #tpu.memory_space<vmem_shared>> -> memref<128x64xf32, #tpu.memory_space<vmem_shared>>
      %dma_wait3A_83 = arith.constant 0 : i32
      %dma_wait3A_84 = tpu.memref_slice %arg13[%add3A_35, %dma_wait3A_83] : memref<30016x64xf32, #tpu.memory_space<vmem_shared>> -> memref<128x64xf32, #tpu.memory_space<vmem_shared>>
      tpu.wait_dma2 semaphore(%run_scoped3A : memref<!tpu.dma_semaphore, #tpu.memory_space<semaphore_mem>>) src(%arg12 : memref<128x64xf32, #tpu.memory_space<vmem>>) dst(%dma_wait3A_84 : memref<128x64xf32, #tpu.memory_space<vmem_shared>>)
      tpu.yield
    }) : () -> ()
    %mul3A_36 = arith.constant 1876 : i32
    %mul3A_37 = arith.muli %arg1, %mul3A_36 : i32
    %add3A_38 = arith.constant 1024 : i32
    %add3A_39 = arith.addi %mul3A_37, %add3A_38 : i32
    "tpu.region"() ({
      %run_scoped3A = tpu.sem_alloc : memref<!tpu.dma_semaphore, #tpu.memory_space<semaphore_mem>>
      %dma_start3A = arith.constant 0 : i32
      %dma_start3A_79 = tpu.memref_slice %arg13[%add3A_39, %dma_start3A] : memref<30016x64xf32, #tpu.memory_space<vmem_shared>> -> memref<128x64xf32, #tpu.memory_space<vmem_shared>>
      %dma_start3A_80 = arith.constant 0 : i32
      %dma_start3A_81 = tpu.memref_slice %arg13[%add3A_39, %dma_start3A_80] : memref<30016x64xf32, #tpu.memory_space<vmem_shared>> -> memref<128x64xf32, #tpu.memory_space<vmem_shared>>
      tpu.enqueue_dma source(%arg12 : memref<128x64xf32, #tpu.memory_space<vmem>>) target(%dma_start3A_81 : memref<128x64xf32, #tpu.memory_space<vmem_shared>>) target_semaphore(%run_scoped3A : memref<!tpu.dma_semaphore, #tpu.memory_space<semaphore_mem>>)
      %dma_wait3A = arith.constant 0 : i32
      %dma_wait3A_82 = tpu.memref_slice %arg13[%add3A_39, %dma_wait3A] : memref<30016x64xf32, #tpu.memory_space<vmem_shared>> -> memref<128x64xf32, #tpu.memory_space<vmem_shared>>
      %dma_wait3A_83 = arith.constant 0 : i32
      %dma_wait3A_84 = tpu.memref_slice %arg13[%add3A_39, %dma_wait3A_83] : memref<30016x64xf32, #tpu.memory_space<vmem_shared>> -> memref<128x64xf32, #tpu.memory_space<vmem_shared>>
      tpu.wait_dma2 semaphore(%run_scoped3A : memref<!tpu.dma_semaphore, #tpu.memory_space<semaphore_mem>>) src(%arg12 : memref<128x64xf32, #tpu.memory_space<vmem>>) dst(%dma_wait3A_84 : memref<128x64xf32, #tpu.memory_space<vmem_shared>>)
      tpu.yield
    }) : () -> ()
    %mul3A_40 = arith.constant 1876 : i32
    %mul3A_41 = arith.muli %arg1, %mul3A_40 : i32
    %add3A_42 = arith.constant 1152 : i32
    %add3A_43 = arith.addi %mul3A_41, %add3A_42 : i32
    "tpu.region"() ({
      %run_scoped3A = tpu.sem_alloc : memref<!tpu.dma_semaphore, #tpu.memory_space<semaphore_mem>>
      %dma_start3A = arith.constant 0 : i32
      %dma_start3A_79 = tpu.memref_slice %arg13[%add3A_43, %dma_start3A] : memref<30016x64xf32, #tpu.memory_space<vmem_shared>> -> memref<128x64xf32, #tpu.memory_space<vmem_shared>>
      %dma_start3A_80 = arith.constant 0 : i32
      %dma_start3A_81 = tpu.memref_slice %arg13[%add3A_43, %dma_start3A_80] : memref<30016x64xf32, #tpu.memory_space<vmem_shared>> -> memref<128x64xf32, #tpu.memory_space<vmem_shared>>
      tpu.enqueue_dma source(%arg12 : memref<128x64xf32, #tpu.memory_space<vmem>>) target(%dma_start3A_81 : memref<128x64xf32, #tpu.memory_space<vmem_shared>>) target_semaphore(%run_scoped3A : memref<!tpu.dma_semaphore, #tpu.memory_space<semaphore_mem>>)
      %dma_wait3A = arith.constant 0 : i32
      %dma_wait3A_82 = tpu.memref_slice %arg13[%add3A_43, %dma_wait3A] : memref<30016x64xf32, #tpu.memory_space<vmem_shared>> -> memref<128x64xf32, #tpu.memory_space<vmem_shared>>
      %dma_wait3A_83 = arith.constant 0 : i32
      %dma_wait3A_84 = tpu.memref_slice %arg13[%add3A_43, %dma_wait3A_83] : memref<30016x64xf32, #tpu.memory_space<vmem_shared>> -> memref<128x64xf32, #tpu.memory_space<vmem_shared>>
      tpu.wait_dma2 semaphore(%run_scoped3A : memref<!tpu.dma_semaphore, #tpu.memory_space<semaphore_mem>>) src(%arg12 : memref<128x64xf32, #tpu.memory_space<vmem>>) dst(%dma_wait3A_84 : memref<128x64xf32, #tpu.memory_space<vmem_shared>>)
      tpu.yield
    }) : () -> ()
    %mul3A_44 = arith.constant 1876 : i32
    %mul3A_45 = arith.muli %arg1, %mul3A_44 : i32
    %add3A_46 = arith.constant 1280 : i32
    %add3A_47 = arith.addi %mul3A_45, %add3A_46 : i32
    "tpu.region"() ({
      %run_scoped3A = tpu.sem_alloc : memref<!tpu.dma_semaphore, #tpu.memory_space<semaphore_mem>>
      %dma_start3A = arith.constant 0 : i32
      %dma_start3A_79 = tpu.memref_slice %arg13[%add3A_47, %dma_start3A] : memref<30016x64xf32, #tpu.memory_space<vmem_shared>> -> memref<128x64xf32, #tpu.memory_space<vmem_shared>>
      %dma_start3A_80 = arith.constant 0 : i32
      %dma_start3A_81 = tpu.memref_slice %arg13[%add3A_47, %dma_start3A_80] : memref<30016x64xf32, #tpu.memory_space<vmem_shared>> -> memref<128x64xf32, #tpu.memory_space<vmem_shared>>
      tpu.enqueue_dma source(%arg12 : memref<128x64xf32, #tpu.memory_space<vmem>>) target(%dma_start3A_81 : memref<128x64xf32, #tpu.memory_space<vmem_shared>>) target_semaphore(%run_scoped3A : memref<!tpu.dma_semaphore, #tpu.memory_space<semaphore_mem>>)
      %dma_wait3A = arith.constant 0 : i32
      %dma_wait3A_82 = tpu.memref_slice %arg13[%add3A_47, %dma_wait3A] : memref<30016x64xf32, #tpu.memory_space<vmem_shared>> -> memref<128x64xf32, #tpu.memory_space<vmem_shared>>
      %dma_wait3A_83 = arith.constant 0 : i32
      %dma_wait3A_84 = tpu.memref_slice %arg13[%add3A_47, %dma_wait3A_83] : memref<30016x64xf32, #tpu.memory_space<vmem_shared>> -> memref<128x64xf32, #tpu.memory_space<vmem_shared>>
      tpu.wait_dma2 semaphore(%run_scoped3A : memref<!tpu.dma_semaphore, #tpu.memory_space<semaphore_mem>>) src(%arg12 : memref<128x64xf32, #tpu.memory_space<vmem>>) dst(%dma_wait3A_84 : memref<128x64xf32, #tpu.memory_space<vmem_shared>>)
      tpu.yield
    }) : () -> ()
    %mul3A_48 = arith.constant 1876 : i32
    %mul3A_49 = arith.muli %arg1, %mul3A_48 : i32
    %add3A_50 = arith.constant 1408 : i32
    %add3A_51 = arith.addi %mul3A_49, %add3A_50 : i32
    "tpu.region"() ({
      %run_scoped3A = tpu.sem_alloc : memref<!tpu.dma_semaphore, #tpu.memory_space<semaphore_mem>>
      %dma_start3A = arith.constant 0 : i32
      %dma_start3A_79 = tpu.memref_slice %arg13[%add3A_51, %dma_start3A] : memref<30016x64xf32, #tpu.memory_space<vmem_shared>> -> memref<128x64xf32, #tpu.memory_space<vmem_shared>>
      %dma_start3A_80 = arith.constant 0 : i32
      %dma_start3A_81 = tpu.memref_slice %arg13[%add3A_51, %dma_start3A_80] : memref<30016x64xf32, #tpu.memory_space<vmem_shared>> -> memref<128x64xf32, #tpu.memory_space<vmem_shared>>
      tpu.enqueue_dma source(%arg12 : memref<128x64xf32, #tpu.memory_space<vmem>>) target(%dma_start3A_81 : memref<128x64xf32, #tpu.memory_space<vmem_shared>>) target_semaphore(%run_scoped3A : memref<!tpu.dma_semaphore, #tpu.memory_space<semaphore_mem>>)
      %dma_wait3A = arith.constant 0 : i32
      %dma_wait3A_82 = tpu.memref_slice %arg13[%add3A_51, %dma_wait3A] : memref<30016x64xf32, #tpu.memory_space<vmem_shared>> -> memref<128x64xf32, #tpu.memory_space<vmem_shared>>
      %dma_wait3A_83 = arith.constant 0 : i32
      %dma_wait3A_84 = tpu.memref_slice %arg13[%add3A_51, %dma_wait3A_83] : memref<30016x64xf32, #tpu.memory_space<vmem_shared>> -> memref<128x64xf32, #tpu.memory_space<vmem_shared>>
      tpu.wait_dma2 semaphore(%run_scoped3A : memref<!tpu.dma_semaphore, #tpu.memory_space<semaphore_mem>>) src(%arg12 : memref<128x64xf32, #tpu.memory_space<vmem>>) dst(%dma_wait3A_84 : memref<128x64xf32, #tpu.memory_space<vmem_shared>>)
      tpu.yield
    }) : () -> ()
    %mul3A_52 = arith.constant 1876 : i32
    %mul3A_53 = arith.muli %arg1, %mul3A_52 : i32
    %add3A_54 = arith.constant 1536 : i32
    %add3A_55 = arith.addi %mul3A_53, %add3A_54 : i32
    "tpu.region"() ({
      %run_scoped3A = tpu.sem_alloc : memref<!tpu.dma_semaphore, #tpu.memory_space<semaphore_mem>>
      %dma_start3A = arith.constant 0 : i32
      %dma_start3A_79 = tpu.memref_slice %arg13[%add3A_55, %dma_start3A] : memref<30016x64xf32, #tpu.memory_space<vmem_shared>> -> memref<128x64xf32, #tpu.memory_space<vmem_shared>>
      %dma_start3A_80 = arith.constant 0 : i32
      %dma_start3A_81 = tpu.memref_slice %arg13[%add3A_55, %dma_start3A_80] : memref<30016x64xf32, #tpu.memory_space<vmem_shared>> -> memref<128x64xf32, #tpu.memory_space<vmem_shared>>
      tpu.enqueue_dma source(%arg12 : memref<128x64xf32, #tpu.memory_space<vmem>>) target(%dma_start3A_81 : memref<128x64xf32, #tpu.memory_space<vmem_shared>>) target_semaphore(%run_scoped3A : memref<!tpu.dma_semaphore, #tpu.memory_space<semaphore_mem>>)
      %dma_wait3A = arith.constant 0 : i32
      %dma_wait3A_82 = tpu.memref_slice %arg13[%add3A_55, %dma_wait3A] : memref<30016x64xf32, #tpu.memory_space<vmem_shared>> -> memref<128x64xf32, #tpu.memory_space<vmem_shared>>
      %dma_wait3A_83 = arith.constant 0 : i32
      %dma_wait3A_84 = tpu.memref_slice %arg13[%add3A_55, %dma_wait3A_83] : memref<30016x64xf32, #tpu.memory_space<vmem_shared>> -> memref<128x64xf32, #tpu.memory_space<vmem_shared>>
      tpu.wait_dma2 semaphore(%run_scoped3A : memref<!tpu.dma_semaphore, #tpu.memory_space<semaphore_mem>>) src(%arg12 : memref<128x64xf32, #tpu.memory_space<vmem>>) dst(%dma_wait3A_84 : memref<128x64xf32, #tpu.memory_space<vmem_shared>>)
      tpu.yield
    }) : () -> ()
    %mul3A_56 = arith.constant 1876 : i32
    %mul3A_57 = arith.muli %arg1, %mul3A_56 : i32
    %add3A_58 = arith.constant 1664 : i32
    %add3A_59 = arith.addi %mul3A_57, %add3A_58 : i32
    "tpu.region"() ({
      %run_scoped3A = tpu.sem_alloc : memref<!tpu.dma_semaphore, #tpu.memory_space<semaphore_mem>>
      %dma_start3A = arith.constant 0 : i32
      %dma_start3A_79 = tpu.memref_slice %arg13[%add3A_59, %dma_start3A] : memref<30016x64xf32, #tpu.memory_space<vmem_shared>> -> memref<128x64xf32, #tpu.memory_space<vmem_shared>>
      %dma_start3A_80 = arith.constant 0 : i32
      %dma_start3A_81 = tpu.memref_slice %arg13[%add3A_59, %dma_start3A_80] : memref<30016x64xf32, #tpu.memory_space<vmem_shared>> -> memref<128x64xf32, #tpu.memory_space<vmem_shared>>
      tpu.enqueue_dma source(%arg12 : memref<128x64xf32, #tpu.memory_space<vmem>>) target(%dma_start3A_81 : memref<128x64xf32, #tpu.memory_space<vmem_shared>>) target_semaphore(%run_scoped3A : memref<!tpu.dma_semaphore, #tpu.memory_space<semaphore_mem>>)
      %dma_wait3A = arith.constant 0 : i32
      %dma_wait3A_82 = tpu.memref_slice %arg13[%add3A_59, %dma_wait3A] : memref<30016x64xf32, #tpu.memory_space<vmem_shared>> -> memref<128x64xf32, #tpu.memory_space<vmem_shared>>
      %dma_wait3A_83 = arith.constant 0 : i32
      %dma_wait3A_84 = tpu.memref_slice %arg13[%add3A_59, %dma_wait3A_83] : memref<30016x64xf32, #tpu.memory_space<vmem_shared>> -> memref<128x64xf32, #tpu.memory_space<vmem_shared>>
      tpu.wait_dma2 semaphore(%run_scoped3A : memref<!tpu.dma_semaphore, #tpu.memory_space<semaphore_mem>>) src(%arg12 : memref<128x64xf32, #tpu.memory_space<vmem>>) dst(%dma_wait3A_84 : memref<128x64xf32, #tpu.memory_space<vmem_shared>>)
      tpu.yield
    }) : () -> ()
    %mul3A_60 = arith.constant 1876 : i32
    %mul3A_61 = arith.muli %arg1, %mul3A_60 : i32
    %add3A_62 = arith.constant 1792 : i32
    %add3A_63 = arith.addi %mul3A_61, %add3A_62 : i32
    "tpu.region"() ({
      %run_scoped3A = tpu.sem_alloc : memref<!tpu.dma_semaphore, #tpu.memory_space<semaphore_mem>>
      %dma_start3A = arith.constant 0 : i32
      %dma_start3A_79 = arith.constant 0 : i32
      %dma_start3A_80 = tpu.memref_slice %arg12[%dma_start3A, %dma_start3A_79] : memref<128x64xf32, #tpu.memory_space<vmem>> -> memref<84x64xf32, #tpu.memory_space<vmem>>
      %dma_start3A_81 = arith.constant 0 : i32
      %dma_start3A_82 = tpu.memref_slice %arg13[%add3A_63, %dma_start3A_81] : memref<30016x64xf32, #tpu.memory_space<vmem_shared>> -> memref<84x64xf32, #tpu.memory_space<vmem_shared>>
      %dma_start3A_83 = arith.constant 0 : i32
      %dma_start3A_84 = tpu.memref_slice %arg13[%add3A_63, %dma_start3A_83] : memref<30016x64xf32, #tpu.memory_space<vmem_shared>> -> memref<84x64xf32, #tpu.memory_space<vmem_shared>>
      %dma_start3A_85 = arith.constant 0 : i32
      %dma_start3A_86 = arith.constant 0 : i32
      %dma_start3A_87 = tpu.memref_slice %arg12[%dma_start3A_85, %dma_start3A_86] : memref<128x64xf32, #tpu.memory_space<vmem>> -> memref<84x64xf32, #tpu.memory_space<vmem>>
      tpu.enqueue_dma source(%dma_start3A_87 : memref<84x64xf32, #tpu.memory_space<vmem>>) target(%dma_start3A_84 : memref<84x64xf32, #tpu.memory_space<vmem_shared>>) target_semaphore(%run_scoped3A : memref<!tpu.dma_semaphore, #tpu.memory_space<semaphore_mem>>)
      %dma_wait3A = arith.constant 0 : i32
      %dma_wait3A_88 = arith.constant 0 : i32
      %dma_wait3A_89 = tpu.memref_slice %arg12[%dma_wait3A, %dma_wait3A_88] : memref<128x64xf32, #tpu.memory_space<vmem>> -> memref<84x64xf32, #tpu.memory_space<vmem>>
      %dma_wait3A_90 = arith.constant 0 : i32
      %dma_wait3A_91 = tpu.memref_slice %arg13[%add3A_63, %dma_wait3A_90] : memref<30016x64xf32, #tpu.memory_space<vmem_shared>> -> memref<84x64xf32, #tpu.memory_space<vmem_shared>>
      %dma_wait3A_92 = arith.constant 0 : i32
      %dma_wait3A_93 = tpu.memref_slice %arg13[%add3A_63, %dma_wait3A_92] : memref<30016x64xf32, #tpu.memory_space<vmem_shared>> -> memref<84x64xf32, #tpu.memory_space<vmem_shared>>
      %dma_wait3A_94 = arith.constant 0 : i32
      %dma_wait3A_95 = arith.constant 0 : i32
      %dma_wait3A_96 = tpu.memref_slice %arg12[%dma_wait3A_94, %dma_wait3A_95] : memref<128x64xf32, #tpu.memory_space<vmem>> -> memref<84x64xf32, #tpu.memory_space<vmem>>
      tpu.wait_dma2 semaphore(%run_scoped3A : memref<!tpu.dma_semaphore, #tpu.memory_space<semaphore_mem>>) src(%dma_wait3A_96 : memref<84x64xf32, #tpu.memory_space<vmem>>) dst(%dma_wait3A_93 : memref<84x64xf32, #tpu.memory_space<vmem_shared>>)
      tpu.yield
    }) : () -> ()
    %barrier3A = arith.constant 0 : index
    tpu.barrier barrier_id(%barrier3A)
    %mul3A_64 = arith.constant 20480 : i32
    %mul3A_65 = arith.muli %arg1, %mul3A_64 : i32
    %scan3A_66 = arith.constant 0 : i32
    %scan3A_67 = arith.constant 0 : i32
    %scan3A_68 = arith.constant 160 : i32
    %scan3A_69 = arith.addi %scan3A_67, %scan3A_68 : i32
    %scan3A_70 = arith.constant 1 : i32
    scf.for %scan3A_79 = %scan3A_67 to %scan3A_69 step %scan3A_70  : i32 {
      %mul3A_80 = arith.constant 128 : i32
      %mul3A_81 = arith.muli %scan3A_79, %mul3A_80 : i32
      %add3A_82 = arith.addi %mul3A_65, %mul3A_81 : i32
      "tpu.region"() ({
        %run_scoped3A = tpu.sem_alloc : memref<!tpu.dma_semaphore, #tpu.memory_space<semaphore_mem>>
        %dma_start3A_93 = tpu.memref_slice %arg3[%add3A_82] : memref<327680xi32, #tpu.memory_space<hbm>> -> memref<128xi32, #tpu.memory_space<hbm>>
        %dma_start3A_94 = tpu.memref_slice %arg3[%add3A_82] : memref<327680xi32, #tpu.memory_space<hbm>> -> memref<128xi32, #tpu.memory_space<hbm>>
        tpu.enqueue_dma source(%dma_start3A_94 : memref<128xi32, #tpu.memory_space<hbm>>) target(%arg7 : memref<128xi32, #tpu.memory_space<vmem>>) target_semaphore(%run_scoped3A : memref<!tpu.dma_semaphore, #tpu.memory_space<semaphore_mem>>)
        %dma_wait3A_95 = tpu.memref_slice %arg3[%add3A_82] : memref<327680xi32, #tpu.memory_space<hbm>> -> memref<128xi32, #tpu.memory_space<hbm>>
        %dma_wait3A_96 = tpu.memref_slice %arg3[%add3A_82] : memref<327680xi32, #tpu.memory_space<hbm>> -> memref<128xi32, #tpu.memory_space<hbm>>
        tpu.wait_dma2 semaphore(%run_scoped3A : memref<!tpu.dma_semaphore, #tpu.memory_space<semaphore_mem>>) src(%dma_wait3A_96 : memref<128xi32, #tpu.memory_space<hbm>>) dst(%arg7 : memref<128xi32, #tpu.memory_space<vmem>>)
        tpu.yield
      }) : () -> ()
      "tpu.region"() ({
        %run_scoped3A = tpu.sem_alloc : memref<!tpu.dma_semaphore, #tpu.memory_space<semaphore_mem>>
        %dma_start3A_93 = tpu.memref_slice %arg4[%add3A_82] : memref<327680xi32, #tpu.memory_space<hbm>> -> memref<128xi32, #tpu.memory_space<hbm>>
        %dma_start3A_94 = tpu.memref_slice %arg4[%add3A_82] : memref<327680xi32, #tpu.memory_space<hbm>> -> memref<128xi32, #tpu.memory_space<hbm>>
        tpu.enqueue_dma source(%dma_start3A_94 : memref<128xi32, #tpu.memory_space<hbm>>) target(%arg8 : memref<128xi32, #tpu.memory_space<vmem>>) target_semaphore(%run_scoped3A : memref<!tpu.dma_semaphore, #tpu.memory_space<semaphore_mem>>)
        %dma_wait3A_95 = tpu.memref_slice %arg4[%add3A_82] : memref<327680xi32, #tpu.memory_space<hbm>> -> memref<128xi32, #tpu.memory_space<hbm>>
        %dma_wait3A_96 = tpu.memref_slice %arg4[%add3A_82] : memref<327680xi32, #tpu.memory_space<hbm>> -> memref<128xi32, #tpu.memory_space<hbm>>
        tpu.wait_dma2 semaphore(%run_scoped3A : memref<!tpu.dma_semaphore, #tpu.memory_space<semaphore_mem>>) src(%dma_wait3A_96 : memref<128xi32, #tpu.memory_space<hbm>>) dst(%arg8 : memref<128xi32, #tpu.memory_space<vmem>>)
        tpu.yield
      }) : () -> ()
      "tpu.region"() ({
        %run_scoped3A = tpu.sem_alloc : memref<!tpu.dma_semaphore, #tpu.memory_space<semaphore_mem>>
        %dma_start3A_93 = tpu.memref_slice %arg5[%add3A_82] : memref<327680xi32, #tpu.memory_space<hbm>> -> memref<128xi32, #tpu.memory_space<hbm>>
        %dma_start3A_94 = tpu.memref_slice %arg5[%add3A_82] : memref<327680xi32, #tpu.memory_space<hbm>> -> memref<128xi32, #tpu.memory_space<hbm>>
        tpu.enqueue_dma source(%dma_start3A_94 : memref<128xi32, #tpu.memory_space<hbm>>) target(%arg9 : memref<128xi32, #tpu.memory_space<vmem>>) target_semaphore(%run_scoped3A : memref<!tpu.dma_semaphore, #tpu.memory_space<semaphore_mem>>)
        %dma_wait3A_95 = tpu.memref_slice %arg5[%add3A_82] : memref<327680xi32, #tpu.memory_space<hbm>> -> memref<128xi32, #tpu.memory_space<hbm>>
        %dma_wait3A_96 = tpu.memref_slice %arg5[%add3A_82] : memref<327680xi32, #tpu.memory_space<hbm>> -> memref<128xi32, #tpu.memory_space<hbm>>
        tpu.wait_dma2 semaphore(%run_scoped3A : memref<!tpu.dma_semaphore, #tpu.memory_space<semaphore_mem>>) src(%dma_wait3A_96 : memref<128xi32, #tpu.memory_space<hbm>>) dst(%arg9 : memref<128xi32, #tpu.memory_space<vmem>>)
        tpu.yield
      }) : () -> ()
      %scan3A_83 = arith.constant 0 : i32
      %scan3A_84 = arith.constant 0 : i32
      %scan3A_85 = arith.constant 8 : i32
      %scan3A_86 = arith.addi %scan3A_84, %scan3A_85 : i32
      %scan3A_87 = arith.constant 1 : i32
      scf.for %scan3A_93 = %scan3A_84 to %scan3A_86 step %scan3A_87  : i32 {
        %mul3A_94 = arith.constant 16 : i32
        %mul3A_95 = arith.muli %scan3A_93, %mul3A_94 : i32
        %get3A = arith.index_cast %mul3A_95 : i32 to index
        %get3A_96 = tpu.vector_load %arg7[%get3A] {strides = array<i32>} : memref<128xi32, #tpu.memory_space<vmem>>, vector<16xi32>,
        %get3A_97 = vector.shape_cast %get3A_96 : vector<16xi32> to vector<16xi32>
        %mul3A_98 = arith.constant 2 : i32
        %mul3A_99 = vector.broadcast %mul3A_98 : i32 to vector<16xi32>
        %mul3A_100 = arith.muli %get3A_97, %mul3A_99 : vector<16xi32>
        %add3A_101 = vector.broadcast %arg0 : i32 to vector<16xi32>
        %add3A_102 = arith.addi %mul3A_100, %add3A_101 : vector<16xi32>
        %swap3A = arith.index_cast %mul3A_95 : i32 to index
        %swap3A_103 = tpu.vector_load %arg10[%swap3A] {strides = array<i32>} : memref<128xi32, #tpu.memory_space<vmem>>, vector<16xi32>,
        %swap3A_104 = vector.shape_cast %swap3A_103 : vector<16xi32> to vector<16xi32>
        %swap3A_105 = vector.shape_cast %add3A_102 : vector<16xi32> to vector<16xi32>
        tpu.vector_store %arg10[%swap3A], %swap3A_105 {strides = array<i32>} : memref<128xi32, #tpu.memory_space<vmem>>, vector<16xi32>,
        %get3A_106 = arith.index_cast %mul3A_95 : i32 to index
        %get3A_107 = tpu.vector_load %arg9[%get3A_106] {strides = array<i32>} : memref<128xi32, #tpu.memory_space<vmem>>, vector<16xi32>,
        %get3A_108 = vector.shape_cast %get3A_107 : vector<16xi32> to vector<16xi32>
        %mul3A_109 = arith.constant 10000 : i32
        %mul3A_110 = vector.broadcast %mul3A_109 : i32 to vector<16xi32>
        %mul3A_111 = arith.muli %get3A_108, %mul3A_110 : vector<16xi32>
        %get3A_112 = arith.index_cast %mul3A_95 : i32 to index
        %get3A_113 = tpu.vector_load %arg8[%get3A_112] {strides = array<i32>} : memref<128xi32, #tpu.memory_space<vmem>>, vector<16xi32>,
        %get3A_114 = vector.shape_cast %get3A_113 : vector<16xi32> to vector<16xi32>
        %add3A_115 = arith.addi %mul3A_111, %get3A_114 : vector<16xi32>
        %swap3A_116 = arith.index_cast %mul3A_95 : i32 to index
        %swap3A_117 = tpu.vector_load %arg11[%swap3A_116] {strides = array<i32>} : memref<128xi32, #tpu.memory_space<vmem>>, vector<16xi32>,
        %swap3A_118 = vector.shape_cast %swap3A_117 : vector<16xi32> to vector<16xi32>
        %swap3A_119 = vector.shape_cast %add3A_115 : vector<16xi32> to vector<16xi32>
        tpu.vector_store %arg11[%swap3A_116], %swap3A_119 {strides = array<i32>} : memref<128xi32, #tpu.memory_space<vmem>>, vector<16xi32>,
      }
      %scan3A_88 = arith.constant 8 : i32
      %dma_start3A = arith.constant 0 : i32
      %dma_start3A_89 = arith.constant 0 : i32
      %dma_start3A_90 = tpu.memref_slice %arg2[%dma_start3A, %dma_start3A_89] : memref<20000x64xf32, #tpu.memory_space<hbm>> -> memref<20000x64xf32, #tpu.memory_space<hbm>>
      tpu.enqueue_indirect_dma source(%dma_start3A_90 : memref<20000x64xf32, #tpu.memory_space<hbm>>) target(%arg12 : memref<128x64xf32, #tpu.memory_space<vmem>>) offsets(%arg10 : memref<128xi32, #tpu.memory_space<vmem>>) semaphore(%arg14 : memref<!tpu.dma_semaphore, #tpu.memory_space<semaphore_mem>>)
      %dma_wait3A = arith.constant 0 : i32
      %dma_wait3A_91 = arith.constant 0 : i32
      %dma_wait3A_92 = tpu.memref_slice %arg2[%dma_wait3A, %dma_wait3A_91] : memref<20000x64xf32, #tpu.memory_space<hbm>> -> memref<20000x64xf32, #tpu.memory_space<hbm>>
      tpu.wait_indirect_dma semaphore(%arg14 : memref<!tpu.dma_semaphore, #tpu.memory_space<semaphore_mem>>) src(%dma_wait3A_92 : memref<20000x64xf32, #tpu.memory_space<hbm>>) dst(%arg12 : memref<128x64xf32, #tpu.memory_space<vmem>>)
      "tpu.region"() ({
        %run_scoped3A = tpu.sem_alloc : memref<!tpu.dma_semaphore, #tpu.memory_space<semaphore_mem>>
        %dma_start3A_93 = arith.constant 0 : i32
        %dma_start3A_94 = arith.constant 0 : i32
        %dma_start3A_95 = tpu.memref_slice %arg13[%dma_start3A_93, %dma_start3A_94] : memref<30016x64xf32, #tpu.memory_space<vmem_shared>> -> memref<30016x64xf32, #tpu.memory_space<vmem_shared>>
        tpu.enqueue_indirect_dma source(%arg12 : memref<128x64xf32, #tpu.memory_space<vmem>>) target(%dma_start3A_95 : memref<30016x64xf32, #tpu.memory_space<vmem_shared>>) offsets(%arg11 : memref<128xi32, #tpu.memory_space<vmem>>) semaphore(%run_scoped3A : memref<!tpu.dma_semaphore, #tpu.memory_space<semaphore_mem>>) {add = true}
        %dma_wait3A_96 = arith.constant 0 : i32
        %dma_wait3A_97 = arith.constant 0 : i32
        %dma_wait3A_98 = tpu.memref_slice %arg13[%dma_wait3A_96, %dma_wait3A_97] : memref<30016x64xf32, #tpu.memory_space<vmem_shared>> -> memref<30016x64xf32, #tpu.memory_space<vmem_shared>>
        tpu.wait_indirect_dma semaphore(%run_scoped3A : memref<!tpu.dma_semaphore, #tpu.memory_space<semaphore_mem>>) src(%arg12 : memref<128x64xf32, #tpu.memory_space<vmem>>) dst(%dma_wait3A_98 : memref<30016x64xf32, #tpu.memory_space<vmem_shared>>)
        tpu.yield
      }) : () -> ()
    }
    %scan3A_71 = arith.constant 160 : i32
    %barrier3A_72 = arith.constant 0 : index
    tpu.barrier barrier_id(%barrier3A_72)
    %mul3A_73 = arith.constant 1876 : i32
    %mul3A_74 = arith.muli %arg1, %mul3A_73 : i32
    %mul3A_75 = arith.constant 1876 : i32
    %mul3A_76 = arith.muli %arg1, %mul3A_75 : i32
    %mul3A_77 = arith.constant 64 : i32
    %mul3A_78 = arith.muli %arg0, %mul3A_77 : i32
    "tpu.region"() ({
      %run_scoped3A = tpu.sem_alloc : memref<!tpu.dma_semaphore, #tpu.memory_space<semaphore_mem>>
      %dma_start3A = tpu.memref_slice %arg6[%mul3A_76, %mul3A_78] : memref<30016x128xf32, #tpu.memory_space<hbm>> -> memref<1876x64xf32, #tpu.memory_space<hbm>>
      %dma_start3A_79 = arith.constant 0 : i32
      %dma_start3A_80 = tpu.memref_slice %arg13[%mul3A_74, %dma_start3A_79] : memref<30016x64xf32, #tpu.memory_space<vmem_shared>> -> memref<1876x64xf32, #tpu.memory_space<vmem_shared>>
      tpu.enqueue_dma source(%dma_start3A_80 : memref<1876x64xf32, #tpu.memory_space<vmem_shared>>) target(%dma_start3A : memref<1876x64xf32, #tpu.memory_space<hbm>>) target_semaphore(%run_scoped3A : memref<!tpu.dma_semaphore, #tpu.memory_space<semaphore_mem>>)
      %dma_wait3A = tpu.memref_slice %arg6[%mul3A_76, %mul3A_78] : memref<30016x128xf32, #tpu.memory_space<hbm>> -> memref<1876x64xf32, #tpu.memory_space<hbm>>
      %dma_wait3A_81 = arith.constant 0 : i32
      %dma_wait3A_82 = tpu.memref_slice %arg13[%mul3A_74, %dma_wait3A_81] : memref<30016x64xf32, #tpu.memory_space<vmem_shared>> -> memref<1876x64xf32, #tpu.memory_space<vmem_shared>>
      tpu.wait_dma2 semaphore(%run_scoped3A : memref<!tpu.dma_semaphore, #tpu.memory_space<semaphore_mem>>) src(%dma_wait3A_82 : memref<1876x64xf32, #tpu.memory_space<vmem_shared>>) dst(%dma_wait3A : memref<1876x64xf32, #tpu.memory_space<hbm>>)
      tpu.yield
    }) : () -> ()
    return
  }
}

module attributes {stable_mosaic.version = 14 : i64} {
  func.func @body(%arg0: i32, %arg1: memref<400x128xf32, #tpu.memory_space<vmem>>, %arg2: memref<400x128xf32, #tpu.memory_space<vmem>>, %arg3: memref<400x128xf32, #tpu.memory_space<vmem>>, %arg4: memref<400x128xf32, #tpu.memory_space<vmem>>, %arg5: memref<400x3xf32, #tpu.memory_space<vmem>>, %arg6: memref<3x128x128xf32, #tpu.memory_space<vmem>>, %arg7: memref<128x128xf32, #tpu.memory_space<vmem>>, %arg8: memref<128xf32, #tpu.memory_space<vmem>>, %arg9: memref<128xf32, #tpu.memory_space<vmem>>, %arg10: memref<128xf32, #tpu.memory_space<vmem>>, %arg11: memref<400x128xf32, #tpu.memory_space<vmem>>) attributes {dimension_semantics = [#tpu.dimension_semantics<arbitrary>], iteration_bounds = array<i64: 25>, scalar_prefetch = 0 : i64, scratch_operands = 0 : i64, tpu.core_type = #tpu.core_type<tc>, window_params = [{transform_indices = @transform_0, window_bounds = array<i64: 400, 128>}, {transform_indices = @transform_1, window_bounds = array<i64: 400, 128>}, {transform_indices = @transform_2, window_bounds = array<i64: 400, 128>}, {transform_indices = @transform_3, window_bounds = array<i64: 400, 128>}, {transform_indices = @transform_4, window_bounds = array<i64: 400, 3>}, {pipeline_mode = #tpu.pipeline_mode<synchronous>, transform_indices = @transform_5, window_bounds = array<i64: 3, 128, 128>}, {pipeline_mode = #tpu.pipeline_mode<synchronous>, transform_indices = @transform_6, window_bounds = array<i64: 128, 128>}, {pipeline_mode = #tpu.pipeline_mode<synchronous>, transform_indices = @transform_7, window_bounds = array<i64: 128>}, {pipeline_mode = #tpu.pipeline_mode<synchronous>, transform_indices = @transform_8, window_bounds = array<i64: 128>}, {pipeline_mode = #tpu.pipeline_mode<synchronous>, transform_indices = @transform_9, window_bounds = array<i64: 128>}, {transform_indices = @transform_10, window_bounds = array<i64: 400, 128>}]} {
    %get3A = arith.constant 0 : index
    %get3A_0 = arith.constant 0 : index
    %get3A_1 = vector.load %arg1[%get3A, %get3A_0] : memref<400x128xf32, #tpu.memory_space<vmem>>, vector<400x128xf32>
    %get3A_2 = arith.constant 0 : index
    %get3A_3 = arith.constant 0 : index
    %get3A_4 = vector.load %arg7[%get3A_2, %get3A_3] : memref<128x128xf32, #tpu.memory_space<vmem>>, vector<128x128xf32>
    %dot_general3A = arith.constant dense<0.000000e+00> : vector<400x128xf32>
    %dot_general3A_5 = tpu.matmul %get3A_1, %get3A_4, %dot_general3A {dimension_numbers = #tpu.dot_dimension_numbers<[1], [0], [0], [1], [0, 0, 1, 1], [], []>, precision = #tpu.contract_precision<fp32>, transpose_lhs_hint = false} : vector<400x128xf32>, vector<128x128xf32>, vector<400x128xf32> -> vector<400x128xf32>
    %get3A_6 = arith.constant 0 : index
    %get3A_7 = vector.load %arg8[%get3A_6] : memref<128xf32, #tpu.memory_space<vmem>>, vector<128xf32>
    %broadcast_in_dim3A = vector.shape_cast %get3A_7 : vector<128xf32> to vector<1x128xf32>
    %add3A = vector.broadcast %broadcast_in_dim3A : vector<1x128xf32> to vector<400x128xf32>
    %add3A_8 = arith.addf %dot_general3A_5, %add3A : vector<400x128xf32>
    %get3A_9 = arith.constant 0 : index
    %get3A_10 = arith.constant 0 : index
    %get3A_11 = vector.load %arg5[%get3A_9, %get3A_10] : memref<400x3xf32, #tpu.memory_space<vmem>>, vector<400x3xf32>
    %max3A = arith.constant 1.000000e+00 : f32
    %max3A_12 = vector.broadcast %max3A : f32 to vector<400x3xf32>
    %max3A_13 = arith.maximumf %get3A_11, %max3A_12 : vector<400x3xf32>
    %div3A = arith.constant 1.000000e+00 : f32
    %div3A_14 = vector.broadcast %div3A : f32 to vector<400x3xf32>
    %div3A_15 = arith.divf %div3A_14, %max3A_13 : vector<400x3xf32>
    %get3A_16 = arith.constant 0 : index
    %get3A_17 = arith.constant 0 : index
    %get3A_18 = vector.load %arg2[%get3A_16, %get3A_17] : memref<400x128xf32, #tpu.memory_space<vmem>>, vector<400x128xf32>
    %slice3A = vector.extract_strided_slice %div3A_15 {offsets = [0, 0], sizes = [400, 1], strides = [1, 1]} : vector<400x3xf32> to vector<400x1xf32>
    %squeeze3A = vector.shape_cast %slice3A : vector<400x1xf32> to vector<400xf32>
    %broadcast_in_dim3A_19 = vector.shape_cast %squeeze3A : vector<400xf32> to vector<400x1xf32>
    %mul3A = vector.broadcast %broadcast_in_dim3A_19 : vector<400x1xf32> to vector<400x128xf32>
    %mul3A_20 = arith.mulf %get3A_18, %mul3A : vector<400x128xf32>
    %get3A_21 = arith.constant 0 : index
    %get3A_22 = arith.constant 0 : index
    %get3A_23 = arith.constant 0 : index
    %get3A_24 = vector.load %arg6[%get3A_21, %get3A_22, %get3A_23] : memref<3x128x128xf32, #tpu.memory_space<vmem>>, vector<1x128x128xf32>
    %get3A_25 = vector.shape_cast %get3A_24 : vector<1x128x128xf32> to vector<128x128xf32>
    %dot_general3A_26 = arith.constant dense<0.000000e+00> : vector<400x128xf32>
    %dot_general3A_27 = tpu.matmul %mul3A_20, %get3A_25, %dot_general3A_26 {dimension_numbers = #tpu.dot_dimension_numbers<[1], [0], [0], [1], [0, 0, 1, 1], [], []>, precision = #tpu.contract_precision<fp32>, transpose_lhs_hint = false} : vector<400x128xf32>, vector<128x128xf32>, vector<400x128xf32> -> vector<400x128xf32>
    %add3A_28 = arith.addf %add3A_8, %dot_general3A_27 : vector<400x128xf32>
    %get3A_29 = arith.constant 0 : index
    %get3A_30 = arith.constant 0 : index
    %get3A_31 = vector.load %arg3[%get3A_29, %get3A_30] : memref<400x128xf32, #tpu.memory_space<vmem>>, vector<400x128xf32>
    %slice3A_32 = vector.extract_strided_slice %div3A_15 {offsets = [0, 1], sizes = [400, 1], strides = [1, 1]} : vector<400x3xf32> to vector<400x1xf32>
    %squeeze3A_33 = vector.shape_cast %slice3A_32 : vector<400x1xf32> to vector<400xf32>
    %broadcast_in_dim3A_34 = vector.shape_cast %squeeze3A_33 : vector<400xf32> to vector<400x1xf32>
    %mul3A_35 = vector.broadcast %broadcast_in_dim3A_34 : vector<400x1xf32> to vector<400x128xf32>
    %mul3A_36 = arith.mulf %get3A_31, %mul3A_35 : vector<400x128xf32>
    %get3A_37 = arith.constant 1 : index
    %get3A_38 = arith.constant 0 : index
    %get3A_39 = arith.constant 0 : index
    %get3A_40 = vector.load %arg6[%get3A_37, %get3A_38, %get3A_39] : memref<3x128x128xf32, #tpu.memory_space<vmem>>, vector<1x128x128xf32>
    %get3A_41 = vector.shape_cast %get3A_40 : vector<1x128x128xf32> to vector<128x128xf32>
    %dot_general3A_42 = arith.constant dense<0.000000e+00> : vector<400x128xf32>
    %dot_general3A_43 = tpu.matmul %mul3A_36, %get3A_41, %dot_general3A_42 {dimension_numbers = #tpu.dot_dimension_numbers<[1], [0], [0], [1], [0, 0, 1, 1], [], []>, precision = #tpu.contract_precision<fp32>, transpose_lhs_hint = false} : vector<400x128xf32>, vector<128x128xf32>, vector<400x128xf32> -> vector<400x128xf32>
    %add3A_44 = arith.addf %add3A_28, %dot_general3A_43 : vector<400x128xf32>
    %get3A_45 = arith.constant 0 : index
    %get3A_46 = arith.constant 0 : index
    %get3A_47 = vector.load %arg4[%get3A_45, %get3A_46] : memref<400x128xf32, #tpu.memory_space<vmem>>, vector<400x128xf32>
    %slice3A_48 = vector.extract_strided_slice %div3A_15 {offsets = [0, 2], sizes = [400, 1], strides = [1, 1]} : vector<400x3xf32> to vector<400x1xf32>
    %squeeze3A_49 = vector.shape_cast %slice3A_48 : vector<400x1xf32> to vector<400xf32>
    %broadcast_in_dim3A_50 = vector.shape_cast %squeeze3A_49 : vector<400xf32> to vector<400x1xf32>
    %mul3A_51 = vector.broadcast %broadcast_in_dim3A_50 : vector<400x1xf32> to vector<400x128xf32>
    %mul3A_52 = arith.mulf %get3A_47, %mul3A_51 : vector<400x128xf32>
    %get3A_53 = arith.constant 2 : index
    %get3A_54 = arith.constant 0 : index
    %get3A_55 = arith.constant 0 : index
    %get3A_56 = vector.load %arg6[%get3A_53, %get3A_54, %get3A_55] : memref<3x128x128xf32, #tpu.memory_space<vmem>>, vector<1x128x128xf32>
    %get3A_57 = vector.shape_cast %get3A_56 : vector<1x128x128xf32> to vector<128x128xf32>
    %dot_general3A_58 = arith.constant dense<0.000000e+00> : vector<400x128xf32>
    %dot_general3A_59 = tpu.matmul %mul3A_52, %get3A_57, %dot_general3A_58 {dimension_numbers = #tpu.dot_dimension_numbers<[1], [0], [0], [1], [0, 0, 1, 1], [], []>, precision = #tpu.contract_precision<fp32>, transpose_lhs_hint = false} : vector<400x128xf32>, vector<128x128xf32>, vector<400x128xf32> -> vector<400x128xf32>
    %add3A_60 = arith.addf %add3A_44, %dot_general3A_59 : vector<400x128xf32>
    %get3A_61 = arith.constant 0 : index
    %get3A_62 = vector.load %arg9[%get3A_61] : memref<128xf32, #tpu.memory_space<vmem>>, vector<128xf32>
    %get3A_63 = arith.constant 0 : index
    %get3A_64 = vector.load %arg10[%get3A_63] : memref<128xf32, #tpu.memory_space<vmem>>, vector<128xf32>
    %reduce_sum3A = arith.constant dense<0.000000e+00> : vector<400xf32>
    %reduce_sum3A_65 = vector.multi_reduction <add>, %add3A_60, %reduce_sum3A [1] : vector<400x128xf32> to vector<400xf32>
    %broadcast_in_dim3A_66 = vector.shape_cast %reduce_sum3A_65 : vector<400xf32> to vector<400x1xf32>
    %div3A_67 = arith.constant 1.280000e+02 : f32
    %div3A_68 = vector.broadcast %div3A_67 : f32 to vector<400x1xf32>
    %div3A_69 = arith.divf %broadcast_in_dim3A_66, %div3A_68 : vector<400x1xf32>
    %sub3A = vector.broadcast %div3A_69 : vector<400x1xf32> to vector<400x128xf32>
    %sub3A_70 = arith.subf %add3A_60, %sub3A : vector<400x128xf32>
    %mul3A_71 = arith.mulf %sub3A_70, %sub3A_70 : vector<400x128xf32>
    %reduce_sum3A_72 = arith.constant dense<0.000000e+00> : vector<400xf32>
    %reduce_sum3A_73 = vector.multi_reduction <add>, %mul3A_71, %reduce_sum3A_72 [1] : vector<400x128xf32> to vector<400xf32>
    %broadcast_in_dim3A_74 = vector.shape_cast %reduce_sum3A_73 : vector<400xf32> to vector<400x1xf32>
    %div3A_75 = arith.constant 1.280000e+02 : f32
    %div3A_76 = vector.broadcast %div3A_75 : f32 to vector<400x1xf32>
    %div3A_77 = arith.divf %broadcast_in_dim3A_74, %div3A_76 : vector<400x1xf32>
    %add3A_78 = arith.constant 9.99999974E-6 : f32
    %add3A_79 = vector.broadcast %add3A_78 : f32 to vector<400x1xf32>
    %add3A_80 = arith.addf %div3A_77, %add3A_79 : vector<400x1xf32>
    %rsqrt3A = math.rsqrt %add3A_80 : vector<400x1xf32>
    %mul3A_81 = vector.broadcast %rsqrt3A : vector<400x1xf32> to vector<400x128xf32>
    %mul3A_82 = arith.mulf %sub3A_70, %mul3A_81 : vector<400x128xf32>
    %broadcast_in_dim3A_83 = vector.shape_cast %get3A_62 : vector<128xf32> to vector<1x128xf32>
    %mul3A_84 = vector.broadcast %broadcast_in_dim3A_83 : vector<1x128xf32> to vector<400x128xf32>
    %mul3A_85 = arith.mulf %mul3A_82, %mul3A_84 : vector<400x128xf32>
    %broadcast_in_dim3A_86 = vector.shape_cast %get3A_64 : vector<128xf32> to vector<1x128xf32>
    %add3A_87 = vector.broadcast %broadcast_in_dim3A_86 : vector<1x128xf32> to vector<400x128xf32>
    %add3A_88 = arith.addf %mul3A_85, %add3A_87 : vector<400x128xf32>
    %gt3A = arith.constant 0.000000e+00 : f32
    %gt3A_89 = vector.broadcast %gt3A : f32 to vector<400x128xf32>
    %gt3A_90 = arith.cmpf ogt, %add3A_88, %gt3A_89 : vector<400x128xf32>
    %mul3A_91 = arith.constant 2.000000e-01 : f32
    %mul3A_92 = vector.broadcast %mul3A_91 : f32 to vector<400x128xf32>
    %mul3A_93 = arith.mulf %mul3A_92, %add3A_88 : vector<400x128xf32>
    %select_n3A = arith.select %gt3A_90, %add3A_88, %mul3A_93 : vector<400x128xi1>, vector<400x128xf32>
    %swap3A = arith.constant 0 : index
    %swap3A_94 = arith.constant 0 : index
    %swap3A_95 = vector.load %arg11[%swap3A, %swap3A_94] : memref<400x128xf32, #tpu.memory_space<vmem>>, vector<400x128xf32>
    tpu.vector_store %arg11[%swap3A, %swap3A_94], %select_n3A {strides = array<i32>} : memref<400x128xf32, #tpu.memory_space<vmem>>, vector<400x128xf32>,
    return
  }
  func.func @transform_0(%arg0: i32) -> (i32, i32) {
    %c0_i32 = arith.constant 0 : i32
    %c0_i32_0 = arith.constant 0 : i32
    return %arg0, %c0_i32 : i32, i32
  }
  func.func @transform_1(%arg0: i32) -> (i32, i32) {
    %c0_i32 = arith.constant 0 : i32
    %c0_i32_0 = arith.constant 0 : i32
    return %arg0, %c0_i32 : i32, i32
  }
  func.func @transform_2(%arg0: i32) -> (i32, i32) {
    %add3A = arith.constant 25 : i32
    %add3A_0 = arith.addi %arg0, %add3A : i32
    %c0_i32 = arith.constant 0 : i32
    %c0_i32_1 = arith.constant 0 : i32
    return %add3A_0, %c0_i32 : i32, i32
  }
  func.func @transform_3(%arg0: i32) -> (i32, i32) {
    %add3A = arith.constant 50 : i32
    %add3A_0 = arith.addi %arg0, %add3A : i32
    %c0_i32 = arith.constant 0 : i32
    %c0_i32_1 = arith.constant 0 : i32
    return %add3A_0, %c0_i32 : i32, i32
  }
  func.func @transform_4(%arg0: i32) -> (i32, i32) {
    %c0_i32 = arith.constant 0 : i32
    %c0_i32_0 = arith.constant 0 : i32
    return %arg0, %c0_i32 : i32, i32
  }
  func.func @transform_5(%arg0: i32) -> (i32, i32, i32) {
    %c0_i32 = arith.constant 0 : i32
    %c0_i32_0 = arith.constant 0 : i32
    %c0_i32_1 = arith.constant 0 : i32
    %c0_i32_2 = arith.constant 0 : i32
    return %c0_i32, %c0_i32_0, %c0_i32_1 : i32, i32, i32
  }
  func.func @transform_6(%arg0: i32) -> (i32, i32) {
    %c0_i32 = arith.constant 0 : i32
    %c0_i32_0 = arith.constant 0 : i32
    %c0_i32_1 = arith.constant 0 : i32
    return %c0_i32, %c0_i32_0 : i32, i32
  }
  func.func @transform_7(%arg0: i32) -> i32 {
    %c0_i32 = arith.constant 0 : i32
    %c0_i32_0 = arith.constant 0 : i32
    return %c0_i32 : i32
  }
  func.func @transform_8(%arg0: i32) -> i32 {
    %c0_i32 = arith.constant 0 : i32
    %c0_i32_0 = arith.constant 0 : i32
    return %c0_i32 : i32
  }
  func.func @transform_9(%arg0: i32) -> i32 {
    %c0_i32 = arith.constant 0 : i32
    %c0_i32_0 = arith.constant 0 : i32
    return %c0_i32 : i32
  }
  func.func @transform_10(%arg0: i32) -> (i32, i32) {
    %c0_i32 = arith.constant 0 : i32
    %c0_i32_0 = arith.constant 0 : i32
    return %arg0, %c0_i32 : i32, i32
  }
}

module attributes {stable_mosaic.version = 14 : i64} {
  func.func @body(%arg0: i32, %arg1: memref<400x128xf32, #tpu.memory_space<vmem>>, %arg2: memref<400x128xf32, #tpu.memory_space<vmem>>, %arg3: memref<400x128xf32, #tpu.memory_space<vmem>>, %arg4: memref<400x128xf32, #tpu.memory_space<vmem>>, %arg5: memref<400x3xf32, #tpu.memory_space<vmem>>, %arg6: memref<3x128x128xf32, #tpu.memory_space<vmem>>, %arg7: memref<128x128xf32, #tpu.memory_space<vmem>>, %arg8: memref<128xf32, #tpu.memory_space<vmem>>, %arg9: memref<128xf32, #tpu.memory_space<vmem>>, %arg10: memref<128xf32, #tpu.memory_space<vmem>>, %arg11: memref<128xf32, #tpu.memory_space<vmem>>, %arg12: memref<128xf32, #tpu.memory_space<vmem>>, %arg13: memref<400x128xf32, #tpu.memory_space<vmem>>) attributes {dimension_semantics = [#tpu.dimension_semantics<arbitrary>], iteration_bounds = array<i64: 25>, scalar_prefetch = 0 : i64, scratch_operands = 0 : i64, tpu.core_type = #tpu.core_type<tc>, window_params = [{transform_indices = @transform_0, window_bounds = array<i64: 400, 128>}, {transform_indices = @transform_1, window_bounds = array<i64: 400, 128>}, {transform_indices = @transform_2, window_bounds = array<i64: 400, 128>}, {transform_indices = @transform_3, window_bounds = array<i64: 400, 128>}, {transform_indices = @transform_4, window_bounds = array<i64: 400, 3>}, {pipeline_mode = #tpu.pipeline_mode<synchronous>, transform_indices = @transform_5, window_bounds = array<i64: 3, 128, 128>}, {pipeline_mode = #tpu.pipeline_mode<synchronous>, transform_indices = @transform_6, window_bounds = array<i64: 128, 128>}, {pipeline_mode = #tpu.pipeline_mode<synchronous>, transform_indices = @transform_7, window_bounds = array<i64: 128>}, {pipeline_mode = #tpu.pipeline_mode<synchronous>, transform_indices = @transform_8, window_bounds = array<i64: 128>}, {pipeline_mode = #tpu.pipeline_mode<synchronous>, transform_indices = @transform_9, window_bounds = array<i64: 128>}, {pipeline_mode = #tpu.pipeline_mode<synchronous>, transform_indices = @transform_10, window_bounds = array<i64: 128>}, {pipeline_mode = #tpu.pipeline_mode<synchronous>, transform_indices = @transform_11, window_bounds = array<i64: 128>}, {transform_indices = @transform_12, window_bounds = array<i64: 400, 128>}]} {
    %get3A = arith.constant 0 : index
    %get3A_0 = arith.constant 0 : index
    %get3A_1 = vector.load %arg1[%get3A, %get3A_0] : memref<400x128xf32, #tpu.memory_space<vmem>>, vector<400x128xf32>
    %get3A_2 = arith.constant 0 : index
    %get3A_3 = arith.constant 0 : index
    %get3A_4 = vector.load %arg7[%get3A_2, %get3A_3] : memref<128x128xf32, #tpu.memory_space<vmem>>, vector<128x128xf32>
    %dot_general3A = arith.constant dense<0.000000e+00> : vector<400x128xf32>
    %dot_general3A_5 = tpu.matmul %get3A_1, %get3A_4, %dot_general3A {dimension_numbers = #tpu.dot_dimension_numbers<[1], [0], [0], [1], [0, 0, 1, 1], [], []>, precision = #tpu.contract_precision<fp32>, transpose_lhs_hint = false} : vector<400x128xf32>, vector<128x128xf32>, vector<400x128xf32> -> vector<400x128xf32>
    %get3A_6 = arith.constant 0 : index
    %get3A_7 = vector.load %arg8[%get3A_6] : memref<128xf32, #tpu.memory_space<vmem>>, vector<128xf32>
    %broadcast_in_dim3A = vector.shape_cast %get3A_7 : vector<128xf32> to vector<1x128xf32>
    %add3A = vector.broadcast %broadcast_in_dim3A : vector<1x128xf32> to vector<400x128xf32>
    %add3A_8 = arith.addf %dot_general3A_5, %add3A : vector<400x128xf32>
    %get3A_9 = arith.constant 0 : index
    %get3A_10 = arith.constant 0 : index
    %get3A_11 = vector.load %arg5[%get3A_9, %get3A_10] : memref<400x3xf32, #tpu.memory_space<vmem>>, vector<400x3xf32>
    %max3A = arith.constant 1.000000e+00 : f32
    %max3A_12 = vector.broadcast %max3A : f32 to vector<400x3xf32>
    %max3A_13 = arith.maximumf %get3A_11, %max3A_12 : vector<400x3xf32>
    %div3A = arith.constant 1.000000e+00 : f32
    %div3A_14 = vector.broadcast %div3A : f32 to vector<400x3xf32>
    %div3A_15 = arith.divf %div3A_14, %max3A_13 : vector<400x3xf32>
    %get3A_16 = arith.constant 0 : index
    %get3A_17 = arith.constant 0 : index
    %get3A_18 = vector.load %arg2[%get3A_16, %get3A_17] : memref<400x128xf32, #tpu.memory_space<vmem>>, vector<400x128xf32>
    %slice3A = vector.extract_strided_slice %div3A_15 {offsets = [0, 0], sizes = [400, 1], strides = [1, 1]} : vector<400x3xf32> to vector<400x1xf32>
    %squeeze3A = vector.shape_cast %slice3A : vector<400x1xf32> to vector<400xf32>
    %broadcast_in_dim3A_19 = vector.shape_cast %squeeze3A : vector<400xf32> to vector<400x1xf32>
    %mul3A = vector.broadcast %broadcast_in_dim3A_19 : vector<400x1xf32> to vector<400x128xf32>
    %mul3A_20 = arith.mulf %get3A_18, %mul3A : vector<400x128xf32>
    %get3A_21 = arith.constant 0 : index
    %get3A_22 = arith.constant 0 : index
    %get3A_23 = arith.constant 0 : index
    %get3A_24 = vector.load %arg6[%get3A_21, %get3A_22, %get3A_23] : memref<3x128x128xf32, #tpu.memory_space<vmem>>, vector<1x128x128xf32>
    %get3A_25 = vector.shape_cast %get3A_24 : vector<1x128x128xf32> to vector<128x128xf32>
    %dot_general3A_26 = arith.constant dense<0.000000e+00> : vector<400x128xf32>
    %dot_general3A_27 = tpu.matmul %mul3A_20, %get3A_25, %dot_general3A_26 {dimension_numbers = #tpu.dot_dimension_numbers<[1], [0], [0], [1], [0, 0, 1, 1], [], []>, precision = #tpu.contract_precision<fp32>, transpose_lhs_hint = false} : vector<400x128xf32>, vector<128x128xf32>, vector<400x128xf32> -> vector<400x128xf32>
    %add3A_28 = arith.addf %add3A_8, %dot_general3A_27 : vector<400x128xf32>
    %get3A_29 = arith.constant 0 : index
    %get3A_30 = arith.constant 0 : index
    %get3A_31 = vector.load %arg3[%get3A_29, %get3A_30] : memref<400x128xf32, #tpu.memory_space<vmem>>, vector<400x128xf32>
    %slice3A_32 = vector.extract_strided_slice %div3A_15 {offsets = [0, 1], sizes = [400, 1], strides = [1, 1]} : vector<400x3xf32> to vector<400x1xf32>
    %squeeze3A_33 = vector.shape_cast %slice3A_32 : vector<400x1xf32> to vector<400xf32>
    %broadcast_in_dim3A_34 = vector.shape_cast %squeeze3A_33 : vector<400xf32> to vector<400x1xf32>
    %mul3A_35 = vector.broadcast %broadcast_in_dim3A_34 : vector<400x1xf32> to vector<400x128xf32>
    %mul3A_36 = arith.mulf %get3A_31, %mul3A_35 : vector<400x128xf32>
    %get3A_37 = arith.constant 1 : index
    %get3A_38 = arith.constant 0 : index
    %get3A_39 = arith.constant 0 : index
    %get3A_40 = vector.load %arg6[%get3A_37, %get3A_38, %get3A_39] : memref<3x128x128xf32, #tpu.memory_space<vmem>>, vector<1x128x128xf32>
    %get3A_41 = vector.shape_cast %get3A_40 : vector<1x128x128xf32> to vector<128x128xf32>
    %dot_general3A_42 = arith.constant dense<0.000000e+00> : vector<400x128xf32>
    %dot_general3A_43 = tpu.matmul %mul3A_36, %get3A_41, %dot_general3A_42 {dimension_numbers = #tpu.dot_dimension_numbers<[1], [0], [0], [1], [0, 0, 1, 1], [], []>, precision = #tpu.contract_precision<fp32>, transpose_lhs_hint = false} : vector<400x128xf32>, vector<128x128xf32>, vector<400x128xf32> -> vector<400x128xf32>
    %add3A_44 = arith.addf %add3A_28, %dot_general3A_43 : vector<400x128xf32>
    %get3A_45 = arith.constant 0 : index
    %get3A_46 = arith.constant 0 : index
    %get3A_47 = vector.load %arg4[%get3A_45, %get3A_46] : memref<400x128xf32, #tpu.memory_space<vmem>>, vector<400x128xf32>
    %slice3A_48 = vector.extract_strided_slice %div3A_15 {offsets = [0, 2], sizes = [400, 1], strides = [1, 1]} : vector<400x3xf32> to vector<400x1xf32>
    %squeeze3A_49 = vector.shape_cast %slice3A_48 : vector<400x1xf32> to vector<400xf32>
    %broadcast_in_dim3A_50 = vector.shape_cast %squeeze3A_49 : vector<400xf32> to vector<400x1xf32>
    %mul3A_51 = vector.broadcast %broadcast_in_dim3A_50 : vector<400x1xf32> to vector<400x128xf32>
    %mul3A_52 = arith.mulf %get3A_47, %mul3A_51 : vector<400x128xf32>
    %get3A_53 = arith.constant 2 : index
    %get3A_54 = arith.constant 0 : index
    %get3A_55 = arith.constant 0 : index
    %get3A_56 = vector.load %arg6[%get3A_53, %get3A_54, %get3A_55] : memref<3x128x128xf32, #tpu.memory_space<vmem>>, vector<1x128x128xf32>
    %get3A_57 = vector.shape_cast %get3A_56 : vector<1x128x128xf32> to vector<128x128xf32>
    %dot_general3A_58 = arith.constant dense<0.000000e+00> : vector<400x128xf32>
    %dot_general3A_59 = tpu.matmul %mul3A_52, %get3A_57, %dot_general3A_58 {dimension_numbers = #tpu.dot_dimension_numbers<[1], [0], [0], [1], [0, 0, 1, 1], [], []>, precision = #tpu.contract_precision<fp32>, transpose_lhs_hint = false} : vector<400x128xf32>, vector<128x128xf32>, vector<400x128xf32> -> vector<400x128xf32>
    %add3A_60 = arith.addf %add3A_44, %dot_general3A_59 : vector<400x128xf32>
    %get3A_61 = arith.constant 0 : index
    %get3A_62 = vector.load %arg9[%get3A_61] : memref<128xf32, #tpu.memory_space<vmem>>, vector<128xf32>
    %get3A_63 = arith.constant 0 : index
    %get3A_64 = vector.load %arg10[%get3A_63] : memref<128xf32, #tpu.memory_space<vmem>>, vector<128xf32>
    %reduce_sum3A = arith.constant dense<0.000000e+00> : vector<400xf32>
    %reduce_sum3A_65 = vector.multi_reduction <add>, %add3A_60, %reduce_sum3A [1] : vector<400x128xf32> to vector<400xf32>
    %broadcast_in_dim3A_66 = vector.shape_cast %reduce_sum3A_65 : vector<400xf32> to vector<400x1xf32>
    %div3A_67 = arith.constant 1.280000e+02 : f32
    %div3A_68 = vector.broadcast %div3A_67 : f32 to vector<400x1xf32>
    %div3A_69 = arith.divf %broadcast_in_dim3A_66, %div3A_68 : vector<400x1xf32>
    %sub3A = vector.broadcast %div3A_69 : vector<400x1xf32> to vector<400x128xf32>
    %sub3A_70 = arith.subf %add3A_60, %sub3A : vector<400x128xf32>
    %mul3A_71 = arith.mulf %sub3A_70, %sub3A_70 : vector<400x128xf32>
    %reduce_sum3A_72 = arith.constant dense<0.000000e+00> : vector<400xf32>
    %reduce_sum3A_73 = vector.multi_reduction <add>, %mul3A_71, %reduce_sum3A_72 [1] : vector<400x128xf32> to vector<400xf32>
    %broadcast_in_dim3A_74 = vector.shape_cast %reduce_sum3A_73 : vector<400xf32> to vector<400x1xf32>
    %div3A_75 = arith.constant 1.280000e+02 : f32
    %div3A_76 = vector.broadcast %div3A_75 : f32 to vector<400x1xf32>
    %div3A_77 = arith.divf %broadcast_in_dim3A_74, %div3A_76 : vector<400x1xf32>
    %add3A_78 = arith.constant 9.99999974E-6 : f32
    %add3A_79 = vector.broadcast %add3A_78 : f32 to vector<400x1xf32>
    %add3A_80 = arith.addf %div3A_77, %add3A_79 : vector<400x1xf32>
    %rsqrt3A = math.rsqrt %add3A_80 : vector<400x1xf32>
    %mul3A_81 = vector.broadcast %rsqrt3A : vector<400x1xf32> to vector<400x128xf32>
    %mul3A_82 = arith.mulf %sub3A_70, %mul3A_81 : vector<400x128xf32>
    %broadcast_in_dim3A_83 = vector.shape_cast %get3A_62 : vector<128xf32> to vector<1x128xf32>
    %mul3A_84 = vector.broadcast %broadcast_in_dim3A_83 : vector<1x128xf32> to vector<400x128xf32>
    %mul3A_85 = arith.mulf %mul3A_82, %mul3A_84 : vector<400x128xf32>
    %broadcast_in_dim3A_86 = vector.shape_cast %get3A_64 : vector<128xf32> to vector<1x128xf32>
    %add3A_87 = vector.broadcast %broadcast_in_dim3A_86 : vector<1x128xf32> to vector<400x128xf32>
    %add3A_88 = arith.addf %mul3A_85, %add3A_87 : vector<400x128xf32>
    %get3A_89 = arith.constant 0 : index
    %get3A_90 = vector.load %arg11[%get3A_89] : memref<128xf32, #tpu.memory_space<vmem>>, vector<128xf32>
    %get3A_91 = arith.constant 0 : index
    %get3A_92 = vector.load %arg12[%get3A_91] : memref<128xf32, #tpu.memory_space<vmem>>, vector<128xf32>
    %reduce_sum3A_93 = arith.constant dense<0.000000e+00> : vector<400xf32>
    %reduce_sum3A_94 = vector.multi_reduction <add>, %add3A_88, %reduce_sum3A_93 [1] : vector<400x128xf32> to vector<400xf32>
    %broadcast_in_dim3A_95 = vector.shape_cast %reduce_sum3A_94 : vector<400xf32> to vector<400x1xf32>
    %div3A_96 = arith.constant 1.280000e+02 : f32
    %div3A_97 = vector.broadcast %div3A_96 : f32 to vector<400x1xf32>
    %div3A_98 = arith.divf %broadcast_in_dim3A_95, %div3A_97 : vector<400x1xf32>
    %sub3A_99 = vector.broadcast %div3A_98 : vector<400x1xf32> to vector<400x128xf32>
    %sub3A_100 = arith.subf %add3A_88, %sub3A_99 : vector<400x128xf32>
    %mul3A_101 = arith.mulf %sub3A_100, %sub3A_100 : vector<400x128xf32>
    %reduce_sum3A_102 = arith.constant dense<0.000000e+00> : vector<400xf32>
    %reduce_sum3A_103 = vector.multi_reduction <add>, %mul3A_101, %reduce_sum3A_102 [1] : vector<400x128xf32> to vector<400xf32>
    %broadcast_in_dim3A_104 = vector.shape_cast %reduce_sum3A_103 : vector<400xf32> to vector<400x1xf32>
    %div3A_105 = arith.constant 1.280000e+02 : f32
    %div3A_106 = vector.broadcast %div3A_105 : f32 to vector<400x1xf32>
    %div3A_107 = arith.divf %broadcast_in_dim3A_104, %div3A_106 : vector<400x1xf32>
    %add3A_108 = arith.constant 9.99999974E-6 : f32
    %add3A_109 = vector.broadcast %add3A_108 : f32 to vector<400x1xf32>
    %add3A_110 = arith.addf %div3A_107, %add3A_109 : vector<400x1xf32>
    %rsqrt3A_111 = math.rsqrt %add3A_110 : vector<400x1xf32>
    %mul3A_112 = vector.broadcast %rsqrt3A_111 : vector<400x1xf32> to vector<400x128xf32>
    %mul3A_113 = arith.mulf %sub3A_100, %mul3A_112 : vector<400x128xf32>
    %broadcast_in_dim3A_114 = vector.shape_cast %get3A_90 : vector<128xf32> to vector<1x128xf32>
    %mul3A_115 = vector.broadcast %broadcast_in_dim3A_114 : vector<1x128xf32> to vector<400x128xf32>
    %mul3A_116 = arith.mulf %mul3A_113, %mul3A_115 : vector<400x128xf32>
    %broadcast_in_dim3A_117 = vector.shape_cast %get3A_92 : vector<128xf32> to vector<1x128xf32>
    %add3A_118 = vector.broadcast %broadcast_in_dim3A_117 : vector<1x128xf32> to vector<400x128xf32>
    %add3A_119 = arith.addf %mul3A_116, %add3A_118 : vector<400x128xf32>
    %swap3A = arith.constant 0 : index
    %swap3A_120 = arith.constant 0 : index
    %swap3A_121 = vector.load %arg13[%swap3A, %swap3A_120] : memref<400x128xf32, #tpu.memory_space<vmem>>, vector<400x128xf32>
    tpu.vector_store %arg13[%swap3A, %swap3A_120], %add3A_119 {strides = array<i32>} : memref<400x128xf32, #tpu.memory_space<vmem>>, vector<400x128xf32>,
    return
  }
  func.func @transform_0(%arg0: i32) -> (i32, i32) {
    %c0_i32 = arith.constant 0 : i32
    %c0_i32_0 = arith.constant 0 : i32
    return %arg0, %c0_i32 : i32, i32
  }
  func.func @transform_1(%arg0: i32) -> (i32, i32) {
    %c0_i32 = arith.constant 0 : i32
    %c0_i32_0 = arith.constant 0 : i32
    return %arg0, %c0_i32 : i32, i32
  }
  func.func @transform_2(%arg0: i32) -> (i32, i32) {
    %add3A = arith.constant 25 : i32
    %add3A_0 = arith.addi %arg0, %add3A : i32
    %c0_i32 = arith.constant 0 : i32
    %c0_i32_1 = arith.constant 0 : i32
    return %add3A_0, %c0_i32 : i32, i32
  }
  func.func @transform_3(%arg0: i32) -> (i32, i32) {
    %add3A = arith.constant 50 : i32
    %add3A_0 = arith.addi %arg0, %add3A : i32
    %c0_i32 = arith.constant 0 : i32
    %c0_i32_1 = arith.constant 0 : i32
    return %add3A_0, %c0_i32 : i32, i32
  }
  func.func @transform_4(%arg0: i32) -> (i32, i32) {
    %c0_i32 = arith.constant 0 : i32
    %c0_i32_0 = arith.constant 0 : i32
    return %arg0, %c0_i32 : i32, i32
  }
  func.func @transform_5(%arg0: i32) -> (i32, i32, i32) {
    %c0_i32 = arith.constant 0 : i32
    %c0_i32_0 = arith.constant 0 : i32
    %c0_i32_1 = arith.constant 0 : i32
    %c0_i32_2 = arith.constant 0 : i32
    return %c0_i32, %c0_i32_0, %c0_i32_1 : i32, i32, i32
  }
  func.func @transform_6(%arg0: i32) -> (i32, i32) {
    %c0_i32 = arith.constant 0 : i32
    %c0_i32_0 = arith.constant 0 : i32
    %c0_i32_1 = arith.constant 0 : i32
    return %c0_i32, %c0_i32_0 : i32, i32
  }
  func.func @transform_7(%arg0: i32) -> i32 {
    %c0_i32 = arith.constant 0 : i32
    %c0_i32_0 = arith.constant 0 : i32
    return %c0_i32 : i32
  }
  func.func @transform_8(%arg0: i32) -> i32 {
    %c0_i32 = arith.constant 0 : i32
    %c0_i32_0 = arith.constant 0 : i32
    return %c0_i32 : i32
  }
  func.func @transform_9(%arg0: i32) -> i32 {
    %c0_i32 = arith.constant 0 : i32
    %c0_i32_0 = arith.constant 0 : i32
    return %c0_i32 : i32
  }
  func.func @transform_10(%arg0: i32) -> i32 {
    %c0_i32 = arith.constant 0 : i32
    %c0_i32_0 = arith.constant 0 : i32
    return %c0_i32 : i32
  }
  func.func @transform_11(%arg0: i32) -> i32 {
    %c0_i32 = arith.constant 0 : i32
    %c0_i32_0 = arith.constant 0 : i32
    return %c0_i32 : i32
  }
  func.func @transform_12(%arg0: i32) -> (i32, i32) {
    %c0_i32 = arith.constant 0 : i32
    %c0_i32_0 = arith.constant 0 : i32
    return %arg0, %c0_i32 : i32, i32
  }
}

</mosaic_0001>

<sc_bundles>
// kernel: kernel.10.cloned.1.call-start
scs
__scs_entry_jumppad:
0x0: {  	(pc) =	sbr.rel $0x88, $3  }
0x1: {  	(tag) =	ssettag $0x0;
	lr =	simm.s32 $0x1  }
0x2: {  	[smem:$0x3F92] =	sst lr;
	_ =	strace $0xD0000000  }
0x3: {  	_ = 	snop  }
0x4: {  	_ = 	snop  }
0x5: {  	_ = 	snop  }
0x6: {  	_ = 	snop  }
0x7: {  	_ = 	snop  }
__scs_overlays_trampoline_lowered:
0x8: {  	[smem:$0x3FA1] =	sst s0  }
0x9: {  	[smem:$0x3FA2] =	sst s1  }
0xa: {  	[smem:$0x3FA3] =	sst s2  }
0xb: {  	[smem:$0x3FA4] =	sst s3  }
0xc: {  	[smem:$0x3FA5] =	sst s4  }
0xd: {  	[smem:$0x3FA6] =	sst s5  }
0xe: {  	[smem:$0x3FA7] =	sst s6  }
0xf: {  	[smem:$0x3FA8] =	sst s7  }
0x10: {  	[smem:$0x3FA9] =	sst s8  }
0x11: {  	[smem:$0x3FAA] =	sst s9;
	s0 =	simm.s32 @!p0 $0x0  }
0x12: {  	s1 =	sld [smem:$0x3F90];
	s0 =	simm.s32 @p0 $0x1  }
0x13: {  	[smem:$0x3FAB] =	sst s0;
	s0 =	simm.s32 @!p1 $0x0  }
0x14: {  	s2 =	sld [smem:$0x3F8F];
	s0 =	simm.s32 @p1 $0x1  }
0x15: {  	[smem:$0x3FAC] =	sst s0;
	s0 =	simm.s32 @!p2 $0x0  }
0x16: {  	s3 =	sld [smem:$0x3FDB];
	s0 =	simm.s32 @p2 $0x1  }
0x17: {  	s4 =	simm.s32 $0x1BF5;
	[smem:$0x3FAE] =	sst s0  }
0x18: {  	s0 =	sld [smem:$0x3F91];
	_ =	swait.ge [sflag:s4], $0x0  }
0x19: {  	s7 =	sld [smem:$0x3F92]  }
0x1a: {  	s8 =	sadd.s32 $0xFFFFE003, lr  }
0x1b: {  	s9 =	sadd.s32 $0xFFFFFEF7, lr;
	s5 =	simm.s32 $0xFFFFFFFF;
	p2 =	slt.u32 s8, $0xFFFFF086  }
0x1c: {  	p1 =	slt.u32 s9, $0xF7A;
	s5 =	simm.s32 @!p2 $0x0  }
0x1d: {  	s5 =	simm.s32 @p1 $0x1;
	p0 =	seq.s32 s7, s2  }
0x1e: {  	s7 =	smul.u32 @!p0 $0xF7A, s2;
	p2 =	seq.s32 @!p0 s5, $0x0  }
0x1f: {  	s9 =	smul.u32 $0xF7A, s1;
	s8 =	simm.s32 @!p0 $0x1BF5;
	p2 =	por !p2, p0  }
0x20: {  	[sflag:s8] =	ssyncset.s32 @!p0 $0xFFFFF086;
	s6 =	sadd.s32 @!p0 s3, s7;
	s7 =	simm.s32 @!p0 $0x108  }
0x21: {  	s3 =	sadd.s32 s3, s9;
	s6 =	sadd.s32 @!p0 $0x88, s6;
	s7 =	simm.s32 @p2 $0x1082  }
0x22: {  	[simem:s7], [sflag:s8] =	dma.local @!p0 [hbm:s6], $0xF7A  }
0x23: {  	s9 =	sor.u32 $0xD0000000, s2;
	s6 =	simm.s32 $0x108;
	_ =	swait.ge @!p0 [sflag:s8], $0x0  }
0x24: {  	s3 =	sadd.s32 $0x88, s3;
	s6 =	simm.s32 @!p1 $0x1082;
	[sflag:s4] =	ssyncset.s32 $0xFFFFF086  }
0x25: {  	[simem:s6], [sflag:s4] =	dma.local [hbm:s3], $0xF7A  }
0x26: {  	[smem:$0x3F92] =	sst s1;
	(tag) =	ssettag s2;
	_ =	strace s9  }
0x27: {  	s1 =	sld [smem:$0x3FA2]  }
0x28: {  	s2 =	sld [smem:$0x3FA3]  }
0x29: {  	s4 =	sld [smem:$0x3FA5]  }
0x2a: {  	p0 =	seq.s32 s5, $0x0;
	s5 =	sld [smem:$0x3FA6]  }
0x2b: {  	s6 =	sld [smem:$0x3FA7]  }
0x2c: {  	s7 =	sld [smem:$0x3FA8]  }
0x2d: {  	s3 =	simm.s32 $0x108;
	s8 =	sld [smem:$0x3FA9]  }
0x2e: {  	s3 =	simm.s32 @!p0 $0x1082;
	s9 =	sld [smem:$0x3FAA]  }
0x2f: {  	lr =	sadd.s32 s0, s3;
	s0 =	sld [smem:$0x3FA1]  }
0x30: {  	s3 =	sld [smem:$0x3FA4]  }
0x31: {  	[smem:$0x3FAD] =	sst s10  }
0x32: {  	s10 =	sld [smem:$0x3FAB];
	_ =	sdelay $0x3  }
0x33: {  	p0 =	seq.s32 s10, $0x1;
	s10 =	sld [smem:$0x3FAD];
	_ =	sdelay $0x3  }
0x34: {  	[smem:$0x3FAD] =	sst s10  }
0x35: {  	s10 =	sld [smem:$0x3FAC];
	_ =	sdelay $0x3  }
0x36: {  	p1 =	seq.s32 s10, $0x1;
	s10 =	sld [smem:$0x3FAD];
	_ =	sdelay $0x3  }
0x37: {  	[smem:$0x3FAD] =	sst s10  }
0x38: {  	s10 =	sld [smem:$0x3FAE]  }
0x39: {  	_ = 	snop;
	(pc) =	sbr.ind lr, $3  }
0x3a: {  	_ = 	snop  }
0x3b: {  	_ = 	snop  }
0x3c: {  	p2 =	seq.s32 s10, $0x1;
	s10 =	sld [smem:$0x3FAD]  }
0x3d: {  	_ =	shalt  }
0x3e: {  	_ =	shalt  }
0x3f: {  	_ =	shalt  }
0x40: {  	_ =	shalt  }
0x41: {  	_ =	shalt  }
0x42: {  	_ =	shalt  }
0x43: {  	_ =	shalt  }
0x44: {  	_ =	shalt  }
0x45: {  	_ =	shalt  }
0x46: {  	_ =	shalt  }
0x47: {  	_ =	shalt  }
0x48: {  	_ =	shalt  }
0x49: {  	_ =	shalt  }
0x4a: {  	_ =	shalt  }
0x4b: {  	_ =	shalt  }
0x4c: {  	_ =	shalt  }
0x4d: {  	_ =	shalt  }
0x4e: {  	_ =	shalt  }
0x4f: {  	_ =	shalt  }
0x50: {  	_ =	shalt  }
0x51: {  	_ =	shalt  }
0x52: {  	_ =	shalt  }
0x53: {  	_ =	shalt  }
0x54: {  	_ =	shalt  }
0x55: {  	_ =	shalt  }
0x56: {  	_ =	shalt  }
0x57: {  	_ =	shalt  }
0x58: {  	_ =	shalt  }
0x59: {  	_ =	shalt  }
0x5a: {  	_ =	shalt  }
0x5b: {  	_ =	shalt  }
0x5c: {  	_ =	shalt  }
0x5d: {  	_ =	shalt  }
0x5e: {  	_ =	shalt  }
0x5f: {  	_ =	shalt  }
0x60: {  	_ =	shalt  }
0x61: {  	_ =	shalt  }
0x62: {  	_ =	shalt  }
0x63: {  	_ =	shalt  }
0x64: {  	_ =	shalt  }
0x65: {  	_ =	shalt  }
0x66: {  	_ =	shalt  }
0x67: {  	_ =	shalt  }
0x68: {  	_ =	shalt  }
0x69: {  	_ =	shalt  }
0x6a: {  	_ =	shalt  }
0x6b: {  	_ =	shalt  }
0x6c: {  	_ =	shalt  }
0x6d: {  	_ =	shalt  }
0x6e: {  	_ =	shalt  }
0x6f: {  	_ =	shalt  }
0x70: {  	_ =	shalt  }
0x71: {  	_ =	shalt  }
0x72: {  	_ =	shalt  }
0x73: {  	_ =	shalt  }
0x74: {  	_ =	shalt  }
0x75: {  	_ =	shalt  }
0x76: {  	_ =	shalt  }
0x77: {  	_ =	shalt  }
0x78: {  	_ =	shalt  }
0x79: {  	_ =	shalt  }
0x7a: {  	_ =	shalt  }
0x7b: {  	_ =	shalt  }
0x7c: {  	_ =	shalt  }
0x7d: {  	_ =	shalt  }
0x7e: {  	_ =	shalt  }
0x7f: {  	_ =	shalt  }
0x80: {  	_ =	shalt  }
0x81: {  	_ =	shalt  }
0x82: {  	_ =	shalt  }
0x83: {  	_ =	shalt  }
0x84: {  	_ =	shalt  }
0x85: {  	_ =	shalt  }
0x86: {  	_ =	shalt  }
0x87: {  	_ =	shalt  }
.Lfunc_end0:
.L_simem_size_0:
called_computation.1_lowered:
.L_overlay_start_0:
0x88: {  	s2 =	sld [smem:$0x3FD9]  }
0x89: {  	s3 =	sld [smem:$0x3FFE];
	_ =	sdelay $0x1  }
0x8a: {  	s1 =	srdreg.scid  }
0x8b: {  	s0 =	sand.u32 $0x1, s1  }
0x8c: {  	s17 =	sshll.u32 s0, $0xA;
	s2 =	sadd.s32 s3, s2  }
0x8d: {  	s2 =	sadd.s32 s2, s17  }
0x8e: {  	[smem:$0x3FB9] =	sst s2  }
0x8f: {  	_ = 	snop  }
0x90: {  	s18 =	sld [smem:$0x3FC9];
	(tm) =	ssettm $0x1  }
0x91: {  	s19 =	sld [smem:$0x3FFB];
	_ =	sdelay $0x3  }
0x92: {  	_ =	strace s19  }
0x93: {  	s2 =	sld [smem:$0x3FFC];
	_ =	sdelay $0x3  }
0x94: {  	_ =	strace s2  }
0x95: {  	s2 =	sld [smem:$0x3FFD];
	_ =	sdelay $0x3  }
0x96: {  	_ =	strace s2  }
0x97: {  	_ =	strace $0x8FFFFFFF  }
0x98: {  	s20 =	sld [smem:$0x3FDB];
	_ =	sdelay $0x1  }
0x99: {  	s4 =	simm.s32 $_scs_section_size  }
0x9a: {  	s5 =	simm.s32 $_size__tile_overlayer_lowered;
	s6 =	simm.s32 $_tile_overlayer_lowered  }
0x9b: {  	s7 =	simm.s32 $0x1BFF;
	s21 =	sshll.u32 s6, $0x1;
	s4 =	sadd.s32 s4, s20  }
0x9c: {  	s22 =	simm.s32 $0x0;
	s5 =	sshll.u32 s5, $0x1;
	s6 =	sadd.s32 s21, s4  }
0x9d: {  	[timem:s22], [sflag:s7] =	dma.local [hbm:s6], s5  }
0x9e: {  	_ =	swait.ge [sflag:s7], s5  }
0x9f: {  	s5 =	ssub.s32 $0x0, s5;
	[sflag:s7] =	ssyncset.done $0x0  }
0xa0: {  	[sflag:s7] =	ssyncadd.s32 s5;
	_ =	sdelay $0x1  }
0xa1: {  	s23 =	simm.s32 $0x1B8B  }
0xa2: {  	_ =	swait.ge [sflag:s23], $0x1  }
0xa3: {  	[sflag:s23] =	ssyncset.done $0x0  }
0xa4: {  	[sflag:s23] =	ssyncadd.s32 $0xFFFFFFFF  }
0xa5: {  	s5 =	sld [smem:$0x0]  }
0xa6: {  	s6 =	sand.u32 $0xFFFFFFFE, s1  }
0xa7: {  	p0 =	sne.s32 s1, s6  }
0xa8: {  	s6 =	sshll.u32 @p0 s6, $0xE  }
0xa9: {  	s6 =	sadd.s32 @p0 $0x11B8D, s6;
	s7 =	sshll.u32 @p0 s5, $0x11  }
0xaa: {  	s6 =	sor.u32 @p0 s7, s6  }
0xab: {  	[sflag:s6] =	ssyncadd.remote.s32 @p0 $0x1;
	_ =	sdelay $0x1  }
0xac: {  	s6 =	simm.s32 @p0 $0x1B8D  }
0xad: {  	_ =	swait.eq @p0 [sflag:s6], $0x1  }
0xae: {  	[sflag:s6] =	ssyncadd.s32 @p0 $0xFFFFFFFF  }
0xaf: {  	s7 =	sshll.u32 @!p0 s1, $0xE  }
0xb0: {  	s7 =	sor.u32 @!p0 $0x4000, s7;
	s6 =	simm.s32 @!p0 $0x1B8D  }
0xb1: {  	s5 =	sshll.u32 @!p0 s5, $0x11;
	s7 =	sadd.s32 @!p0 $0x11B8D, s7;
	_ =	swait.eq @!p0 [sflag:s6], $0x1  }
0xb2: {  	s5 =	sor.u32 @!p0 s5, s7;
	[sflag:s6] =	ssyncadd.s32 @!p0 $0xFFFFFFFF  }
0xb3: {  	s25 =	simm.s32 $0x1B8E;
	s24 =	sld [smem:$0x3FFE];
	[sflag:s5] =	ssyncadd.remote.s32 @!p0 $0x1  }
0xb4: {  	s26 =	simm.s32 $execute0_lowered;
	[smem:$0x3FD2] =	sst s25  }
0xb5: {  	s6 =	sshll.u32 s26, $0x1;
	_ =	strace $0x80000049;
	[dreg:$0x1] =	wrdreg $0xFFFFFFFF  }
0xb6: {  	s28 =	simm.s32 $_size_execute0_lowered;
	s4 =	sadd.s32 s4, s6;
	[dreg:$0x0] =	wrdreg $0x0  }
0xb7: {  	s6 =	sshll.u32 s28, $0x1;
	[dreg:$0x2] =	wrdreg s4  }
0xb8: {  	[dreg:$0x3] =	wrdreg s6  }
0xb9: {  	[dreg:$0x4] =	wrdreg $0xC0  }
0xba: {  	_ =	task [dreg:s22], $0x5FFFF  }
0xbb: {  	[dreg:$0x1] =	wrdreg $0xFFFFFFFF  }
0xbc: {  	[dreg:$0x0] =	wrdreg $0x60  }
0xbd: {  	[dreg:$0x2] =	wrdreg s18  }
0xbe: {  	[dreg:$0x3] =	wrdreg s24  }
0xbf: {  	[dreg:$0x4] =	wrdreg $0x22800  }
0xc0: {  	[dreg:$0x5] =	wrdreg $0xA  }
0xc1: {  	_ =	task.clear_ibuf [dreg:s22], $0x6FFFF;
	_ =	strace $0x90000049  }
0xc2: {  	s29 =	simm.s32 $0xA;
	_ =	strace $0x8000004B  }
0xc3: {  	_ =	swait.ge [sflag:s29], $0x1  }
0xc4: {  	[sflag:s29] =	ssyncadd.s32 $0xFFFFFFFF  }
0xc5: {  	_ =	strace $0x9000004B  }
0xc6: {  	_ =	sfence  }
0xc7: {  	s30 =	sld [smem:$0x0];
	_ =	sdelay $0x2  }
0xc8: {  	s31 =	sshll.u32 s1, $0xD;
	s1 =	sshrl.u32 s1, $0x2  }
0xc9: {  	s4 =	sand.u32 $0x4000, s31;
	s1 =	sadd.s32 s1, s30  }
0xca: {  	s0 =	sor.u32 s4, s0;
	s1 =	sshll.u32 s1, $0x11  }
0xcb: {  	s0 =	sor.u32 s1, s0  }
0xcc: {  	s0 =	sadd.s32 $0x8F2B, s0  }
0xcd: {  	[sflag:s0] =	ssyncadd.remote.s32 $0x1  }
0xce: {  	_ =	sfence.sel $0xFFFF  }
0xcf: {  	[dreg:$0x0] =	wrdreg $0xFFFFFFFF;
	(pc) =	sbr.abs _section_cstart, $3  }
0xd0: {  	[dreg:$0x1] =	wrdreg $0xFFFFFFFF  }
0xd1: {  	_ =	task.clear_ibuf [dreg:s22], $0x2FFFF;
	_ =	strace $0x9FFFFFFF  }
0xd2: {  	(tm) =	ssettm $0x7FFFFFFF  }
0xd3: {  	_ =	shalt  }
tec
execute0_lowered:
.L_overlay_start_1:
0x0: {  	(tag) =	ssettag $0x1  }
0x1: {  	s2 =	rddreg [dreg:$0x0]  }
0x2: {  	s0 =	rddreg [dreg:$0x1]  }
0x3: {  	s3 =	rddreg [dreg:$0x2]  }
0x4: {  	s8 =	stileid.u32;
	s5 =	srdreg.scid;
	s4 =	simm.s32 $0x0  }
0x5: {  	s28 =	simm.s32 $0x80;
	s29 =	simm.s32 $0x100;
	s1 =	smul.u32 $0xA00, s8  }
0x6: {  	s30 =	simm.s32 $0x180;
	s31 =	simm.s32 $0x1;
	s22 =	smul.u32 $0x3AA00, s8  }
0x7: {  	s6 =	sand.u32 $0x1, s5;
	[smem:$0x7FF] =	sst s4;
	s8 =	smul.u32 $0x75400, s8  }
0x8: {  	s7 =	sshll.u32 s6, $0x6;
	_ =	strace $0x8000004A;
	s23 =	ssub.s32 $0x2, s6  }
0x9: {  	s1 =	sadd.s32 s1, s0;
	s5 =	sor.u32 s7, s22;
	s9 =	sshrl.u32 s23, $0x1  }
0xa: {  	s8 =	sshrl.u32 s8, $0x2;
	s5 =	sshrl.u32 s5, $0x3;
	s7 =	ssub.s32 s23, s9  }
0xb: {  	s22 =	sadd.s32 $0x3000, s1;
	s23 =	sadd.s32 $0xD000, s1;
	s9 =	simm.s32 $0x8  }
0xc: {  	s0 =	sadd.s32 s5, s0;
	s5 =	sadd.s32 s8, s3;
	s21 =	smax.u32 s7, $0x1  }
0xd: {  	s8 =	sadd.s32 $0x2000, s5;
	s24 =	sadd.s32 $0x4000, s5;
	s25 =	sadd.s32 $0x6000, s5  }
0xe: {  	s26 =	sadd.s32 $0x8000, s5;
	s10 =	sadd.s32 $0xA000, s5;
	s11 =	sadd.s32 $0xC000, s5  }
0xf: {  	s12 =	sadd.s32 $0xE000, s5;
	s13 =	sadd.s32 $0x10000, s5;
	s14 =	sadd.s32 $0x12000, s5  }
0x10: {  	s15 =	sadd.s32 $0x14000, s5;
	s16 =	sadd.s32 $0x16000, s5;
	[dreg:$0x4] =	wrdreg s8  }
0x11: {  	s17 =	sadd.s32 $0x18000, s5;
	s18 =	sadd.s32 $0x1A000, s5;
	[dreg:$0x5] =	wrdreg s24  }
0x12: {  	s19 =	sadd.s32 $0x1C000, s5;
	s20 =	sadd.s32 $0x21000, s0;
	[dreg:$0x6] =	wrdreg s25  }
0x13: {  	s0 =	simm.s32 $0x200;
	[dreg:$0x7] =	wrdreg s26;
	s24 =	sadd.s32 $0x17000, s1  }
0x14: {  	v1 =	vimm.f32 $0.0e+00;
	v0 =	vmov s6;
	s25 =	simm.s32 $0x280;
	s26 =	simm.s32 $0x2;
	s1 =	simm.s32 $0x0  }
.LBB2_1:
0x15: {  	s7 =	simm.s32 $0x100;
	s6 =	simm.s32 $0x0  }
.LBB2_2:
0x16: {  	p0 =	sne.s32 s7, $0x7F00;
	[tilespmem:s6+$0x2B0] =	vst v1;
	s8 =	smov.u32 s7;
	s7 =	sadd.s32 $0x100, s7  }
.Ltmp0:
0x17: {  	[tilespmem:s6+$0x2A0] =	vst v1;
	(pc) =	sbr.rel @p0 .LBB2_2-.Ltmp0, $3  }
0x18: {  	[tilespmem:s6+$0x280] =	vst v1  }
0x19: {  	[tilespmem:s6+$0x290] =	vst v1;
	_ =	sdelay $0x1  }
0x1a: {  	s6 =	sshra.s32 s8, $0x2  }
0x1b: {  	[tilespmem:s6+$0x2B0] =	vst v1  }
0x1c: {  	[tilespmem:s6+$0x2A0] =	vst v1  }
0x1d: {  	[tilespmem:s6+$0x280] =	vst v1  }
0x1e: {  	[tilespmem:s6+$0x290] =	vst v1  }
0x1f: {  	[spmem:s5] =	stream.linear.scatter [tilespmem:s25], [sflag:$0x2], $0x2000, $0x38;
	[tilespmem:$0x1F780] =	vst v63  }
0x20: {  	_ =	swait.ge [sflag:s26], $0x2000  }
0x21: {  	[sflag:s26] =	ssyncset.done $0x0  }
0x22: {  	s8 =	rddreg [dreg:$0x4];
	[sflag:s26] =	ssyncadd.s32 $0xFFFFE000  }
0x23: {  	[spmem:s8] =	stream.linear.scatter [tilespmem:s25], [sflag:$0x2], $0x2000, $0x38;
	[tilespmem:$0x1F780] =	vst v63  }
0x24: {  	_ =	swait.ge [sflag:s26], $0x2000  }
0x25: {  	[sflag:s26] =	ssyncset.done $0x0  }
0x26: {  	s7 =	rddreg [dreg:$0x5];
	[sflag:s26] =	ssyncadd.s32 $0xFFFFE000  }
0x27: {  	[spmem:s7] =	stream.linear.scatter [tilespmem:s25], [sflag:$0x2], $0x2000, $0x38;
	[tilespmem:$0x1F780] =	vst v63  }
0x28: {  	_ =	swait.ge [sflag:s26], $0x2000  }
0x29: {  	[sflag:s26] =	ssyncset.done $0x0  }
0x2a: {  	s8 =	rddreg [dreg:$0x6];
	[sflag:s26] =	ssyncadd.s32 $0xFFFFE000  }
0x2b: {  	[spmem:s8] =	stream.linear.scatter [tilespmem:s25], [sflag:$0x2], $0x2000, $0x38;
	[tilespmem:$0x1F780] =	vst v63  }
0x2c: {  	_ =	swait.ge [sflag:s26], $0x2000  }
0x2d: {  	[sflag:s26] =	ssyncset.done $0x0  }
0x2e: {  	s7 =	rddreg [dreg:$0x7];
	[sflag:s26] =	ssyncadd.s32 $0xFFFFE000  }
0x2f: {  	[spmem:s7] =	stream.linear.scatter [tilespmem:s25], [sflag:$0x2], $0x2000, $0x38;
	[tilespmem:$0x1F780] =	vst v63  }
0x30: {  	_ =	swait.ge [sflag:s26], $0x2000  }
0x31: {  	[sflag:s26] =	ssyncset.done $0x0  }
0x32: {  	[sflag:s26] =	ssyncadd.s32 $0xFFFFE000  }
0x33: {  	[spmem:s10] =	stream.linear.scatter [tilespmem:s25], [sflag:$0x2], $0x2000, $0x38;
	[tilespmem:$0x1F780] =	vst v63  }
0x34: {  	_ =	swait.ge [sflag:s26], $0x2000  }
0x35: {  	[sflag:s26] =	ssyncset.done $0x0  }
0x36: {  	[sflag:s26] =	ssyncadd.s32 $0xFFFFE000  }
0x37: {  	[spmem:s11] =	stream.linear.scatter [tilespmem:s25], [sflag:$0x2], $0x2000, $0x38;
	[tilespmem:$0x1F780] =	vst v63  }
0x38: {  	_ =	swait.ge [sflag:s26], $0x2000  }
0x39: {  	[sflag:s26] =	ssyncset.done $0x0  }
0x3a: {  	[sflag:s26] =	ssyncadd.s32 $0xFFFFE000  }
0x3b: {  	[spmem:s12] =	stream.linear.scatter [tilespmem:s25], [sflag:$0x2], $0x2000, $0x38;
	[tilespmem:$0x1F780] =	vst v63  }
0x3c: {  	_ =	swait.ge [sflag:s26], $0x2000  }
0x3d: {  	[sflag:s26] =	ssyncset.done $0x0  }
0x3e: {  	[sflag:s26] =	ssyncadd.s32 $0xFFFFE000  }
0x3f: {  	[spmem:s13] =	stream.linear.scatter [tilespmem:s25], [sflag:$0x2], $0x2000, $0x38;
	[tilespmem:$0x1F780] =	vst v63  }
0x40: {  	_ =	swait.ge [sflag:s26], $0x2000  }
0x41: {  	[sflag:s26] =	ssyncset.done $0x0  }
0x42: {  	[sflag:s26] =	ssyncadd.s32 $0xFFFFE000  }
0x43: {  	[spmem:s14] =	stream.linear.scatter [tilespmem:s25], [sflag:$0x2], $0x2000, $0x38;
	[tilespmem:$0x1F780] =	vst v63  }
0x44: {  	_ =	swait.ge [sflag:s26], $0x2000  }
0x45: {  	[sflag:s26] =	ssyncset.done $0x0  }
0x46: {  	[sflag:s26] =	ssyncadd.s32 $0xFFFFE000  }
0x47: {  	[spmem:s15] =	stream.linear.scatter [tilespmem:s25], [sflag:$0x2], $0x2000, $0x38;
	[tilespmem:$0x1F780] =	vst v63  }
0x48: {  	_ =	swait.ge [sflag:s26], $0x2000  }
0x49: {  	[sflag:s26] =	ssyncset.done $0x0  }
0x4a: {  	[sflag:s26] =	ssyncadd.s32 $0xFFFFE000  }
0x4b: {  	[spmem:s16] =	stream.linear.scatter [tilespmem:s25], [sflag:$0x2], $0x2000, $0x38;
	[tilespmem:$0x1F780] =	vst v63  }
0x4c: {  	_ =	swait.ge [sflag:s26], $0x2000  }
0x4d: {  	[sflag:s26] =	ssyncset.done $0x0  }
0x4e: {  	[sflag:s26] =	ssyncadd.s32 $0xFFFFE000  }
0x4f: {  	[spmem:s17] =	stream.linear.scatter [tilespmem:s25], [sflag:$0x2], $0x2000, $0x38;
	[tilespmem:$0x1F780] =	vst v63  }
0x50: {  	_ =	swait.ge [sflag:s26], $0x2000  }
0x51: {  	[sflag:s26] =	ssyncset.done $0x0  }
0x52: {  	[sflag:s26] =	ssyncadd.s32 $0xFFFFE000  }
0x53: {  	[spmem:s18] =	stream.linear.scatter [tilespmem:s25], [sflag:$0x2], $0x2000, $0x38;
	[tilespmem:$0x1F780] =	vst v63  }
0x54: {  	_ =	swait.ge [sflag:s26], $0x2000  }
0x55: {  	[sflag:s26] =	ssyncset.done $0x0  }
0x56: {  	[sflag:s26] =	ssyncadd.s32 $0xFFFFE000  }
0x57: {  	[spmem:s19] =	stream.linear.scatter [tilespmem:s25], [sflag:$0x2], $0x1500, $0x38;
	[tilespmem:$0x1F780] =	vst v63  }
0x58: {  	_ =	swait.ge [sflag:s26], $0x1500  }
0x59: {  	[sflag:s26] =	ssyncset.done $0x0  }
0x5a: {  	[sflag:s26] =	ssyncadd.s32 $0xFFFFEB00  }
0x5b: {  	s8 =	sadd.s32 $0x0, s24;
	[bflag:$0x0] =	sbarrier.arrive $0xFFFF  }
0x5c: {  	[tilespmem:s4], [sflag:$0x2] =	stream.linear.gather [hbm4b:s8+s4], $0x80, $0x38;
	[tilespmem:$0x1F780] =	vst v63  }
0x5d: {  	_ =	swait.ge [sflag:s26], $0x80  }
0x5e: {  	[sflag:s26] =	ssyncset.done $0x0  }
0x5f: {  	s7 =	sadd.s32 $0x0, s23;
	[sflag:s26] =	ssyncadd.s32 $0xFFFFFF80  }
0x60: {  	[tilespmem:s28], [sflag:$0x2] =	stream.linear.gather [hbm4b:s7+s4], $0x80, $0x38;
	[tilespmem:$0x1F780] =	vst v63  }
0x61: {  	_ =	swait.ge [sflag:s26], $0x80  }
0x62: {  	[sflag:s26] =	ssyncset.done $0x0  }
0x63: {  	s6 =	simm.s32 $0x10;
	s8 =	sadd.s32 $0x0, s22;
	[sflag:s26] =	ssyncadd.s32 $0xFFFFFF80  }
0x64: {  	[tilespmem:s29], [sflag:$0x2] =	stream.linear.gather [hbm4b:s8+s4], $0x80, $0x38;
	[tilespmem:$0x1F780] =	vst v63  }
.LBB2_4:
0x65: {  	p0 =	sne.s32 s6, $0x9F0  }
0x66: {  	_ =	swait.ge [sflag:s26], $0x80;
	s7 =	smov.u32 s6;
	s6 =	sadd.s32 $0x10, s6  }
0x67: {  	[sflag:s26] =	ssyncset.done $0x0  }
0x68: {  	[sflag:s26] =	ssyncadd.s32 $0xFFFFFF80  }
0x69: {  	v2 =	vld [tilespmem:$0x30]  }
0x6a: {  	v3 =	vld [tilespmem:$0x0]  }
0x6b: {  	v4 =	vld [tilespmem:$0x20]  }
0x6c: {  	v5 =	vld [tilespmem:$0xF0]  }
0x6d: {  	v6 =	vld [tilespmem:$0xA0]  }
0x6e: {  	v7 =	vld [tilespmem:$0xB0]  }
0x6f: {  	v8 =	vld [tilespmem:$0x130]  }
0x70: {  	v9 =	vld [tilespmem:$0x80]  }
0x71: {  	v10 =	vld [tilespmem:$0x70]  }
0x72: {  	v11 =	vld [tilespmem:$0x60]  }
0x73: {  	v12 =	vld [tilespmem:$0x120]  }
0x74: {  	v8 =	vmul.u32 $0x2710, v8;
	v13 =	vld [tilespmem:$0x40]  }
0x75: {  	v14 =	vld [tilespmem:$0x90]  }
0x76: {  	v7 =	vadd.s32 v7, v8;
	v8 =	vld [tilespmem:$0x50];
	v10 =	vshll.u32 v10, $0x1  }
0x77: {  	v15 =	vld [tilespmem:$0x10];
	v11 =	vshll.u32 v11, $0x1;
	v10 =	vor.u32 v0, v10  }
0x78: {  	v12 =	vmul.u32 $0x2710, v12;
	[tilespmem:$0x230] =	vst v7;
	v7 =	vld [tilespmem:$0xD0];
	v11 =	vor.u32 v0, v11  }
0x79: {  	v13 =	vshll.u32 v13, $0x1;
	v16 =	vld [tilespmem:$0x150];
	[tilespmem:$0x1E0] =	vst v11  }
0x7a: {  	v11 =	vld [tilespmem:$0x110];
	v6 =	vadd.s32 v6, v12;
	v12 =	vor.u32 v0, v13;
	[tilespmem:$0x1F0] =	vst v10  }
0x7b: {  	v10 =	vld [tilespmem:$0x100];
	[tilespmem:$0x220] =	vst v6;
	v6 =	vshll.u32 v8, $0x1  }
0x7c: {  	v3 =	vshll.u32 v3, $0x1;
	v8 =	vshll.u32 v15, $0x1;
	[tilespmem:$0x1C0] =	vst v12;
	v6 =	vor.u32 v0, v6;
	v12 =	vld [tilespmem:$0x170]  }
0x7d: {  	v3 =	vor.u32 v0, v3;
	v4 =	vshll.u32 v4, $0x1;
	v8 =	vor.u32 v0, v8;
	[tilespmem:$0x1D0] =	vst v6;
	v6 =	vld [tilespmem:$0x160]  }
0x7e: {  	v4 =	vor.u32 v0, v4;
	[tilespmem:$0x190] =	vst v8;
	v8 =	vld [tilespmem:$0x140];
	v13 =	vmul.u32 $0x2710, v16  }
0x7f: {  	[tilespmem:$0x180] =	vst v3;
	v3 =	vmul.u32 $0x2710, v11;
	v11 =	vld [tilespmem:$0xE0]  }
0x80: {  	v10 =	vmul.u32 $0x2710, v10;
	[tilespmem:$0x1A0] =	vst v4;
	v4 =	vld [tilespmem:$0xC0];
	v7 =	vadd.s32 v7, v13  }
0x81: {  	v3 =	vadd.s32 v14, v3;
	[tilespmem:$0x250] =	vst v7;
	v7 =	vmul.u32 $0x2710, v12  }
0x82: {  	v9 =	vadd.s32 v9, v10;
	[tilespmem:$0x210] =	vst v3;
	v3 =	vmul.u32 $0x2710, v6  }
0x83: {  	v2 =	vshll.u32 v2, $0x1;
	[tilespmem:$0x200] =	vst v9;
	v6 =	vmul.u32 $0x2710, v8;
	v5 =	vadd.s32 v5, v7  }
0x84: {  	v2 =	vor.u32 v0, v2;
	v3 =	vadd.s32 v11, v3;
	[tilespmem:$0x270] =	vst v5  }
0x85: {  	v4 =	vadd.s32 v4, v6;
	[tilespmem:$0x260] =	vst v3  }
0x86: {  	[tilespmem:$0x240] =	vst v4  }
0x87: {  	[tilespmem:$0x1B0] =	vst v2  }
0x88: {  	[tilespmem:s25], [sflag:$0x1] =	stream.indirect.gather [hbm4b:s2+s28], $0x40, s30, s28, $0xb8;
	[tilespmem:$0x1F780] =	vst v63  }
0x89: {  	_ =	swait.ge [sflag:s31], $0x2000  }
0x8a: {  	[sflag:s31] =	ssyncset.done $0x0  }
0x8b: {  	[sflag:s31] =	ssyncadd.s32 $0xFFFFE000  }
0x8c: {  	[spmem:s3] =	stream.indirect.scatter.add.f32 [tilespmem:s25], [sflag:$0x2], $0x40, s0, s28, $0xb8;
	[tilespmem:$0x1F780] =	vst v63  }
0x8d: {  	_ =	swait.ge [sflag:s26], $0x2000  }
0x8e: {  	[sflag:s26] =	ssyncset.done $0x0  }
0x8f: {  	s8 =	sadd.s32 s7, s24;
	[sflag:s26] =	ssyncadd.s32 $0xFFFFE000  }
0x90: {  	[tilespmem:s4], [sflag:$0x2] =	stream.linear.gather [hbm4b:s8+s4], $0x80, $0x38;
	[tilespmem:$0x1F780] =	vst v63  }
0x91: {  	_ =	swait.ge [sflag:s26], $0x80  }
0x92: {  	[sflag:s26] =	ssyncset.done $0x0  }
0x93: {  	s8 =	sadd.s32 s7, s23;
	[sflag:s26] =	ssyncadd.s32 $0xFFFFFF80  }
0x94: {  	[tilespmem:s28], [sflag:$0x2] =	stream.linear.gather [hbm4b:s8+s4], $0x80, $0x38;
	[tilespmem:$0x1F780] =	vst v63  }
.Ltmp1:
0x95: {  	_ = 	snop;
	(pc) =	sbr.rel @p0 .LBB2_4-.Ltmp1, $4  }
0x96: {  	_ =	swait.ge [sflag:s26], $0x80  }
0x97: {  	[sflag:s26] =	ssyncset.done $0x0  }
0x98: {  	s7 =	sadd.s32 s7, s22;
	[sflag:s26] =	ssyncadd.s32 $0xFFFFFF80  }
0x99: {  	[tilespmem:s29], [sflag:$0x2] =	stream.linear.gather [hbm4b:s7+s4], $0x80, $0x38;
	[tilespmem:$0x1F780] =	vst v63  }
0x9a: {  	_ =	swait.ge [sflag:s26], $0x80  }
0x9b: {  	[sflag:s26] =	ssyncset.done $0x0  }
0x9c: {  	[sflag:s26] =	ssyncadd.s32 $0xFFFFFF80  }
0x9d: {  	v2 =	vld [tilespmem:$0x30]  }
0x9e: {  	v3 =	vld [tilespmem:$0x0]  }
0x9f: {  	v4 =	vld [tilespmem:$0x20]  }
0xa0: {  	v5 =	vld [tilespmem:$0xF0]  }
0xa1: {  	v6 =	vld [tilespmem:$0xA0]  }
0xa2: {  	v7 =	vld [tilespmem:$0xB0]  }
0xa3: {  	v8 =	vld [tilespmem:$0x130]  }
0xa4: {  	v11 =	vld [tilespmem:$0x60]  }
0xa5: {  	v10 =	vld [tilespmem:$0x70]  }
0xa6: {  	v13 =	vld [tilespmem:$0x40]  }
0xa7: {  	v12 =	vld [tilespmem:$0x120]  }
0xa8: {  	v14 =	vld [tilespmem:$0x90]  }
0xa9: {  	v15 =	vld [tilespmem:$0x50];
	v11 =	vshll.u32 v11, $0x1  }
0xaa: {  	v49 =	vld [tilespmem:$0x10];
	v10 =	vshll.u32 v10, $0x1;
	v11 =	vor.u32 v0, v11  }
0xab: {  	v56 =	vld [tilespmem:$0x170];
	v51 =	vshll.u32 v13, $0x1;
	v10 =	vor.u32 v0, v10;
	[tilespmem:$0x1E0] =	vst v11  }
0xac: {  	v58 =	vld [tilespmem:$0x140];
	v3 =	vshll.u32 v3, $0x1;
	v53 =	vor.u32 v0, v51;
	[tilespmem:$0x1F0] =	vst v10  }
0xad: {  	v50 =	vld [tilespmem:$0xD0];
	v4 =	vshll.u32 v4, $0x1;
	v3 =	vor.u32 v0, v3;
	[tilespmem:$0x1C0] =	vst v53  }
0xae: {  	v61 =	vld [tilespmem:$0xC0];
	v8 =	vmul.u32 $0x2710, v8;
	v2 =	vshll.u32 v2, $0x1;
	v4 =	vor.u32 v0, v4;
	[tilespmem:$0x180] =	vst v3  }
0xaf: {  	v52 =	vld [tilespmem:$0x110];
	v12 =	vmul.u32 $0x2710, v12;
	v2 =	vor.u32 v0, v2;
	[tilespmem:$0x1A0] =	vst v4  }
0xb0: {  	v16 =	vld [tilespmem:$0x150];
	v62 =	vmul.u32 $0x2710, v56;
	v7 =	vadd.s32 v7, v8;
	[tilespmem:$0x1B0] =	vst v2  }
0xb1: {  	v54 =	vld [tilespmem:$0x100];
	v63 =	vmul.u32 $0x2710, v58;
	v6 =	vadd.s32 v6, v12;
	[tilespmem:$0x230] =	vst v7  }
0xb2: {  	v57 =	vld [tilespmem:$0x160];
	v5 =	vadd.s32 v5, v62;
	[tilespmem:$0x220] =	vst v6  }
0xb3: {  	v9 =	vld [tilespmem:$0x80];
	v55 =	vshll.u32 v15, $0x1;
	v4 =	vadd.s32 v61, v63;
	[tilespmem:$0x270] =	vst v5  }
0xb4: {  	v60 =	vld [tilespmem:$0xE0];
	v8 =	vshll.u32 v49, $0x1;
	v3 =	vmul.u32 $0x2710, v52;
	v6 =	vor.u32 v0, v55;
	[tilespmem:$0x240] =	vst v4  }
0xb5: {  	v59 =	vmul.u32 $0x2710, v16;
	v8 =	vor.u32 v0, v8;
	[tilespmem:$0x1D0] =	vst v6  }
0xb6: {  	v11 =	vmul.u32 $0x2710, v54;
	[tilespmem:$0x190] =	vst v8;
	v3 =	vadd.s32 v14, v3  }
0xb7: {  	v7 =	vadd.s32 v50, v59;
	[tilespmem:$0x210] =	vst v3;
	v3 =	vmul.u32 $0x2710, v57  }
0xb8: {  	[tilespmem:$0x250] =	vst v7;
	v9 =	vadd.s32 v9, v11  }
0xb9: {  	[tilespmem:$0x200] =	vst v9;
	v3 =	vadd.s32 v60, v3  }
0xba: {  	[tilespmem:$0x260] =	vst v3  }
0xbb: {  	[tilespmem:s25], [sflag:$0x1] =	stream.indirect.gather [hbm4b:s2+s28], $0x40, s30, s28, $0xb8;
	[tilespmem:$0x1F780] =	vst v63  }
0xbc: {  	_ =	swait.ge [sflag:s31], $0x2000  }
0xbd: {  	[sflag:s31] =	ssyncset.done $0x0  }
0xbe: {  	[sflag:s31] =	ssyncadd.s32 $0xFFFFE000  }
0xbf: {  	[spmem:s3] =	stream.indirect.scatter.add.f32 [tilespmem:s25], [sflag:$0x2], $0x40, s0, s28, $0xb8;
	[tilespmem:$0x1F780] =	vst v63  }
0xc0: {  	s6 =	stileid.u32;
	s7 =	sshrl.u32 s5, $0x3;
	_ =	swait.ge [sflag:s26], $0x2000  }
0xc1: {  	s8 =	simm.s32 $0x10;
	s1 =	sadd.s32 $0x1, s1;
	[sflag:s26] =	ssyncset.done $0x0  }
0xc2: {  	s6 =	sshll.u32 s6, $0x6;
	p0 =	sne.s32 s1, s21;
	[sflag:s26] =	ssyncadd.s32 $0xFFFFE000  }
.Ltmp2:
0xc3: {  	s6 =	sor.u32 $0x1C02, s6;
	[bflag:$0x0] =	sbarrier.arrive $0xFFFF;
	(pc) =	sbr.rel @p0 .LBB2_1-.Ltmp2, $4  }
0xc4: {  	[hbm:s20@s8], [sflag:s6] =	dma.strided [spmem:s7@s9], $0x3AA0, s31, $0x8   }
0xc5: {  	_ =	swait.ge [sflag:s26], $0x3AA0  }
0xc6: {  	[sflag:s26] =	ssyncset.done $0x0  }
0xc7: {  	[sflag:s26] =	ssyncadd.s32 $0xFFFFC560  }
0xc8: {  	_ =	sfence.sel $0x180000  }
0xc9: {  	[bflag:$0x0] =	sbarrier.arrive $0xFFFF  }
0xca: {  	_ =	strace $0x9000004A  }
0xcb: {  	s0 =	stileid.u32;
	[bflag:$0x2] =	sbarrier.arrive $0xFFFF  }
0xcc: {  	p0 =	sne.s32 s0, $0x0;
	s0 =	rddreg [dreg:$0x3]  }
0xcd: {  	s0 =	sadd.s32 @!p0 $0x100000, s0  }
0xce: {  	[sflag:s0] =	ssyncadd.tile.s32 @!p0 $0x1;
	_ =	shalt  }
.Lfunc_end2:
_tile_overlayer_lowered:
.L_overlay_start_2:
0xcf: {  	(tag) =	ssettag $0x2  }
0xd0: {  	s0 =	rddreg [dreg:$0x0];
	s2 =	stileid.u32  }
0xd1: {  	s1 =	rddreg [dreg:$0x1];
	p0 =	sne.s32 s2, $0x0  }
0xd2: {  	s3 =	rddreg [dreg:$0x2];
	[bflag:$0x3] =	sbarrier.arrive $0xFFFF;
	s2 =	simm.s32 @!p0 $0x1C02  }
0xd3: {  	[timem:s3], [sflag:s2] =	dma.local @!p0 [hbm:s0], s1  }
0xd4: {  	s0 =	simm.s32 @!p0 $0x2  }
0xd5: {  	_ =	swait.ge @!p0 [sflag:s0], s1  }
0xd6: {  	s1 =	ssub.s32 @!p0 $0x0, s1;
	[sflag:s0] =	ssyncset.done @!p0 $0x0  }
0xd7: {  	[sflag:s0] =	ssyncadd.s32 @!p0 s1  }
0xd8: {  	[bflag:$0x3] =	sbarrier.arrive $0xFFFF  }
0xd9: {  	_ =	shalt  }

// kernel: kernel.13.cloned.1.call-start
scs
__scs_entry_jumppad:
0x0: {  	(pc) =	sbr.rel $0x88, $3  }
0x1: {  	(tag) =	ssettag $0x0;
	lr =	simm.s32 $0x1  }
0x2: {  	[smem:$0x3F92] =	sst lr;
	_ =	strace $0xD0000000  }
0x3: {  	_ = 	snop  }
0x4: {  	_ = 	snop  }
0x5: {  	_ = 	snop  }
0x6: {  	_ = 	snop  }
0x7: {  	_ = 	snop  }
__scs_overlays_trampoline_lowered:
0x8: {  	[smem:$0x3FA1] =	sst s0  }
0x9: {  	[smem:$0x3FA2] =	sst s1  }
0xa: {  	[smem:$0x3FA3] =	sst s2  }
0xb: {  	[smem:$0x3FA4] =	sst s3  }
0xc: {  	[smem:$0x3FA5] =	sst s4  }
0xd: {  	[smem:$0x3FA6] =	sst s5  }
0xe: {  	[smem:$0x3FA7] =	sst s6  }
0xf: {  	[smem:$0x3FA8] =	sst s7  }
0x10: {  	[smem:$0x3FA9] =	sst s8  }
0x11: {  	[smem:$0x3FAA] =	sst s9;
	s0 =	simm.s32 @!p0 $0x0  }
0x12: {  	s1 =	sld [smem:$0x3F90];
	s0 =	simm.s32 @p0 $0x1  }
0x13: {  	[smem:$0x3FAB] =	sst s0;
	s0 =	simm.s32 @!p1 $0x0  }
0x14: {  	s2 =	sld [smem:$0x3F8F];
	s0 =	simm.s32 @p1 $0x1  }
0x15: {  	[smem:$0x3FAC] =	sst s0;
	s0 =	simm.s32 @!p2 $0x0  }
0x16: {  	s3 =	sld [smem:$0x3FDB];
	s0 =	simm.s32 @p2 $0x1  }
0x17: {  	s4 =	simm.s32 $0x1BF5;
	[smem:$0x3FAE] =	sst s0  }
0x18: {  	s0 =	sld [smem:$0x3F91];
	_ =	swait.ge [sflag:s4], $0x0  }
0x19: {  	s7 =	sld [smem:$0x3F92]  }
0x1a: {  	s8 =	sadd.s32 $0xFFFFE003, lr  }
0x1b: {  	s9 =	sadd.s32 $0xFFFFFEF7, lr;
	s5 =	simm.s32 $0xFFFFFFFF;
	p2 =	slt.u32 s8, $0xFFFFF086  }
0x1c: {  	p1 =	slt.u32 s9, $0xF7A;
	s5 =	simm.s32 @!p2 $0x0  }
0x1d: {  	s5 =	simm.s32 @p1 $0x1;
	p0 =	seq.s32 s7, s2  }
0x1e: {  	s7 =	smul.u32 @!p0 $0xF7A, s2;
	p2 =	seq.s32 @!p0 s5, $0x0  }
0x1f: {  	s9 =	smul.u32 $0xF7A, s1;
	s8 =	simm.s32 @!p0 $0x1BF5;
	p2 =	por !p2, p0  }
0x20: {  	[sflag:s8] =	ssyncset.s32 @!p0 $0xFFFFF086;
	s6 =	sadd.s32 @!p0 s3, s7;
	s7 =	simm.s32 @!p0 $0x108  }
0x21: {  	s3 =	sadd.s32 s3, s9;
	s6 =	sadd.s32 @!p0 $0x88, s6;
	s7 =	simm.s32 @p2 $0x1082  }
0x22: {  	[simem:s7], [sflag:s8] =	dma.local @!p0 [hbm:s6], $0xF7A  }
0x23: {  	s9 =	sor.u32 $0xD0000000, s2;
	s6 =	simm.s32 $0x108;
	_ =	swait.ge @!p0 [sflag:s8], $0x0  }
0x24: {  	s3 =	sadd.s32 $0x88, s3;
	s6 =	simm.s32 @!p1 $0x1082;
	[sflag:s4] =	ssyncset.s32 $0xFFFFF086  }
0x25: {  	[simem:s6], [sflag:s4] =	dma.local [hbm:s3], $0xF7A  }
0x26: {  	[smem:$0x3F92] =	sst s1;
	(tag) =	ssettag s2;
	_ =	strace s9  }
0x27: {  	s1 =	sld [smem:$0x3FA2]  }
0x28: {  	s2 =	sld [smem:$0x3FA3]  }
0x29: {  	s4 =	sld [smem:$0x3FA5]  }
0x2a: {  	p0 =	seq.s32 s5, $0x0;
	s5 =	sld [smem:$0x3FA6]  }
0x2b: {  	s6 =	sld [smem:$0x3FA7]  }
0x2c: {  	s7 =	sld [smem:$0x3FA8]  }
0x2d: {  	s3 =	simm.s32 $0x108;
	s8 =	sld [smem:$0x3FA9]  }
0x2e: {  	s3 =	simm.s32 @!p0 $0x1082;
	s9 =	sld [smem:$0x3FAA]  }
0x2f: {  	lr =	sadd.s32 s0, s3;
	s0 =	sld [smem:$0x3FA1]  }
0x30: {  	s3 =	sld [smem:$0x3FA4]  }
0x31: {  	[smem:$0x3FAD] =	sst s10  }
0x32: {  	s10 =	sld [smem:$0x3FAB];
	_ =	sdelay $0x3  }
0x33: {  	p0 =	seq.s32 s10, $0x1;
	s10 =	sld [smem:$0x3FAD];
	_ =	sdelay $0x3  }
0x34: {  	[smem:$0x3FAD] =	sst s10  }
0x35: {  	s10 =	sld [smem:$0x3FAC];
	_ =	sdelay $0x3  }
0x36: {  	p1 =	seq.s32 s10, $0x1;
	s10 =	sld [smem:$0x3FAD];
	_ =	sdelay $0x3  }
0x37: {  	[smem:$0x3FAD] =	sst s10  }
0x38: {  	s10 =	sld [smem:$0x3FAE]  }
0x39: {  	_ = 	snop;
	(pc) =	sbr.ind lr, $3  }
0x3a: {  	_ = 	snop  }
0x3b: {  	_ = 	snop  }
0x3c: {  	p2 =	seq.s32 s10, $0x1;
	s10 =	sld [smem:$0x3FAD]  }
0x3d: {  	_ =	shalt  }
0x3e: {  	_ =	shalt  }
0x3f: {  	_ =	shalt  }
0x40: {  	_ =	shalt  }
0x41: {  	_ =	shalt  }
0x42: {  	_ =	shalt  }
0x43: {  	_ =	shalt  }
0x44: {  	_ =	shalt  }
0x45: {  	_ =	shalt  }
0x46: {  	_ =	shalt  }
0x47: {  	_ =	shalt  }
0x48: {  	_ =	shalt  }
0x49: {  	_ =	shalt  }
0x4a: {  	_ =	shalt  }
0x4b: {  	_ =	shalt  }
0x4c: {  	_ =	shalt  }
0x4d: {  	_ =	shalt  }
0x4e: {  	_ =	shalt  }
0x4f: {  	_ =	shalt  }
0x50: {  	_ =	shalt  }
0x51: {  	_ =	shalt  }
0x52: {  	_ =	shalt  }
0x53: {  	_ =	shalt  }
0x54: {  	_ =	shalt  }
0x55: {  	_ =	shalt  }
0x56: {  	_ =	shalt  }
0x57: {  	_ =	shalt  }
0x58: {  	_ =	shalt  }
0x59: {  	_ =	shalt  }
0x5a: {  	_ =	shalt  }
0x5b: {  	_ =	shalt  }
0x5c: {  	_ =	shalt  }
0x5d: {  	_ =	shalt  }
0x5e: {  	_ =	shalt  }
0x5f: {  	_ =	shalt  }
0x60: {  	_ =	shalt  }
0x61: {  	_ =	shalt  }
0x62: {  	_ =	shalt  }
0x63: {  	_ =	shalt  }
0x64: {  	_ =	shalt  }
0x65: {  	_ =	shalt  }
0x66: {  	_ =	shalt  }
0x67: {  	_ =	shalt  }
0x68: {  	_ =	shalt  }
0x69: {  	_ =	shalt  }
0x6a: {  	_ =	shalt  }
0x6b: {  	_ =	shalt  }
0x6c: {  	_ =	shalt  }
0x6d: {  	_ =	shalt  }
0x6e: {  	_ =	shalt  }
0x6f: {  	_ =	shalt  }
0x70: {  	_ =	shalt  }
0x71: {  	_ =	shalt  }
0x72: {  	_ =	shalt  }
0x73: {  	_ =	shalt  }
0x74: {  	_ =	shalt  }
0x75: {  	_ =	shalt  }
0x76: {  	_ =	shalt  }
0x77: {  	_ =	shalt  }
0x78: {  	_ =	shalt  }
0x79: {  	_ =	shalt  }
0x7a: {  	_ =	shalt  }
0x7b: {  	_ =	shalt  }
0x7c: {  	_ =	shalt  }
0x7d: {  	_ =	shalt  }
0x7e: {  	_ =	shalt  }
0x7f: {  	_ =	shalt  }
0x80: {  	_ =	shalt  }
0x81: {  	_ =	shalt  }
0x82: {  	_ =	shalt  }
0x83: {  	_ =	shalt  }
0x84: {  	_ =	shalt  }
0x85: {  	_ =	shalt  }
0x86: {  	_ =	shalt  }
0x87: {  	_ =	shalt  }
.Lfunc_end0:
.L_simem_size_0:
called_computation.2_lowered:
.L_overlay_start_0:
0x88: {  	s2 =	sld [smem:$0x3FD9]  }
0x89: {  	s3 =	sld [smem:$0x3FFE];
	_ =	sdelay $0x1  }
0x8a: {  	s1 =	srdreg.scid  }
0x8b: {  	s0 =	sand.u32 $0x1, s1  }
0x8c: {  	s17 =	sshll.u32 s0, $0xA;
	s2 =	sadd.s32 s3, s2  }
0x8d: {  	s2 =	sadd.s32 s2, s17  }
0x8e: {  	[smem:$0x3FB9] =	sst s2  }
0x8f: {  	_ = 	snop  }
0x90: {  	s2 =	sld [smem:$0x3FD0];
	(tm) =	ssettm $0x1  }
0x91: {  	s18 =	sld [smem:$0x3FFB];
	_ =	sdelay $0x3  }
0x92: {  	_ =	strace s18  }
0x93: {  	s3 =	sld [smem:$0x3FFC];
	_ =	sdelay $0x3  }
0x94: {  	_ =	strace s3  }
0x95: {  	s3 =	sld [smem:$0x3FFD];
	_ =	sdelay $0x3  }
0x96: {  	_ =	strace s3  }
0x97: {  	_ =	strace $0x8FFFFFFF  }
0x98: {  	s19 =	sld [smem:$0x3FDB];
	_ =	sdelay $0x1  }
0x99: {  	s4 =	simm.s32 $_scs_section_size  }
0x9a: {  	s5 =	simm.s32 $_size__tile_overlayer_lowered;
	s6 =	simm.s32 $_tile_overlayer_lowered  }
0x9b: {  	s22 =	simm.s32 $0x1BFF;
	s21 =	sshll.u32 s6, $0x1;
	s3 =	sadd.s32 s4, s19  }
0x9c: {  	s7 =	simm.s32 $0x0;
	s20 =	sshll.u32 s5, $0x1;
	s5 =	sadd.s32 s21, s3  }
0x9d: {  	[timem:s7], [sflag:s22] =	dma.local [hbm:s5], s20  }
0x9e: {  	_ =	swait.ge [sflag:s22], s20  }
0x9f: {  	s4 =	ssub.s32 $0x0, s20;
	[sflag:s22] =	ssyncset.done $0x0  }
0xa0: {  	[sflag:s22] =	ssyncadd.s32 s4;
	_ =	sdelay $0x1  }
0xa1: {  	s23 =	simm.s32 $0x1B8B  }
0xa2: {  	_ =	swait.ge [sflag:s23], $0x1  }
0xa3: {  	[sflag:s23] =	ssyncset.done $0x0  }
0xa4: {  	s25 =	simm.s32 $0x1B8E;
	s24 =	sld [smem:$0x3FFE];
	[sflag:s23] =	ssyncadd.s32 $0xFFFFFFFF  }
0xa5: {  	s26 =	simm.s32 $execute0_lowered;
	[smem:$0x3FD2] =	sst s25  }
0xa6: {  	s5 =	sshll.u32 s26, $0x1;
	_ =	strace $0x8000004C;
	[dreg:$0x1] =	wrdreg $0xFFFFFFFF  }
0xa7: {  	s28 =	simm.s32 $_size_execute0_lowered;
	s3 =	sadd.s32 s3, s5;
	[dreg:$0x0] =	wrdreg $0x0  }
0xa8: {  	s5 =	sshll.u32 s28, $0x1;
	[dreg:$0x2] =	wrdreg s3  }
0xa9: {  	[dreg:$0x3] =	wrdreg s5  }
0xaa: {  	[dreg:$0x4] =	wrdreg $0xC0  }
0xab: {  	_ =	task [dreg:s7], $0x5FFFF  }
0xac: {  	[dreg:$0x1] =	wrdreg $0xFFFFFFFF  }
0xad: {  	[dreg:$0x0] =	wrdreg $0x60  }
0xae: {  	[dreg:$0x2] =	wrdreg s2  }
0xaf: {  	[dreg:$0x3] =	wrdreg s24  }
0xb0: {  	[dreg:$0x4] =	wrdreg $0x22800  }
0xb1: {  	[dreg:$0x5] =	wrdreg $0x9  }
0xb2: {  	_ =	task.clear_ibuf [dreg:s7], $0x6FFFF;
	_ =	strace $0x9000004C  }
0xb3: {  	s29 =	simm.s32 $0x9;
	_ =	strace $0x8000004E  }
0xb4: {  	_ =	swait.ge [sflag:s29], $0x1  }
0xb5: {  	[sflag:s29] =	ssyncadd.s32 $0xFFFFFFFF  }
0xb6: {  	_ =	strace $0x9000004E  }
0xb7: {  	_ =	sfence  }
0xb8: {  	s30 =	sld [smem:$0x0];
	_ =	sdelay $0x2  }
0xb9: {  	s31 =	sshll.u32 s1, $0xD;
	s1 =	sshrl.u32 s1, $0x2  }
0xba: {  	s3 =	sand.u32 $0x4000, s31;
	s1 =	sadd.s32 s1, s30  }
0xbb: {  	s0 =	sor.u32 s3, s0;
	s1 =	sshll.u32 s1, $0x11  }
0xbc: {  	s0 =	sor.u32 s1, s0  }
0xbd: {  	s0 =	sadd.s32 $0x8F2B, s0  }
0xbe: {  	[sflag:s0] =	ssyncadd.remote.s32 $0x1  }
0xbf: {  	_ =	sfence.sel $0xFFFF  }
0xc0: {  	[dreg:$0x0] =	wrdreg $0xFFFFFFFF;
	(pc) =	sbr.abs _section_cstart, $3  }
0xc1: {  	[dreg:$0x1] =	wrdreg $0xFFFFFFFF  }
0xc2: {  	_ =	task.clear_ibuf [dreg:s7], $0x2FFFF;
	_ =	strace $0x9FFFFFFF  }
0xc3: {  	(tm) =	ssettm $0x7FFFFFFF  }
tec
execute0_lowered:
.L_overlay_start_1:
0x0: {  	(tag) =	ssettag $0x1  }
0x1: {  	s2 =	rddreg [dreg:$0x0]  }
0x2: {  	s0 =	rddreg [dreg:$0x1]  }
0x3: {  	s3 =	rddreg [dreg:$0x2]  }
0x4: {  	s8 =	stileid.u32;
	s5 =	srdreg.scid;
	s4 =	simm.s32 $0x0  }
0x5: {  	s28 =	simm.s32 $0x80;
	s29 =	simm.s32 $0x100;
	s1 =	smul.u32 $0xA00, s8  }
0x6: {  	s30 =	simm.s32 $0x180;
	s31 =	simm.s32 $0x1;
	s22 =	smul.u32 $0x3AA00, s8  }
0x7: {  	s6 =	sand.u32 $0x1, s5;
	[smem:$0x7FF] =	sst s4;
	s8 =	smul.u32 $0x75400, s8  }
0x8: {  	s7 =	sshll.u32 s6, $0x6;
	_ =	strace $0x8000004D;
	s23 =	ssub.s32 $0x2, s6  }
0x9: {  	s1 =	sadd.s32 s1, s0;
	s5 =	sor.u32 s7, s22;
	s9 =	sshrl.u32 s23, $0x1  }
0xa: {  	s8 =	sshrl.u32 s8, $0x2;
	s5 =	sshrl.u32 s5, $0x3;
	s7 =	ssub.s32 s23, s9  }
0xb: {  	s22 =	sadd.s32 $0x3000, s1;
	s23 =	sadd.s32 $0xD000, s1;
	s9 =	simm.s32 $0x8  }
0xc: {  	s0 =	sadd.s32 s5, s0;
	s5 =	sadd.s32 s8, s3;
	s21 =	smax.u32 s7, $0x1  }
0xd: {  	s8 =	sadd.s32 $0x2000, s5;
	s24 =	sadd.s32 $0x4000, s5;
	s25 =	sadd.s32 $0x6000, s5  }
0xe: {  	s26 =	sadd.s32 $0x8000, s5;
	s10 =	sadd.s32 $0xA000, s5;
	s11 =	sadd.s32 $0xC000, s5  }
0xf: {  	s12 =	sadd.s32 $0xE000, s5;
	s13 =	sadd.s32 $0x10000, s5;
	s14 =	sadd.s32 $0x12000, s5  }
0x10: {  	s15 =	sadd.s32 $0x14000, s5;
	s16 =	sadd.s32 $0x16000, s5;
	[dreg:$0x4] =	wrdreg s8  }
0x11: {  	s17 =	sadd.s32 $0x18000, s5;
	s18 =	sadd.s32 $0x1A000, s5;
	[dreg:$0x5] =	wrdreg s24  }
0x12: {  	s19 =	sadd.s32 $0x1C000, s5;
	s20 =	sadd.s32 $0x21000, s0;
	[dreg:$0x6] =	wrdreg s25  }
0x13: {  	s0 =	simm.s32 $0x200;
	[dreg:$0x7] =	wrdreg s26;
	s24 =	sadd.s32 $0x17000, s1  }
0x14: {  	v1 =	vimm.f32 $0.0e+00;
	v0 =	vmov s6;
	s25 =	simm.s32 $0x280;
	s26 =	simm.s32 $0x2;
	s1 =	simm.s32 $0x0  }
.LBB2_1:
0x15: {  	s7 =	simm.s32 $0x100;
	s6 =	simm.s32 $0x0  }
.LBB2_2:
0x16: {  	p0 =	sne.s32 s7, $0x7F00;
	[tilespmem:s6+$0x2B0] =	vst v1;
	s8 =	smov.u32 s7;
	s7 =	sadd.s32 $0x100, s7  }
.Ltmp0:
0x17: {  	[tilespmem:s6+$0x2A0] =	vst v1;
	(pc) =	sbr.rel @p0 .LBB2_2-.Ltmp0, $3  }
0x18: {  	[tilespmem:s6+$0x280] =	vst v1  }
0x19: {  	[tilespmem:s6+$0x290] =	vst v1;
	_ =	sdelay $0x1  }
0x1a: {  	s6 =	sshra.s32 s8, $0x2  }
0x1b: {  	[tilespmem:s6+$0x2B0] =	vst v1  }
0x1c: {  	[tilespmem:s6+$0x2A0] =	vst v1  }
0x1d: {  	[tilespmem:s6+$0x280] =	vst v1  }
0x1e: {  	[tilespmem:s6+$0x290] =	vst v1  }
0x1f: {  	[spmem:s5] =	stream.linear.scatter [tilespmem:s25], [sflag:$0x2], $0x2000, $0x38;
	[tilespmem:$0x1F780] =	vst v63  }
0x20: {  	_ =	swait.ge [sflag:s26], $0x2000  }
0x21: {  	[sflag:s26] =	ssyncset.done $0x0  }
0x22: {  	s8 =	rddreg [dreg:$0x4];
	[sflag:s26] =	ssyncadd.s32 $0xFFFFE000  }
0x23: {  	[spmem:s8] =	stream.linear.scatter [tilespmem:s25], [sflag:$0x2], $0x2000, $0x38;
	[tilespmem:$0x1F780] =	vst v63  }
0x24: {  	_ =	swait.ge [sflag:s26], $0x2000  }
0x25: {  	[sflag:s26] =	ssyncset.done $0x0  }
0x26: {  	s7 =	rddreg [dreg:$0x5];
	[sflag:s26] =	ssyncadd.s32 $0xFFFFE000  }
0x27: {  	[spmem:s7] =	stream.linear.scatter [tilespmem:s25], [sflag:$0x2], $0x2000, $0x38;
	[tilespmem:$0x1F780] =	vst v63  }
0x28: {  	_ =	swait.ge [sflag:s26], $0x2000  }
0x29: {  	[sflag:s26] =	ssyncset.done $0x0  }
0x2a: {  	s8 =	rddreg [dreg:$0x6];
	[sflag:s26] =	ssyncadd.s32 $0xFFFFE000  }
0x2b: {  	[spmem:s8] =	stream.linear.scatter [tilespmem:s25], [sflag:$0x2], $0x2000, $0x38;
	[tilespmem:$0x1F780] =	vst v63  }
0x2c: {  	_ =	swait.ge [sflag:s26], $0x2000  }
0x2d: {  	[sflag:s26] =	ssyncset.done $0x0  }
0x2e: {  	s7 =	rddreg [dreg:$0x7];
	[sflag:s26] =	ssyncadd.s32 $0xFFFFE000  }
0x2f: {  	[spmem:s7] =	stream.linear.scatter [tilespmem:s25], [sflag:$0x2], $0x2000, $0x38;
	[tilespmem:$0x1F780] =	vst v63  }
0x30: {  	_ =	swait.ge [sflag:s26], $0x2000  }
0x31: {  	[sflag:s26] =	ssyncset.done $0x0  }
0x32: {  	[sflag:s26] =	ssyncadd.s32 $0xFFFFE000  }
0x33: {  	[spmem:s10] =	stream.linear.scatter [tilespmem:s25], [sflag:$0x2], $0x2000, $0x38;
	[tilespmem:$0x1F780] =	vst v63  }
0x34: {  	_ =	swait.ge [sflag:s26], $0x2000  }
0x35: {  	[sflag:s26] =	ssyncset.done $0x0  }
0x36: {  	[sflag:s26] =	ssyncadd.s32 $0xFFFFE000  }
0x37: {  	[spmem:s11] =	stream.linear.scatter [tilespmem:s25], [sflag:$0x2], $0x2000, $0x38;
	[tilespmem:$0x1F780] =	vst v63  }
0x38: {  	_ =	swait.ge [sflag:s26], $0x2000  }
0x39: {  	[sflag:s26] =	ssyncset.done $0x0  }
0x3a: {  	[sflag:s26] =	ssyncadd.s32 $0xFFFFE000  }
0x3b: {  	[spmem:s12] =	stream.linear.scatter [tilespmem:s25], [sflag:$0x2], $0x2000, $0x38;
	[tilespmem:$0x1F780] =	vst v63  }
0x3c: {  	_ =	swait.ge [sflag:s26], $0x2000  }
0x3d: {  	[sflag:s26] =	ssyncset.done $0x0  }
0x3e: {  	[sflag:s26] =	ssyncadd.s32 $0xFFFFE000  }
0x3f: {  	[spmem:s13] =	stream.linear.scatter [tilespmem:s25], [sflag:$0x2], $0x2000, $0x38;
	[tilespmem:$0x1F780] =	vst v63  }
0x40: {  	_ =	swait.ge [sflag:s26], $0x2000  }
0x41: {  	[sflag:s26] =	ssyncset.done $0x0  }
0x42: {  	[sflag:s26] =	ssyncadd.s32 $0xFFFFE000  }
0x43: {  	[spmem:s14] =	stream.linear.scatter [tilespmem:s25], [sflag:$0x2], $0x2000, $0x38;
	[tilespmem:$0x1F780] =	vst v63  }
0x44: {  	_ =	swait.ge [sflag:s26], $0x2000  }
0x45: {  	[sflag:s26] =	ssyncset.done $0x0  }
0x46: {  	[sflag:s26] =	ssyncadd.s32 $0xFFFFE000  }
0x47: {  	[spmem:s15] =	stream.linear.scatter [tilespmem:s25], [sflag:$0x2], $0x2000, $0x38;
	[tilespmem:$0x1F780] =	vst v63  }
0x48: {  	_ =	swait.ge [sflag:s26], $0x2000  }
0x49: {  	[sflag:s26] =	ssyncset.done $0x0  }
0x4a: {  	[sflag:s26] =	ssyncadd.s32 $0xFFFFE000  }
0x4b: {  	[spmem:s16] =	stream.linear.scatter [tilespmem:s25], [sflag:$0x2], $0x2000, $0x38;
	[tilespmem:$0x1F780] =	vst v63  }
0x4c: {  	_ =	swait.ge [sflag:s26], $0x2000  }
0x4d: {  	[sflag:s26] =	ssyncset.done $0x0  }
0x4e: {  	[sflag:s26] =	ssyncadd.s32 $0xFFFFE000  }
0x4f: {  	[spmem:s17] =	stream.linear.scatter [tilespmem:s25], [sflag:$0x2], $0x2000, $0x38;
	[tilespmem:$0x1F780] =	vst v63  }
0x50: {  	_ =	swait.ge [sflag:s26], $0x2000  }
0x51: {  	[sflag:s26] =	ssyncset.done $0x0  }
0x52: {  	[sflag:s26] =	ssyncadd.s32 $0xFFFFE000  }
0x53: {  	[spmem:s18] =	stream.linear.scatter [tilespmem:s25], [sflag:$0x2], $0x2000, $0x38;
	[tilespmem:$0x1F780] =	vst v63  }
0x54: {  	_ =	swait.ge [sflag:s26], $0x2000  }
0x55: {  	[sflag:s26] =	ssyncset.done $0x0  }
0x56: {  	[sflag:s26] =	ssyncadd.s32 $0xFFFFE000  }
0x57: {  	[spmem:s19] =	stream.linear.scatter [tilespmem:s25], [sflag:$0x2], $0x1500, $0x38;
	[tilespmem:$0x1F780] =	vst v63  }
0x58: {  	_ =	swait.ge [sflag:s26], $0x1500  }
0x59: {  	[sflag:s26] =	ssyncset.done $0x0  }
0x5a: {  	[sflag:s26] =	ssyncadd.s32 $0xFFFFEB00  }
0x5b: {  	s8 =	sadd.s32 $0x0, s24;
	[bflag:$0x0] =	sbarrier.arrive $0xFFFF  }
0x5c: {  	[tilespmem:s4], [sflag:$0x2] =	stream.linear.gather [hbm4b:s8+s4], $0x80, $0x38;
	[tilespmem:$0x1F780] =	vst v63  }
0x5d: {  	_ =	swait.ge [sflag:s26], $0x80  }
0x5e: {  	[sflag:s26] =	ssyncset.done $0x0  }
0x5f: {  	s7 =	sadd.s32 $0x0, s23;
	[sflag:s26] =	ssyncadd.s32 $0xFFFFFF80  }
0x60: {  	[tilespmem:s28], [sflag:$0x2] =	stream.linear.gather [hbm4b:s7+s4], $0x80, $0x38;
	[tilespmem:$0x1F780] =	vst v63  }
0x61: {  	_ =	swait.ge [sflag:s26], $0x80  }
0x62: {  	[sflag:s26] =	ssyncset.done $0x0  }
0x63: {  	s6 =	simm.s32 $0x10;
	s8 =	sadd.s32 $0x0, s22;
	[sflag:s26] =	ssyncadd.s32 $0xFFFFFF80  }
0x64: {  	[tilespmem:s29], [sflag:$0x2] =	stream.linear.gather [hbm4b:s8+s4], $0x80, $0x38;
	[tilespmem:$0x1F780] =	vst v63  }
.LBB2_4:
0x65: {  	p0 =	sne.s32 s6, $0x9F0  }
0x66: {  	_ =	swait.ge [sflag:s26], $0x80;
	s7 =	smov.u32 s6;
	s6 =	sadd.s32 $0x10, s6  }
0x67: {  	[sflag:s26] =	ssyncset.done $0x0  }
0x68: {  	[sflag:s26] =	ssyncadd.s32 $0xFFFFFF80  }
0x69: {  	v2 =	vld [tilespmem:$0x30]  }
0x6a: {  	v3 =	vld [tilespmem:$0x0]  }
0x6b: {  	v4 =	vld [tilespmem:$0x20]  }
0x6c: {  	v5 =	vld [tilespmem:$0xF0]  }
0x6d: {  	v6 =	vld [tilespmem:$0xA0]  }
0x6e: {  	v7 =	vld [tilespmem:$0xB0]  }
0x6f: {  	v8 =	vld [tilespmem:$0x130]  }
0x70: {  	v9 =	vld [tilespmem:$0x80]  }
0x71: {  	v10 =	vld [tilespmem:$0x70]  }
0x72: {  	v11 =	vld [tilespmem:$0x60]  }
0x73: {  	v12 =	vld [tilespmem:$0x120]  }
0x74: {  	v8 =	vmul.u32 $0x2710, v8;
	v13 =	vld [tilespmem:$0x40]  }
0x75: {  	v14 =	vld [tilespmem:$0x90]  }
0x76: {  	v7 =	vadd.s32 v7, v8;
	v8 =	vld [tilespmem:$0x50];
	v10 =	vshll.u32 v10, $0x1  }
0x77: {  	v15 =	vld [tilespmem:$0x10];
	v11 =	vshll.u32 v11, $0x1;
	v10 =	vor.u32 v0, v10  }
0x78: {  	v12 =	vmul.u32 $0x2710, v12;
	[tilespmem:$0x230] =	vst v7;
	v7 =	vld [tilespmem:$0xD0];
	v11 =	vor.u32 v0, v11  }
0x79: {  	v13 =	vshll.u32 v13, $0x1;
	v16 =	vld [tilespmem:$0x150];
	[tilespmem:$0x1E0] =	vst v11  }
0x7a: {  	v11 =	vld [tilespmem:$0x110];
	v6 =	vadd.s32 v6, v12;
	v12 =	vor.u32 v0, v13;
	[tilespmem:$0x1F0] =	vst v10  }
0x7b: {  	v10 =	vld [tilespmem:$0x100];
	[tilespmem:$0x220] =	vst v6;
	v6 =	vshll.u32 v8, $0x1  }
0x7c: {  	v3 =	vshll.u32 v3, $0x1;
	v8 =	vshll.u32 v15, $0x1;
	[tilespmem:$0x1C0] =	vst v12;
	v6 =	vor.u32 v0, v6;
	v12 =	vld [tilespmem:$0x170]  }
0x7d: {  	v3 =	vor.u32 v0, v3;
	v4 =	vshll.u32 v4, $0x1;
	v8 =	vor.u32 v0, v8;
	[tilespmem:$0x1D0] =	vst v6;
	v6 =	vld [tilespmem:$0x160]  }
0x7e: {  	v4 =	vor.u32 v0, v4;
	[tilespmem:$0x190] =	vst v8;
	v8 =	vld [tilespmem:$0x140];
	v13 =	vmul.u32 $0x2710, v16  }
0x7f: {  	[tilespmem:$0x180] =	vst v3;
	v3 =	vmul.u32 $0x2710, v11;
	v11 =	vld [tilespmem:$0xE0]  }
0x80: {  	v10 =	vmul.u32 $0x2710, v10;
	[tilespmem:$0x1A0] =	vst v4;
	v4 =	vld [tilespmem:$0xC0];
	v7 =	vadd.s32 v7, v13  }
0x81: {  	v3 =	vadd.s32 v14, v3;
	[tilespmem:$0x250] =	vst v7;
	v7 =	vmul.u32 $0x2710, v12  }
0x82: {  	v9 =	vadd.s32 v9, v10;
	[tilespmem:$0x210] =	vst v3;
	v3 =	vmul.u32 $0x2710, v6  }
0x83: {  	v2 =	vshll.u32 v2, $0x1;
	[tilespmem:$0x200] =	vst v9;
	v6 =	vmul.u32 $0x2710, v8;
	v5 =	vadd.s32 v5, v7  }
0x84: {  	v2 =	vor.u32 v0, v2;
	v3 =	vadd.s32 v11, v3;
	[tilespmem:$0x270] =	vst v5  }
0x85: {  	v4 =	vadd.s32 v4, v6;
	[tilespmem:$0x260] =	vst v3  }
0x86: {  	[tilespmem:$0x240] =	vst v4  }
0x87: {  	[tilespmem:$0x1B0] =	vst v2  }
0x88: {  	[tilespmem:s25], [sflag:$0x1] =	stream.indirect.gather [hbm4b:s2+s28], $0x40, s30, s28, $0xb8;
	[tilespmem:$0x1F780] =	vst v63  }
0x89: {  	_ =	swait.ge [sflag:s31], $0x2000  }
0x8a: {  	[sflag:s31] =	ssyncset.done $0x0  }
0x8b: {  	[sflag:s31] =	ssyncadd.s32 $0xFFFFE000  }
0x8c: {  	[spmem:s3] =	stream.indirect.scatter.add.f32 [tilespmem:s25], [sflag:$0x2], $0x40, s0, s28, $0xb8;
	[tilespmem:$0x1F780] =	vst v63  }
0x8d: {  	_ =	swait.ge [sflag:s26], $0x2000  }
0x8e: {  	[sflag:s26] =	ssyncset.done $0x0  }
0x8f: {  	s8 =	sadd.s32 s7, s24;
	[sflag:s26] =	ssyncadd.s32 $0xFFFFE000  }
0x90: {  	[tilespmem:s4], [sflag:$0x2] =	stream.linear.gather [hbm4b:s8+s4], $0x80, $0x38;
	[tilespmem:$0x1F780] =	vst v63  }
0x91: {  	_ =	swait.ge [sflag:s26], $0x80  }
0x92: {  	[sflag:s26] =	ssyncset.done $0x0  }
0x93: {  	s8 =	sadd.s32 s7, s23;
	[sflag:s26] =	ssyncadd.s32 $0xFFFFFF80  }
0x94: {  	[tilespmem:s28], [sflag:$0x2] =	stream.linear.gather [hbm4b:s8+s4], $0x80, $0x38;
	[tilespmem:$0x1F780] =	vst v63  }
.Ltmp1:
0x95: {  	_ = 	snop;
	(pc) =	sbr.rel @p0 .LBB2_4-.Ltmp1, $4  }
0x96: {  	_ =	swait.ge [sflag:s26], $0x80  }
0x97: {  	[sflag:s26] =	ssyncset.done $0x0  }
0x98: {  	s7 =	sadd.s32 s7, s22;
	[sflag:s26] =	ssyncadd.s32 $0xFFFFFF80  }
0x99: {  	[tilespmem:s29], [sflag:$0x2] =	stream.linear.gather [hbm4b:s7+s4], $0x80, $0x38;
	[tilespmem:$0x1F780] =	vst v63  }
0x9a: {  	_ =	swait.ge [sflag:s26], $0x80  }
0x9b: {  	[sflag:s26] =	ssyncset.done $0x0  }
0x9c: {  	[sflag:s26] =	ssyncadd.s32 $0xFFFFFF80  }
0x9d: {  	v2 =	vld [tilespmem:$0x30]  }
0x9e: {  	v3 =	vld [tilespmem:$0x0]  }
0x9f: {  	v4 =	vld [tilespmem:$0x20]  }
0xa0: {  	v5 =	vld [tilespmem:$0xF0]  }
0xa1: {  	v6 =	vld [tilespmem:$0xA0]  }
0xa2: {  	v7 =	vld [tilespmem:$0xB0]  }
0xa3: {  	v8 =	vld [tilespmem:$0x130]  }
0xa4: {  	v11 =	vld [tilespmem:$0x60]  }
0xa5: {  	v10 =	vld [tilespmem:$0x70]  }
0xa6: {  	v13 =	vld [tilespmem:$0x40]  }
0xa7: {  	v12 =	vld [tilespmem:$0x120]  }
0xa8: {  	v14 =	vld [tilespmem:$0x90]  }
0xa9: {  	v15 =	vld [tilespmem:$0x50];
	v11 =	vshll.u32 v11, $0x1  }
0xaa: {  	v49 =	vld [tilespmem:$0x10];
	v10 =	vshll.u32 v10, $0x1;
	v11 =	vor.u32 v0, v11  }
0xab: {  	v56 =	vld [tilespmem:$0x170];
	v51 =	vshll.u32 v13, $0x1;
	v10 =	vor.u32 v0, v10;
	[tilespmem:$0x1E0] =	vst v11  }
0xac: {  	v58 =	vld [tilespmem:$0x140];
	v3 =	vshll.u32 v3, $0x1;
	v53 =	vor.u32 v0, v51;
	[tilespmem:$0x1F0] =	vst v10  }
0xad: {  	v50 =	vld [tilespmem:$0xD0];
	v4 =	vshll.u32 v4, $0x1;
	v3 =	vor.u32 v0, v3;
	[tilespmem:$0x1C0] =	vst v53  }
0xae: {  	v61 =	vld [tilespmem:$0xC0];
	v8 =	vmul.u32 $0x2710, v8;
	v2 =	vshll.u32 v2, $0x1;
	v4 =	vor.u32 v0, v4;
	[tilespmem:$0x180] =	vst v3  }
0xaf: {  	v52 =	vld [tilespmem:$0x110];
	v12 =	vmul.u32 $0x2710, v12;
	v2 =	vor.u32 v0, v2;
	[tilespmem:$0x1A0] =	vst v4  }
0xb0: {  	v16 =	vld [tilespmem:$0x150];
	v62 =	vmul.u32 $0x2710, v56;
	v7 =	vadd.s32 v7, v8;
	[tilespmem:$0x1B0] =	vst v2  }
0xb1: {  	v54 =	vld [tilespmem:$0x100];
	v63 =	vmul.u32 $0x2710, v58;
	v6 =	vadd.s32 v6, v12;
	[tilespmem:$0x230] =	vst v7  }
0xb2: {  	v57 =	vld [tilespmem:$0x160];
	v5 =	vadd.s32 v5, v62;
	[tilespmem:$0x220] =	vst v6  }
0xb3: {  	v9 =	vld [tilespmem:$0x80];
	v55 =	vshll.u32 v15, $0x1;
	v4 =	vadd.s32 v61, v63;
	[tilespmem:$0x270] =	vst v5  }
0xb4: {  	v60 =	vld [tilespmem:$0xE0];
	v8 =	vshll.u32 v49, $0x1;
	v3 =	vmul.u32 $0x2710, v52;
	v6 =	vor.u32 v0, v55;
	[tilespmem:$0x240] =	vst v4  }
0xb5: {  	v59 =	vmul.u32 $0x2710, v16;
	v8 =	vor.u32 v0, v8;
	[tilespmem:$0x1D0] =	vst v6  }
0xb6: {  	v11 =	vmul.u32 $0x2710, v54;
	[tilespmem:$0x190] =	vst v8;
	v3 =	vadd.s32 v14, v3  }
0xb7: {  	v7 =	vadd.s32 v50, v59;
	[tilespmem:$0x210] =	vst v3;
	v3 =	vmul.u32 $0x2710, v57  }
0xb8: {  	[tilespmem:$0x250] =	vst v7;
	v9 =	vadd.s32 v9, v11  }
0xb9: {  	[tilespmem:$0x200] =	vst v9;
	v3 =	vadd.s32 v60, v3  }
0xba: {  	[tilespmem:$0x260] =	vst v3  }
0xbb: {  	[tilespmem:s25], [sflag:$0x1] =	stream.indirect.gather [hbm4b:s2+s28], $0x40, s30, s28, $0xb8;
	[tilespmem:$0x1F780] =	vst v63  }
0xbc: {  	_ =	swait.ge [sflag:s31], $0x2000  }
0xbd: {  	[sflag:s31] =	ssyncset.done $0x0  }
0xbe: {  	[sflag:s31] =	ssyncadd.s32 $0xFFFFE000  }
0xbf: {  	[spmem:s3] =	stream.indirect.scatter.add.f32 [tilespmem:s25], [sflag:$0x2], $0x40, s0, s28, $0xb8;
	[tilespmem:$0x1F780] =	vst v63  }
0xc0: {  	s6 =	stileid.u32;
	s7 =	sshrl.u32 s5, $0x3;
	_ =	swait.ge [sflag:s26], $0x2000  }
0xc1: {  	s8 =	simm.s32 $0x10;
	s1 =	sadd.s32 $0x1, s1;
	[sflag:s26] =	ssyncset.done $0x0  }
0xc2: {  	s6 =	sshll.u32 s6, $0x6;
	p0 =	sne.s32 s1, s21;
	[sflag:s26] =	ssyncadd.s32 $0xFFFFE000  }
.Ltmp2:
0xc3: {  	s6 =	sor.u32 $0x1C02, s6;
	[bflag:$0x0] =	sbarrier.arrive $0xFFFF;
	(pc) =	sbr.rel @p0 .LBB2_1-.Ltmp2, $4  }
0xc4: {  	[hbm:s20@s8], [sflag:s6] =	dma.strided [spmem:s7@s9], $0x3AA0, s31, $0x8   }
0xc5: {  	_ =	swait.ge [sflag:s26], $0x3AA0  }
0xc6: {  	[sflag:s26] =	ssyncset.done $0x0  }
0xc7: {  	[sflag:s26] =	ssyncadd.s32 $0xFFFFC560  }
0xc8: {  	_ =	sfence.sel $0x180000  }
0xc9: {  	[bflag:$0x0] =	sbarrier.arrive $0xFFFF  }
0xca: {  	_ =	strace $0x9000004D  }
0xcb: {  	s0 =	stileid.u32;
	[bflag:$0x2] =	sbarrier.arrive $0xFFFF  }
0xcc: {  	p0 =	sne.s32 s0, $0x0;
	s0 =	rddreg [dreg:$0x3]  }
0xcd: {  	s0 =	sadd.s32 @!p0 $0x100000, s0  }
0xce: {  	[sflag:s0] =	ssyncadd.tile.s32 @!p0 $0x1;
	_ =	shalt  }
.Lfunc_end2:
_tile_overlayer_lowered:
.L_overlay_start_2:
0xcf: {  	(tag) =	ssettag $0x2  }
0xd0: {  	s0 =	rddreg [dreg:$0x0];
	s2 =	stileid.u32  }
0xd1: {  	s1 =	rddreg [dreg:$0x1];
	p0 =	sne.s32 s2, $0x0  }
0xd2: {  	s3 =	rddreg [dreg:$0x2];
	[bflag:$0x3] =	sbarrier.arrive $0xFFFF;
	s2 =	simm.s32 @!p0 $0x1C02  }
0xd3: {  	[timem:s3], [sflag:s2] =	dma.local @!p0 [hbm:s0], s1  }
0xd4: {  	s0 =	simm.s32 @!p0 $0x2  }
0xd5: {  	_ =	swait.ge @!p0 [sflag:s0], s1  }
0xd6: {  	s1 =	ssub.s32 @!p0 $0x0, s1;
	[sflag:s0] =	ssyncset.done @!p0 $0x0  }
0xd7: {  	[sflag:s0] =	ssyncadd.s32 @!p0 s1  }
0xd8: {  	[bflag:$0x3] =	sbarrier.arrive $0xFFFF  }
0xd9: {  	_ =	shalt  }

// kernel: kernel.7.cloned.1.call-start
scs
__scs_entry_jumppad:
0x0: {  	(pc) =	sbr.rel $0x88, $3  }
0x1: {  	(tag) =	ssettag $0x0;
	lr =	simm.s32 $0x1  }
0x2: {  	[smem:$0x3F92] =	sst lr;
	_ =	strace $0xD0000000  }
0x3: {  	_ = 	snop  }
0x4: {  	_ = 	snop  }
0x5: {  	_ = 	snop  }
0x6: {  	_ = 	snop  }
0x7: {  	_ = 	snop  }
__scs_overlays_trampoline_lowered:
0x8: {  	[smem:$0x3FA1] =	sst s0  }
0x9: {  	[smem:$0x3FA2] =	sst s1  }
0xa: {  	[smem:$0x3FA3] =	sst s2  }
0xb: {  	[smem:$0x3FA4] =	sst s3  }
0xc: {  	[smem:$0x3FA5] =	sst s4  }
0xd: {  	[smem:$0x3FA6] =	sst s5  }
0xe: {  	[smem:$0x3FA7] =	sst s6  }
0xf: {  	[smem:$0x3FA8] =	sst s7  }
0x10: {  	[smem:$0x3FA9] =	sst s8  }
0x11: {  	[smem:$0x3FAA] =	sst s9;
	s0 =	simm.s32 @!p0 $0x0  }
0x12: {  	s1 =	sld [smem:$0x3F90];
	s0 =	simm.s32 @p0 $0x1  }
0x13: {  	[smem:$0x3FAB] =	sst s0;
	s0 =	simm.s32 @!p1 $0x0  }
0x14: {  	s2 =	sld [smem:$0x3F8F];
	s0 =	simm.s32 @p1 $0x1  }
0x15: {  	[smem:$0x3FAC] =	sst s0;
	s0 =	simm.s32 @!p2 $0x0  }
0x16: {  	s3 =	sld [smem:$0x3FDB];
	s0 =	simm.s32 @p2 $0x1  }
0x17: {  	s4 =	simm.s32 $0x1BF5;
	[smem:$0x3FAE] =	sst s0  }
0x18: {  	s0 =	sld [smem:$0x3F91];
	_ =	swait.ge [sflag:s4], $0x0  }
0x19: {  	s7 =	sld [smem:$0x3F92]  }
0x1a: {  	s8 =	sadd.s32 $0xFFFFE003, lr  }
0x1b: {  	s9 =	sadd.s32 $0xFFFFFEF7, lr;
	s5 =	simm.s32 $0xFFFFFFFF;
	p2 =	slt.u32 s8, $0xFFFFF086  }
0x1c: {  	p1 =	slt.u32 s9, $0xF7A;
	s5 =	simm.s32 @!p2 $0x0  }
0x1d: {  	s5 =	simm.s32 @p1 $0x1;
	p0 =	seq.s32 s7, s2  }
0x1e: {  	s7 =	smul.u32 @!p0 $0xF7A, s2;
	p2 =	seq.s32 @!p0 s5, $0x0  }
0x1f: {  	s9 =	smul.u32 $0xF7A, s1;
	s8 =	simm.s32 @!p0 $0x1BF5;
	p2 =	por !p2, p0  }
0x20: {  	[sflag:s8] =	ssyncset.s32 @!p0 $0xFFFFF086;
	s6 =	sadd.s32 @!p0 s3, s7;
	s7 =	simm.s32 @!p0 $0x108  }
0x21: {  	s3 =	sadd.s32 s3, s9;
	s6 =	sadd.s32 @!p0 $0x88, s6;
	s7 =	simm.s32 @p2 $0x1082  }
0x22: {  	[simem:s7], [sflag:s8] =	dma.local @!p0 [hbm:s6], $0xF7A  }
0x23: {  	s9 =	sor.u32 $0xD0000000, s2;
	s6 =	simm.s32 $0x108;
	_ =	swait.ge @!p0 [sflag:s8], $0x0  }
0x24: {  	s3 =	sadd.s32 $0x88, s3;
	s6 =	simm.s32 @!p1 $0x1082;
	[sflag:s4] =	ssyncset.s32 $0xFFFFF086  }
0x25: {  	[simem:s6], [sflag:s4] =	dma.local [hbm:s3], $0xF7A  }
0x26: {  	[smem:$0x3F92] =	sst s1;
	(tag) =	ssettag s2;
	_ =	strace s9  }
0x27: {  	s1 =	sld [smem:$0x3FA2]  }
0x28: {  	s2 =	sld [smem:$0x3FA3]  }
0x29: {  	s4 =	sld [smem:$0x3FA5]  }
0x2a: {  	p0 =	seq.s32 s5, $0x0;
	s5 =	sld [smem:$0x3FA6]  }
0x2b: {  	s6 =	sld [smem:$0x3FA7]  }
0x2c: {  	s7 =	sld [smem:$0x3FA8]  }
0x2d: {  	s3 =	simm.s32 $0x108;
	s8 =	sld [smem:$0x3FA9]  }
0x2e: {  	s3 =	simm.s32 @!p0 $0x1082;
	s9 =	sld [smem:$0x3FAA]  }
0x2f: {  	lr =	sadd.s32 s0, s3;
	s0 =	sld [smem:$0x3FA1]  }
0x30: {  	s3 =	sld [smem:$0x3FA4]  }
0x31: {  	[smem:$0x3FAD] =	sst s10  }
0x32: {  	s10 =	sld [smem:$0x3FAB];
	_ =	sdelay $0x3  }
0x33: {  	p0 =	seq.s32 s10, $0x1;
	s10 =	sld [smem:$0x3FAD];
	_ =	sdelay $0x3  }
0x34: {  	[smem:$0x3FAD] =	sst s10  }
0x35: {  	s10 =	sld [smem:$0x3FAC];
	_ =	sdelay $0x3  }
0x36: {  	p1 =	seq.s32 s10, $0x1;
	s10 =	sld [smem:$0x3FAD];
	_ =	sdelay $0x3  }
0x37: {  	[smem:$0x3FAD] =	sst s10  }
0x38: {  	s10 =	sld [smem:$0x3FAE]  }
0x39: {  	_ = 	snop;
	(pc) =	sbr.ind lr, $3  }
0x3a: {  	_ = 	snop  }
0x3b: {  	_ = 	snop  }
0x3c: {  	p2 =	seq.s32 s10, $0x1;
	s10 =	sld [smem:$0x3FAD]  }
0x3d: {  	_ =	shalt  }
0x3e: {  	_ =	shalt  }
0x3f: {  	_ =	shalt  }
0x40: {  	_ =	shalt  }
0x41: {  	_ =	shalt  }
0x42: {  	_ =	shalt  }
0x43: {  	_ =	shalt  }
0x44: {  	_ =	shalt  }
0x45: {  	_ =	shalt  }
0x46: {  	_ =	shalt  }
0x47: {  	_ =	shalt  }
0x48: {  	_ =	shalt  }
0x49: {  	_ =	shalt  }
0x4a: {  	_ =	shalt  }
0x4b: {  	_ =	shalt  }
0x4c: {  	_ =	shalt  }
0x4d: {  	_ =	shalt  }
0x4e: {  	_ =	shalt  }
0x4f: {  	_ =	shalt  }
0x50: {  	_ =	shalt  }
0x51: {  	_ =	shalt  }
0x52: {  	_ =	shalt  }
0x53: {  	_ =	shalt  }
0x54: {  	_ =	shalt  }
0x55: {  	_ =	shalt  }
0x56: {  	_ =	shalt  }
0x57: {  	_ =	shalt  }
0x58: {  	_ =	shalt  }
0x59: {  	_ =	shalt  }
0x5a: {  	_ =	shalt  }
0x5b: {  	_ =	shalt  }
0x5c: {  	_ =	shalt  }
0x5d: {  	_ =	shalt  }
0x5e: {  	_ =	shalt  }
0x5f: {  	_ =	shalt  }
0x60: {  	_ =	shalt  }
0x61: {  	_ =	shalt  }
0x62: {  	_ =	shalt  }
0x63: {  	_ =	shalt  }
0x64: {  	_ =	shalt  }
0x65: {  	_ =	shalt  }
0x66: {  	_ =	shalt  }
0x67: {  	_ =	shalt  }
0x68: {  	_ =	shalt  }
0x69: {  	_ =	shalt  }
0x6a: {  	_ =	shalt  }
0x6b: {  	_ =	shalt  }
0x6c: {  	_ =	shalt  }
0x6d: {  	_ =	shalt  }
0x6e: {  	_ =	shalt  }
0x6f: {  	_ =	shalt  }
0x70: {  	_ =	shalt  }
0x71: {  	_ =	shalt  }
0x72: {  	_ =	shalt  }
0x73: {  	_ =	shalt  }
0x74: {  	_ =	shalt  }
0x75: {  	_ =	shalt  }
0x76: {  	_ =	shalt  }
0x77: {  	_ =	shalt  }
0x78: {  	_ =	shalt  }
0x79: {  	_ =	shalt  }
0x7a: {  	_ =	shalt  }
0x7b: {  	_ =	shalt  }
0x7c: {  	_ =	shalt  }
0x7d: {  	_ =	shalt  }
0x7e: {  	_ =	shalt  }
0x7f: {  	_ =	shalt  }
0x80: {  	_ =	shalt  }
0x81: {  	_ =	shalt  }
0x82: {  	_ =	shalt  }
0x83: {  	_ =	shalt  }
0x84: {  	_ =	shalt  }
0x85: {  	_ =	shalt  }
0x86: {  	_ =	shalt  }
0x87: {  	_ =	shalt  }
.Lfunc_end0:
.L_simem_size_0:
called_computation_lowered:
.L_overlay_start_0:
0x88: {  	s2 =	sld [smem:$0x3FD9]  }
0x89: {  	s3 =	sld [smem:$0x3FFE];
	_ =	sdelay $0x1  }
0x8a: {  	s1 =	srdreg.scid  }
0x8b: {  	s0 =	sand.u32 $0x1, s1  }
0x8c: {  	s17 =	sshll.u32 s0, $0xA;
	s2 =	sadd.s32 s3, s2  }
0x8d: {  	s2 =	sadd.s32 s2, s17  }
0x8e: {  	[smem:$0x3FB9] =	sst s2  }
0x8f: {  	_ = 	snop  }
0x90: {  	s2 =	sld [smem:$0x3FD0];
	(tm) =	ssettm $0x1  }
0x91: {  	s18 =	sld [smem:$0x3FFB];
	_ =	sdelay $0x3  }
0x92: {  	_ =	strace s18  }
0x93: {  	s3 =	sld [smem:$0x3FFC];
	_ =	sdelay $0x3  }
0x94: {  	_ =	strace s3  }
0x95: {  	s3 =	sld [smem:$0x3FFD];
	_ =	sdelay $0x3  }
0x96: {  	_ =	strace s3  }
0x97: {  	_ =	strace $0x8FFFFFFF  }
0x98: {  	s19 =	sld [smem:$0x3FDB];
	_ =	sdelay $0x1  }
0x99: {  	s4 =	simm.s32 $_scs_section_size  }
0x9a: {  	s5 =	simm.s32 $_size__tile_overlayer_lowered;
	s6 =	simm.s32 $_tile_overlayer_lowered  }
0x9b: {  	s22 =	simm.s32 $0x1BFF;
	s21 =	sshll.u32 s6, $0x1;
	s3 =	sadd.s32 s4, s19  }
0x9c: {  	s7 =	simm.s32 $0x0;
	s20 =	sshll.u32 s5, $0x1;
	s5 =	sadd.s32 s21, s3  }
0x9d: {  	[timem:s7], [sflag:s22] =	dma.local [hbm:s5], s20  }
0x9e: {  	_ =	swait.ge [sflag:s22], s20  }
0x9f: {  	s4 =	ssub.s32 $0x0, s20;
	[sflag:s22] =	ssyncset.done $0x0  }
0xa0: {  	[sflag:s22] =	ssyncadd.s32 s4;
	_ =	sdelay $0x1  }
0xa1: {  	s23 =	simm.s32 $0x1B8B  }
0xa2: {  	_ =	swait.ge [sflag:s23], $0x1  }
0xa3: {  	[sflag:s23] =	ssyncset.done $0x0  }
0xa4: {  	s25 =	simm.s32 $0x1B8E;
	s24 =	sld [smem:$0x3FFE];
	[sflag:s23] =	ssyncadd.s32 $0xFFFFFFFF  }
0xa5: {  	s26 =	simm.s32 $execute0_lowered;
	[smem:$0x3FD2] =	sst s25  }
0xa6: {  	s5 =	sshll.u32 s26, $0x1;
	_ =	strace $0x80000046;
	[dreg:$0x1] =	wrdreg $0xFFFFFFFF  }
0xa7: {  	s28 =	simm.s32 $_size_execute0_lowered;
	s3 =	sadd.s32 s3, s5;
	[dreg:$0x0] =	wrdreg $0x0  }
0xa8: {  	s5 =	sshll.u32 s28, $0x1;
	[dreg:$0x2] =	wrdreg s3  }
0xa9: {  	[dreg:$0x3] =	wrdreg s5  }
0xaa: {  	[dreg:$0x4] =	wrdreg $0xC0  }
0xab: {  	_ =	task [dreg:s7], $0x5FFFF  }
0xac: {  	[dreg:$0x1] =	wrdreg $0xFFFFFFFF  }
0xad: {  	[dreg:$0x0] =	wrdreg $0x60  }
0xae: {  	[dreg:$0x2] =	wrdreg s24  }
0xaf: {  	[dreg:$0x3] =	wrdreg s2  }
0xb0: {  	[dreg:$0x4] =	wrdreg $0x13E00  }
0xb1: {  	[dreg:$0x5] =	wrdreg $0x9  }
0xb2: {  	_ =	task.clear_ibuf [dreg:s7], $0x6FFFF;
	_ =	strace $0x90000046  }
0xb3: {  	s29 =	simm.s32 $0x9;
	_ =	strace $0x80000048  }
0xb4: {  	_ =	swait.ge [sflag:s29], $0x1  }
0xb5: {  	[sflag:s29] =	ssyncadd.s32 $0xFFFFFFFF  }
0xb6: {  	_ =	strace $0x90000048  }
0xb7: {  	_ =	sfence  }
0xb8: {  	s30 =	sld [smem:$0x0];
	_ =	sdelay $0x2  }
0xb9: {  	s31 =	sshll.u32 s1, $0xD;
	s1 =	sshrl.u32 s1, $0x2  }
0xba: {  	s3 =	sand.u32 $0x4000, s31;
	s1 =	sadd.s32 s1, s30  }
0xbb: {  	s0 =	sor.u32 s3, s0;
	s1 =	sshll.u32 s1, $0x11  }
0xbc: {  	s0 =	sor.u32 s1, s0  }
0xbd: {  	s0 =	sadd.s32 $0x8F2B, s0  }
0xbe: {  	[sflag:s0] =	ssyncadd.remote.s32 $0x1  }
0xbf: {  	_ =	sfence.sel $0xFFFF  }
0xc0: {  	[dreg:$0x0] =	wrdreg $0xFFFFFFFF;
	(pc) =	sbr.abs _section_cstart, $3  }
0xc1: {  	[dreg:$0x1] =	wrdreg $0xFFFFFFFF  }
0xc2: {  	_ =	task.clear_ibuf [dreg:s7], $0x2FFFF;
	_ =	strace $0x9FFFFFFF  }
0xc3: {  	(tm) =	ssettm $0x7FFFFFFF  }
tec
execute0_lowered:
.L_overlay_start_1:
0x0: {  	(tag) =	ssettag $0x1  }
0x1: {  	s5 =	rddreg [dreg:$0x0]  }
0x2: {  	s10 =	rddreg [dreg:$0x1]  }
0x3: {  	s1 =	rddreg [dreg:$0x2];
	s3 =	srdreg.scid  }
0x4: {  	s2 =	simm.s32 $0x0;
	s12 =	simm.s32 $0xC80;
	s13 =	simm.s32 $0x1  }
0x5: {  	s15 =	simm.s32 $0x80;
	s16 =	simm.s32 $0x800;
	s17 =	simm.s32 $0xC00  }
0x6: {  	s18 =	simm.s32 $0x880;
	s19 =	simm.s32 $0x900;
	s20 =	simm.s32 $0x980  }
0x7: {  	s21 =	simm.s32 $0xA00;
	s22 =	simm.s32 $0xA80;
	s23 =	simm.s32 $0xB00  }
0x8: {  	s24 =	simm.s32 $0xB80;
	s14 =	sand.u32 $0x1, s3;
	[smem:$0x7FF] =	sst s2  }
0x9: {  	s3 =	stileid.u32;
	s4 =	sadd.s32 $0xD000, s5;
	s5 =	sadd.s32 $0x3000, s5  }
0xa: {  	s6 =	ssub.s32 $0x2, s14;
	_ =	strace $0x80000047;
	s8 =	smul.u32 $0x750, s3  }
.Ltmp0:
0xb: {  	s25 =	sor.u32 s3, s14;
	p0 =	sne.s32 s3, $0x0;
	(pc) =	sbr.rel .LBB2_1-.Ltmp0, $4  }
0xc: {  	p1 =	sne.s32 s14, $0x0;
	s14 =	simm.s32 $0x400;
	s7 =	sshrl.u32 s6, $0x1  }
0xd: {  	p2 =	sne.s32 s25, $0x0;
	s11 =	ssub.s32 s6, s7;
	s6 =	sadd.s32 s8, s1  }
0xe: {  	s7 =	sadd.s32 $0x7500, s1;
	s9 =	sshrl.u32 s8, $0x3;
	s8 =	smul.u32 $0x5000, s3  }
0xf: {  	v0 =	vimm.f32 $1.000000000e+00;
	v1 =	vimm.f32 $0.0e+00;
	s9 =	sadd.s32 s10, s9;
	s10 =	sadd.s32 $0xEA0, s10;
	s11 =	smax.u32 s11, $0x1  }
.LBB2_8:
0x10: {  	[bflag:$0x0] =	sbarrier.arrive $0xFFFF  }
.LBB2_9:
0x11: {  	s0 =	sshll.u32 @!p2 s3, $0x6;
	s2 =	sadd.s32 $0x1, s2  }
0x12: {  	s25 =	sshrl.u32 @!p2 s7, $0x3;
	s0 =	sor.u32 @!p2 $0x1C01, s0;
	p3 =	sne.s32 s2, s11  }
0x13: {  	[hbm:s10], [sflag:s0] =	dma.local @!p2 [spmem:s25], $0x8  }
.Ltmp1:
0x14: {  	_ = 	snop;
	(pc) =	sbr.rel @!p3 .LBB2_10-.Ltmp1, $4  }
0x15: {  	s0 =	simm.s32 @!p2 $0x1  }
0x16: {  	_ =	swait.ge @!p2 [sflag:s0], $0x8  }
0x17: {  	[sflag:s0] =	ssyncset.done @!p2 $0x0  }
0x18: {  	[sflag:s0] =	ssyncadd.s32 @!p2 $0xFFFFFFF8  }
.LBB2_1:
0x19: {  	[tilespmem:$0xC00] =	vst v0  }
0x1a: {  	[tilespmem:$0xC10] =	vst v0  }
0x1b: {  	[tilespmem:$0xC20] =	vst v0  }
0x1c: {  	[tilespmem:$0xC30] =	vst v0  }
0x1d: {  	[tilespmem:$0xC40] =	vst v0  }
0x1e: {  	[tilespmem:$0xC50] =	vst v0  }
0x1f: {  	[tilespmem:$0xC60] =	vst v0  }
0x20: {  	[tilespmem:$0xC70] =	vst v0;
	s25 =	simm.s32 $0x40;
	s26 =	simm.s32 $0x0  }
.LBB2_2:
0x21: {  	p3 =	sne.s32 s25, $0x1D40;
	[tilespmem:s26+$0xC80] =	vst v1;
	s26 =	smov.u32 s25;
	s25 =	sadd.s32 $0x40, s25  }
.Ltmp2:
0x22: {  	(pc) =	sbr.rel @p3 .LBB2_2-.Ltmp2, $2  }
0x23: {  	_ =	sdelay $0x2  }
0x24: {  	s26 =	sshra.s32 s26, $0x2  }
0x25: {  	[tilespmem:s26+$0xC80] =	vst v1  }
0x26: {  	[spmem:s6] =	stream.linear.scatter [tilespmem:s12], [sflag:$0x1], $0x750, $0x38;
	[tilespmem:$0x1B38] =	vst v63  }
0x27: {  	_ =	swait.ge [sflag:s13], $0x750  }
0x28: {  	[sflag:s13] =	ssyncset.done $0x0  }
0x29: {  	s25 =	simm.s32 @!p0 $0xC80;
	[sflag:s13] =	ssyncadd.s32 $0xFFFFF8B0  }
0x2a: {  	[spmem:s7] =	stream.linear.scatter @!p0 [tilespmem:s25], [sflag:$0x1], $0x40, $0x38;
	[tilespmem:$0x1B38] =	vst v63  }
0x2b: {  	s25 =	simm.s32 @!p0 $0x1  }
.Ltmp3:
0x2c: {  	_ =	swait.ge @!p0 [sflag:s25], $0x40;
	(pc) =	sbr.rel @p1 .LBB2_8-.Ltmp3, $4  }
0x2d: {  	[sflag:s25] =	ssyncset.done @!p0 $0x0  }
0x2e: {  	[sflag:s25] =	ssyncadd.s32 @!p0 $0xFFFFFFC0  }
0x2f: {  	[bflag:$0x0] =	sbarrier.arrive $0xFFFF  }
0x30: {  	s26 =	simm.s32 $0x0;
	s25 =	simm.s32 $0x0  }
.LBB2_4:
0x31: {  	s28 =	sshll.u32 s26, $0xA  }
0x32: {  	s28 =	sadd.s32 s8, s28  }
0x33: {  	s28 =	sshrl.u32 s28, $0x3  }
0x34: {  	s29 =	sadd.s32 s4, s28  }
0x35: {  	[tilespmem:s25], [sflag:$0x1] =	stream.linear.gather [hbm4b:s29+s25], $0x400, $0x38;
	[tilespmem:$0x1B38] =	vst v63  }
0x36: {  	_ =	swait.ge [sflag:s13], $0x400  }
0x37: {  	[sflag:s13] =	ssyncset.done $0x0  }
0x38: {  	s28 =	sadd.s32 s5, s28;
	[sflag:s13] =	ssyncadd.s32 $0xFFFFFC00  }
0x39: {  	[tilespmem:s14], [sflag:$0x1] =	stream.linear.gather [hbm4b:s28+s25], $0x400, $0x38;
	[tilespmem:$0x1B38] =	vst v63  }
0x3a: {  	_ =	swait.ge [sflag:s13], $0x400  }
0x3b: {  	[sflag:s13] =	ssyncset.done $0x0  }
0x3c: {  	s28 =	simm.s32 $0x0;
	[sflag:s13] =	ssyncadd.s32 $0xFFFFFC00  }
0x3d: {  	v2 =	vld [tilespmem:s28+$0x400];
	_ =	sdelay $0x1  }
0x3e: {  	v3 =	vld [tilespmem:s28+$0x0];
	_ =	sdelay $0x2  }
0x3f: {  	s28 =	sand.u32 $0xE00, s25;
	v2 =	vmul.u32 $0x2710, v2  }
0x40: {  	s29 =	sand.u32 $0x70, s25;
	s30 =	sshrl.u32 s28, $0x2  }
0x41: {  	s31 =	simm.s32 $0x10;
	s29 =	sor.u32 s29, s30;
	v2 =	vadd.s32 v3, v2  }
0x42: {  	s28 =	simm.s32 $0x40;
	s30 =	simm.s32 $0x80;
	[tilespmem:s29+$0x800] =	vst v2;
	s29 =	simm.s32 $0x0  }
.LBB2_5:
0x43: {  	p3 =	sne.s32 s30, $0xFC0;
	v2 =	vld [tilespmem:s31+$0x400];
	_ =	sdelay $0x1  }
0x44: {  	v3 =	vld [tilespmem:s31+$0x0];
	_ =	sdelay $0x1  }
.Ltmp4:
0x45: {  	(pc) =	sbr.rel @p3 .LBB2_5-.Ltmp4, $4  }
0x46: {  	s29 =	sadd.s32 $0x10, s29;
	s31 =	sand.u32 $0xE00, s28;
	s28 =	smov.u32 s30;
	v2 =	vmul.u32 $0x2710, v2  }
0x47: {  	s0 =	sand.u32 $0x70, s29;
	s31 =	sshrl.u32 s31, $0x2  }
0x48: {  	s0 =	sor.u32 s0, s31;
	v2 =	vadd.s32 v3, v2  }
0x49: {  	s30 =	sadd.s32 $0x40, s30;
	s31 =	sshra.s32 s28, $0x2;
	[tilespmem:s0+$0x800] =	vst v2  }
0x4a: {  	v2 =	vld [tilespmem:s31+$0x400];
	_ =	sdelay $0x1  }
0x4b: {  	v3 =	vld [tilespmem:s31+$0x0];
	_ =	sdelay $0x2  }
0x4c: {  	s0 =	sand.u32 $0xE00, s28;
	s31 =	sadd.s32 $0x10, s29;
	v2 =	vmul.u32 $0x2710, v2  }
0x4d: {  	s28 =	sand.u32 $0x70, s31;
	s0 =	sshrl.u32 s0, $0x2  }
0x4e: {  	s0 =	sor.u32 s28, s0;
	v2 =	vadd.s32 v3, v2  }
0x4f: {  	[tilespmem:s0+$0x800] =	vst v2  }
0x50: {  	[spmem:s1] =	stream.indirect.scatter.add.f32 [tilespmem:s17], [sflag:$0x1], $0x1, s16, s15, $0xb8;
	[tilespmem:$0x1B38] =	vst v63  }
0x51: {  	_ =	swait.ge [sflag:s13], $0x80  }
0x52: {  	[sflag:s13] =	ssyncset.done $0x0  }
0x53: {  	[sflag:s13] =	ssyncadd.s32 $0xFFFFFF80  }
0x54: {  	[spmem:s1] =	stream.indirect.scatter.add.f32 [tilespmem:s17], [sflag:$0x1], $0x1, s18, s15, $0xb8;
	[tilespmem:$0x1B38] =	vst v63  }
0x55: {  	_ =	swait.ge [sflag:s13], $0x80  }
0x56: {  	[sflag:s13] =	ssyncset.done $0x0  }
0x57: {  	[sflag:s13] =	ssyncadd.s32 $0xFFFFFF80  }
0x58: {  	[spmem:s1] =	stream.indirect.scatter.add.f32 [tilespmem:s17], [sflag:$0x1], $0x1, s19, s15, $0xb8;
	[tilespmem:$0x1B38] =	vst v63  }
0x59: {  	_ =	swait.ge [sflag:s13], $0x80  }
0x5a: {  	[sflag:s13] =	ssyncset.done $0x0  }
0x5b: {  	[sflag:s13] =	ssyncadd.s32 $0xFFFFFF80  }
0x5c: {  	[spmem:s1] =	stream.indirect.scatter.add.f32 [tilespmem:s17], [sflag:$0x1], $0x1, s20, s15, $0xb8;
	[tilespmem:$0x1B38] =	vst v63  }
0x5d: {  	_ =	swait.ge [sflag:s13], $0x80  }
0x5e: {  	[sflag:s13] =	ssyncset.done $0x0  }
0x5f: {  	[sflag:s13] =	ssyncadd.s32 $0xFFFFFF80  }
0x60: {  	[spmem:s1] =	stream.indirect.scatter.add.f32 [tilespmem:s17], [sflag:$0x1], $0x1, s21, s15, $0xb8;
	[tilespmem:$0x1B38] =	vst v63  }
0x61: {  	_ =	swait.ge [sflag:s13], $0x80  }
0x62: {  	[sflag:s13] =	ssyncset.done $0x0  }
0x63: {  	[sflag:s13] =	ssyncadd.s32 $0xFFFFFF80  }
0x64: {  	[spmem:s1] =	stream.indirect.scatter.add.f32 [tilespmem:s17], [sflag:$0x1], $0x1, s22, s15, $0xb8;
	[tilespmem:$0x1B38] =	vst v63  }
0x65: {  	_ =	swait.ge [sflag:s13], $0x80  }
0x66: {  	[sflag:s13] =	ssyncset.done $0x0  }
0x67: {  	[sflag:s13] =	ssyncadd.s32 $0xFFFFFF80  }
0x68: {  	[spmem:s1] =	stream.indirect.scatter.add.f32 [tilespmem:s17], [sflag:$0x1], $0x1, s23, s15, $0xb8;
	[tilespmem:$0x1B38] =	vst v63  }
0x69: {  	s26 =	sadd.s32 $0x1, s26;
	_ =	swait.ge [sflag:s13], $0x80  }
0x6a: {  	p3 =	sne.s32 s26, $0x14;
	[sflag:s13] =	ssyncset.done $0x0  }
.Ltmp5:
0x6b: {  	[sflag:s13] =	ssyncadd.s32 $0xFFFFFF80;
	(pc) =	sbr.rel @p3 .LBB2_4-.Ltmp5, $4  }
0x6c: {  	[spmem:s1] =	stream.indirect.scatter.add.f32 [tilespmem:s17], [sflag:$0x1], $0x1, s24, s15, $0xb8;
	[tilespmem:$0x1B38] =	vst v63  }
0x6d: {  	_ =	swait.ge [sflag:s13], $0x80  }
0x6e: {  	[sflag:s13] =	ssyncset.done $0x0  }
0x6f: {  	[sflag:s13] =	ssyncadd.s32 $0xFFFFFF80  }
0x70: {  	s0 =	sshll.u32 s3, $0x6;
	[bflag:$0x0] =	sbarrier.arrive $0xFFFF  }
.Ltmp6:
0x71: {  	s25 =	sshrl.u32 s6, $0x3;
	s0 =	sor.u32 $0x1C01, s0;
	(pc) =	sbr.rel .LBB2_9-.Ltmp6, $4  }
0x72: {  	[hbm:s9], [sflag:s0] =	dma.local [spmem:s25], $0xEA  }
0x73: {  	_ =	swait.ge [sflag:s13], $0xEA  }
0x74: {  	[sflag:s13] =	ssyncset.done $0x0  }
0x75: {  	[sflag:s13] =	ssyncadd.s32 $0xFFFFFF16  }
.LBB2_10:
0x76: {  	_ =	sfence.sel $0x180000  }
0x77: {  	[bflag:$0x0] =	sbarrier.arrive $0xFFFF  }
0x78: {  	_ =	strace $0x90000047  }
0x79: {  	[bflag:$0x2] =	sbarrier.arrive $0xFFFF  }
0x7a: {  	s0 =	rddreg [dreg:$0x3]  }
0x7b: {  	s0 =	sadd.s32 @!p0 $0x100000, s0  }
0x7c: {  	[sflag:s0] =	ssyncadd.tile.s32 @!p0 $0x1;
	_ =	shalt  }
.Lfunc_end2:
_tile_overlayer_lowered:
.L_overlay_start_2:
0x7d: {  	(tag) =	ssettag $0x2  }
0x7e: {  	s0 =	rddreg [dreg:$0x0];
	s2 =	stileid.u32  }
0x7f: {  	s1 =	rddreg [dreg:$0x1];
	p0 =	sne.s32 s2, $0x0  }
0x80: {  	s3 =	rddreg [dreg:$0x2];
	[bflag:$0x3] =	sbarrier.arrive $0xFFFF;
	s2 =	simm.s32 @!p0 $0x1C01  }
0x81: {  	[timem:s3], [sflag:s2] =	dma.local @!p0 [hbm:s0], s1  }
0x82: {  	s0 =	simm.s32 @!p0 $0x1  }
0x83: {  	_ =	swait.ge @!p0 [sflag:s0], s1  }
0x84: {  	s1 =	ssub.s32 @!p0 $0x0, s1;
	[sflag:s0] =	ssyncset.done @!p0 $0x0  }
0x85: {  	[sflag:s0] =	ssyncadd.s32 @!p0 s1  }
0x86: {  	[bflag:$0x3] =	sbarrier.arrive $0xFFFF  }
0x87: {  	_ =	shalt  }

</sc_bundles>
